<compile_context>
chip_gen: v7x
topology: tpu7x:2x2x1
jax: 0.10.2.dev20260603
libtpu: 0.0.44.dev20260713+nightly
codegen_flags: <defaults>
</compile_context>

<pallas_src>
import functools

import jax
import jax.numpy as jnp
from jax import lax
from jax.experimental import pallas as pl
from jax.experimental.pallas import tpu as pltpu
from jax.experimental.pallas import tpu_sc as plsc

_N = 10000
_E = 320000
_HID = 128
_LAT = 64

_NC = 2
_NS = 16
_NW = _NC * _NS

_RPT = 640
_NP = _NS * _RPT
_CHUNK = 128
_PW_CHUNKS = 80
_PW = _PW_CHUNKS * _CHUNK
_EP = _NW * _PW
_EROWS = _EP // _CHUNK

_mesh = plsc.VectorSubcoreMesh(
    core_axis_name="c", subcore_axis_name="s", num_cores=_NC, num_subcores=_NS
)


def _sc_deg_body(dst_hbm, zeros1_hbm, out_hbm, idx2_v, ones_v, acc_sh):
    c = lax.axis_index("c")
    s = lax.axis_index("s")
    w = s * _NC + c
    r0 = s * _RPT
    pltpu.sync_copy(zeros1_hbm.at[pl.ds(r0, _RPT)], acc_sh.at[pl.ds(r0, _RPT)])
    for i in range(_CHUNK // 16):
        ones_v[pl.ds(i * 16, 16)] = jnp.ones((16,), jnp.float32)
    pltpu.sync_copy(dst_hbm.at[pl.ds(w * _PW_CHUNKS, _PW_CHUNKS)], idx2_v)
    plsc.subcore_barrier()

    def body(k, carry):
        pltpu.sync_copy(ones_v, acc_sh.at[idx2_v.at[k]], add=True)
        return carry

    lax.fori_loop(0, _PW_CHUNKS, body, 0)
    plsc.subcore_barrier()
    pltpu.sync_copy(acc_sh.at[pl.ds(r0, _RPT)], out_hbm.at[c, pl.ds(r0, _RPT)])


_sc_deg = functools.partial(
    pl.kernel,
    out_type=jax.ShapeDtypeStruct((_NC, _NP), jnp.float32),
    mesh=_mesh,
    scratch_types=[
        pltpu.VMEM((_PW_CHUNKS, _CHUNK), jnp.int32),
        pltpu.VMEM((_CHUNK,), jnp.float32),
        pltpu.VMEM_SHARED((_NP,), jnp.float32),
    ],
)(_sc_deg_body)


def _sc_agg_body(table_hbm, src_hbm, dst_hbm, zeros2_hbm, out_hbm,
                 srcb_v, dstb_v, rows0_v, rows1_v, acc_sh,
                 gsem0, gsem1, ssem0, ssem1, lsem0, lsem1):
    c = lax.axis_index("c")
    s = lax.axis_index("s")
    w = s * _NC + c
    r0 = s * _RPT
    ebase = w * _PW_CHUNKS

    @pl.when(c == 0)
    def _():
        pltpu.sync_copy(table_hbm.at[pl.ds(r0, _RPT)], acc_sh.at[pl.ds(r0, _RPT)])

    @pl.when(c != 0)
    def _():
        pltpu.sync_copy(zeros2_hbm.at[pl.ds(r0, _RPT)], acc_sh.at[pl.ds(r0, _RPT)])

    rows = (rows0_v, rows1_v)
    gsems = (gsem0, gsem1)
    ssems = (ssem0, ssem1)
    lsems = (lsem0, lsem1)

    for b in (0, 1):
        pltpu.async_copy(src_hbm.at[pl.ds(ebase + b, 1)], srcb_v.at[pl.ds(b, 1)],
                         lsems[b])
        pltpu.async_copy(dst_hbm.at[pl.ds(ebase + b, 1)], dstb_v.at[pl.ds(b, 1)],
                         lsems[b])
    pltpu.make_async_copy(
        src_hbm.at[pl.ds(ebase, 1)], srcb_v.at[pl.ds(0, 1)], lsems[0]).wait()
    pltpu.make_async_copy(
        dst_hbm.at[pl.ds(ebase, 1)], dstb_v.at[pl.ds(0, 1)], lsems[0]).wait()
    pltpu.async_copy(table_hbm.at[srcb_v.at[0]], rows[0], gsems[0])
    plsc.subcore_barrier()

    def body(j2, carry):
        for p in (0, 1):
            for b in (0, 1):
                k = j2 * 4 + p * 2 + b
                slot = 2 * p + b
                nb = 1 - b
                nslot = (slot + 1) % 4

                pltpu.make_async_copy(
                    table_hbm.at[srcb_v.at[b]], rows[b], gsems[b]).wait()

                @pl.when((j2 > 0) | (p > 0) | (b > 0))
                def _():
                    pltpu.make_async_copy(
                        rows[nb], acc_sh.at[dstb_v.at[nslot]], ssems[nb]
                    ).wait()

                @pl.when(k + 1 < _PW_CHUNKS)
                def _():
                    pltpu.make_async_copy(
                        src_hbm.at[pl.ds(ebase, 1)], srcb_v.at[pl.ds(nb, 1)],
                        lsems[nb]).wait()
                    pltpu.make_async_copy(
                        dst_hbm.at[pl.ds(ebase, 1)],
                        dstb_v.at[pl.ds(nslot, 1)], lsems[nb]).wait()
                    pltpu.async_copy(table_hbm.at[srcb_v.at[nb]], rows[nb],
                                     gsems[nb])

                pltpu.async_copy(rows[b], acc_sh.at[dstb_v.at[slot]],
                                 ssems[b], add=True)

                @pl.when(k + 2 < _PW_CHUNKS)
                def _():
                    nrow = ebase + k + 2
                    pltpu.async_copy(src_hbm.at[pl.ds(nrow, 1)],
                                     srcb_v.at[pl.ds(b, 1)], lsems[b])
                    pltpu.async_copy(dst_hbm.at[pl.ds(nrow, 1)],
                                     dstb_v.at[pl.ds(2 * (1 - p) + b, 1)],
                                     lsems[b])
        return carry

    lax.fori_loop(0, _PW_CHUNKS // 4, body, 0)
    pltpu.make_async_copy(
        rows[1], acc_sh.at[dstb_v.at[3]], ssems[1]
    ).wait()
    plsc.subcore_barrier()
    pltpu.sync_copy(acc_sh.at[pl.ds(r0, _RPT)], out_hbm.at[c, pl.ds(r0, _RPT)])


_sc_agg = functools.partial(
    pl.kernel,
    out_type=jax.ShapeDtypeStruct((_NC, _NP, _HID), jnp.float32),
    mesh=_mesh,
    scratch_types=[
        pltpu.VMEM((2, _CHUNK), jnp.int32),
        pltpu.VMEM((4, _CHUNK), jnp.int32),
        pltpu.VMEM((_CHUNK, _HID), jnp.float32),
        pltpu.VMEM((_CHUNK, _HID), jnp.float32),
        pltpu.VMEM_SHARED((_NP, _HID), jnp.float32),
        pltpu.SemaphoreType.DMA,
        pltpu.SemaphoreType.DMA,
        pltpu.SemaphoreType.DMA,
        pltpu.SemaphoreType.DMA,
        pltpu.SemaphoreType.DMA,
        pltpu.SemaphoreType.DMA,
    ],
)(_sc_agg_body)


def _tc_matmul1_body(x_ref, w1_ref, y_ref):
    y_ref[...] = jnp.dot(x_ref[...], w1_ref[...],
                         preferred_element_type=jnp.float32)


def _tc_prep_body(y_ref, deg_ref, dinv_ref, ys_ref):
    d = deg_ref[...]
    deg = (d[0:1, :] + d[1:2, :] + 1.0).reshape(_NP, 1)
    dinv = lax.rsqrt(deg)
    dinv_ref[...] = dinv
    ys_ref[...] = y_ref[...] * dinv


def _tc_layer1_body(p_ref, dinv_ref, b1_ref, hs_ref):
    dinv = dinv_ref[...]
    h = (p_ref[0] + p_ref[1]) * dinv + b1_ref[...]
    h = jnp.where(h >= 0, h, 0.01 * h)
    hs_ref[...] = h * dinv


def _tc_layer2_body(q_ref, dinv_ref, wmu_ref, bmu_ref, wlv_ref,
                    blv_ref, mu_ref, lv_ref):
    agg = ((q_ref[0] + q_ref[1]) * dinv_ref[...])[:_N]
    mu_ref[...] = (
        jnp.dot(agg, wmu_ref[...], preferred_element_type=jnp.float32)
        + bmu_ref[...]
    )
    lv = (
        jnp.dot(agg, wlv_ref[...], preferred_element_type=jnp.float32)
        + blv_ref[...]
    )
    lv_ref[...] = jnp.minimum(lv, 10.0)


def kernel(x, edge_index, W1, b1, Wmu, bmu, Wlv, blv):
    f32 = jnp.float32
    xp = jnp.zeros((_NP, _HID), f32).at[:_N].set(x)
    pad = _N + (jnp.arange(_EP - _E, dtype=jnp.int32) % (_NP - _N))
    srcp = jnp.concatenate([edge_index[0], pad]).reshape(_EROWS, _CHUNK)
    dstp = jnp.concatenate([edge_index[1], pad]).reshape(_EROWS, _CHUNK)
    zeros1 = jnp.zeros((_NP,), f32)
    zeros2 = jnp.zeros((_NP, _HID), f32)

    degp = _sc_deg(dstp, zeros1)

    y = pl.pallas_call(
        _tc_matmul1_body,
        out_shape=jax.ShapeDtypeStruct((_NP, _HID), f32),
    )(xp, W1)

    dinv, ys = pl.pallas_call(
        _tc_prep_body,
        out_shape=(
            jax.ShapeDtypeStruct((_NP, 1), f32),
            jax.ShapeDtypeStruct((_NP, _HID), f32),
        ),
    )(y, degp)

    p = _sc_agg(ys, srcp, dstp, zeros2)

    hs = pl.pallas_call(
        _tc_layer1_body,
        out_shape=jax.ShapeDtypeStruct((_NP, _HID), f32),
    )(p, dinv, b1.reshape(1, _HID))

    q = _sc_agg(hs, srcp, dstp, zeros2)

    mu, logvar = pl.pallas_call(
        _tc_layer2_body,
        out_shape=(
            jax.ShapeDtypeStruct((_N, _LAT), f32),
            jax.ShapeDtypeStruct((_N, _LAT), f32),
        ),
    )(q, dinv, Wmu, bmu.reshape(1, _LAT), Wlv, blv.reshape(1, _LAT))
    return (mu, logvar)

# --- scband reference (transcript-rebuilt; emitter-appended) ---
"""Pipeline reference for scband-gcnencoder-57655640981995 (READ-ONLY COPY).

The authoritative reference and input builder live on the scoring server;
editing this copy changes nothing except your own understanding.
"""

import jax, jax.numpy as jnp
import numpy as np

N = 10000
E = 320000
IN_C = 128
HID_C = 128
LAT_C = 64


def _gcn_conv(x, W, b, src, dst, n):
    # PyG GCNConv with symmetric normalization and self-loops (self-loops
    # are appended to src/dst by the caller).
    h = x @ W
    ones = jnp.ones((src.shape[0],), x.dtype)
    deg = jnp.zeros((n,), x.dtype).at[dst].add(ones)
    dinv = jnp.where(deg > 0, 1.0 / jnp.sqrt(deg), 0.0)
    norm = dinv[src] * dinv[dst]
    msg = h[src] * norm[:, None]
    out = jnp.zeros((n, W.shape[1]), x.dtype).at[dst].add(msg)
    return out + b


def setup_inputs(seed: int = 0) -> dict:
    key = jax.random.key(seed)
    ks = jax.random.split(key, 8)
    x = jax.random.normal(ks[0], (N, IN_C), jnp.float32)
    edge_index = jax.random.randint(ks[1], (2, E), 0, N, jnp.int32)
    W1 = jax.random.normal(ks[2], (IN_C, HID_C), jnp.float32) * (1.0 / np.sqrt(IN_C))
    b1 = jnp.zeros((HID_C,), jnp.float32)
    Wmu = jax.random.normal(ks[3], (HID_C, LAT_C), jnp.float32) * (1.0 / np.sqrt(HID_C))
    bmu = jnp.zeros((LAT_C,), jnp.float32)
    Wlv = jax.random.normal(ks[4], (HID_C, LAT_C), jnp.float32) * (1.0 / np.sqrt(HID_C))
    blv = jnp.zeros((LAT_C,), jnp.float32)
    return {"x": x, "edge_index": edge_index, "W1": W1, "b1": b1,
            "Wmu": Wmu, "bmu": bmu, "Wlv": Wlv, "blv": blv}


def reference(x, edge_index, W1, b1, Wmu, bmu, Wlv, blv):
    loops = jnp.arange(N, dtype=edge_index.dtype)
    src = jnp.concatenate([edge_index[0], loops])
    dst = jnp.concatenate([edge_index[1], loops])
    h = _gcn_conv(x, W1, b1, src, dst, N)
    h = jax.nn.leaky_relu(h, negative_slope=0.01)
    mu = _gcn_conv(h, Wmu, bmu, src, dst, N)
    logvar = jnp.minimum(_gcn_conv(h, Wlv, blv, src, dst, N), 10.0)
    return (mu, logvar)

if __name__ == "__main__":
    import jax
    _d = setup_inputs()
    print(jax.jit(kernel)(*tuple(_d.values())))

</pallas_src>

<mosaic_0001>
#map = affine_map<(d0, d1) -> (0, 0)>
#map1 = affine_map<(d0, d1) -> (0, 0, 0)>
module attributes {stable_mosaic.version = 14 : i64} {
  func.func @_sc_agg_body(%arg0: i32, %arg1: i32, %arg2: memref<10240x128xf32, #tpu.memory_space<hbm>>, %arg3: memref<2560x128xi32, #tpu.memory_space<hbm>>, %arg4: memref<2560x128xi32, #tpu.memory_space<hbm>>, %arg5: memref<10240x128xf32, #tpu.memory_space<hbm>>, %arg6: memref<2x10240x128xf32, #tpu.memory_space<hbm>>, %arg7: memref<2x128xi32, #tpu.memory_space<vmem>>, %arg8: memref<4x128xi32, #tpu.memory_space<vmem>>, %arg9: memref<128x128xf32, #tpu.memory_space<vmem>>, %arg10: memref<128x128xf32, #tpu.memory_space<vmem>>, %arg11: memref<10240x128xf32, #tpu.memory_space<vmem_shared>>, %arg12: memref<!tpu.dma_semaphore, #tpu.memory_space<semaphore_mem>>, %arg13: memref<!tpu.dma_semaphore, #tpu.memory_space<semaphore_mem>>, %arg14: memref<!tpu.dma_semaphore, #tpu.memory_space<semaphore_mem>>, %arg15: memref<!tpu.dma_semaphore, #tpu.memory_space<semaphore_mem>>, %arg16: memref<!tpu.dma_semaphore, #tpu.memory_space<semaphore_mem>>, %arg17: memref<!tpu.dma_semaphore, #tpu.memory_space<semaphore_mem>>) attributes {dimension_semantics = [#tpu.dimension_semantics<core_parallel>, #tpu.dimension_semantics<subcore_parallel>], iteration_bounds = array<i64: 2, 16>, scalar_prefetch = 0 : i64, scratch_operands = 11 : i64, tpu.core_type = #tpu.core_type<sc_vector_subcore>, window_params = [{transform_indices = #map}, {transform_indices = #map}, {transform_indices = #map}, {transform_indices = #map}, {transform_indices = #map1}]} {
    %mul3A = arith.constant 2 : i32
    %mul3A_0 = arith.muli %arg1, %mul3A : i32
    %add3A = arith.addi %mul3A_0, %arg0 : i32
    %mul3A_1 = arith.constant 640 : i32
    %mul3A_2 = arith.muli %arg1, %mul3A_1 : i32
    %mul3A_3 = arith.constant 80 : i32
    %mul3A_4 = arith.muli %add3A, %mul3A_3 : i32
    %eq3A = arith.constant 0 : i32
    %eq3A_5 = arith.cmpi eq, %arg0, %eq3A : i32
    %convert_element_type3A = arith.extui %eq3A_5 : i1 to i32
    %cond3A = arith.constant 0 : i32
    %cond3A_6 = arith.cmpi ne, %convert_element_type3A, %cond3A : i32
    scf.if %cond3A_6 {
      "tpu.region"() ({
        %run_scoped3A = tpu.sem_alloc : memref<!tpu.dma_semaphore, #tpu.memory_space<semaphore_mem>>
        %dma_start3A_97 = arith.constant 0 : i32
        %dma_start3A_98 = tpu.memref_slice %arg11[%mul3A_2, %dma_start3A_97] : memref<10240x128xf32, #tpu.memory_space<vmem_shared>> -> memref<640x128xf32, #tpu.memory_space<vmem_shared>>
        %dma_start3A_99 = arith.constant 0 : i32
        %dma_start3A_100 = tpu.memref_slice %arg2[%mul3A_2, %dma_start3A_99] : memref<10240x128xf32, #tpu.memory_space<hbm>> -> memref<640x128xf32, #tpu.memory_space<hbm>>
        tpu.enqueue_dma source(%dma_start3A_100 : memref<640x128xf32, #tpu.memory_space<hbm>>) target(%dma_start3A_98 : memref<640x128xf32, #tpu.memory_space<vmem_shared>>) target_semaphore(%run_scoped3A : memref<!tpu.dma_semaphore, #tpu.memory_space<semaphore_mem>>)
        %dma_wait3A_101 = arith.constant 0 : i32
        %dma_wait3A_102 = tpu.memref_slice %arg11[%mul3A_2, %dma_wait3A_101] : memref<10240x128xf32, #tpu.memory_space<vmem_shared>> -> memref<640x128xf32, #tpu.memory_space<vmem_shared>>
        %dma_wait3A_103 = arith.constant 0 : i32
        %dma_wait3A_104 = tpu.memref_slice %arg2[%mul3A_2, %dma_wait3A_103] : memref<10240x128xf32, #tpu.memory_space<hbm>> -> memref<640x128xf32, #tpu.memory_space<hbm>>
        tpu.wait_dma2 semaphore(%run_scoped3A : memref<!tpu.dma_semaphore, #tpu.memory_space<semaphore_mem>>) src(%dma_wait3A_104 : memref<640x128xf32, #tpu.memory_space<hbm>>) dst(%dma_wait3A_102 : memref<640x128xf32, #tpu.memory_space<vmem_shared>>)
        tpu.yield
      }) : () -> ()
    } else {
    }
    %ne3A = arith.constant 0 : i32
    %ne3A_7 = arith.cmpi ne, %arg0, %ne3A : i32
    %convert_element_type3A_8 = arith.extui %ne3A_7 : i1 to i32
    %cond3A_9 = arith.constant 0 : i32
    %cond3A_10 = arith.cmpi ne, %convert_element_type3A_8, %cond3A_9 : i32
    scf.if %cond3A_10 {
      "tpu.region"() ({
        %run_scoped3A = tpu.sem_alloc : memref<!tpu.dma_semaphore, #tpu.memory_space<semaphore_mem>>
        %dma_start3A_97 = arith.constant 0 : i32
        %dma_start3A_98 = tpu.memref_slice %arg11[%mul3A_2, %dma_start3A_97] : memref<10240x128xf32, #tpu.memory_space<vmem_shared>> -> memref<640x128xf32, #tpu.memory_space<vmem_shared>>
        %dma_start3A_99 = arith.constant 0 : i32
        %dma_start3A_100 = tpu.memref_slice %arg5[%mul3A_2, %dma_start3A_99] : memref<10240x128xf32, #tpu.memory_space<hbm>> -> memref<640x128xf32, #tpu.memory_space<hbm>>
        tpu.enqueue_dma source(%dma_start3A_100 : memref<640x128xf32, #tpu.memory_space<hbm>>) target(%dma_start3A_98 : memref<640x128xf32, #tpu.memory_space<vmem_shared>>) target_semaphore(%run_scoped3A : memref<!tpu.dma_semaphore, #tpu.memory_space<semaphore_mem>>)
        %dma_wait3A_101 = arith.constant 0 : i32
        %dma_wait3A_102 = tpu.memref_slice %arg11[%mul3A_2, %dma_wait3A_101] : memref<10240x128xf32, #tpu.memory_space<vmem_shared>> -> memref<640x128xf32, #tpu.memory_space<vmem_shared>>
        %dma_wait3A_103 = arith.constant 0 : i32
        %dma_wait3A_104 = tpu.memref_slice %arg5[%mul3A_2, %dma_wait3A_103] : memref<10240x128xf32, #tpu.memory_space<hbm>> -> memref<640x128xf32, #tpu.memory_space<hbm>>
        tpu.wait_dma2 semaphore(%run_scoped3A : memref<!tpu.dma_semaphore, #tpu.memory_space<semaphore_mem>>) src(%dma_wait3A_104 : memref<640x128xf32, #tpu.memory_space<hbm>>) dst(%dma_wait3A_102 : memref<640x128xf32, #tpu.memory_space<vmem_shared>>)
        tpu.yield
      }) : () -> ()
    } else {
    }
    %add3A_11 = arith.constant 0 : i32
    %add3A_12 = arith.addi %mul3A_4, %add3A_11 : i32
    %dma_start3A = arith.constant 0 : i32
    %dma_start3A_13 = arith.constant 0 : i32
    %dma_start3A_14 = tpu.memref_slice %arg7[%dma_start3A, %dma_start3A_13] : memref<2x128xi32, #tpu.memory_space<vmem>> -> memref<1x128xi32, #tpu.memory_space<vmem>>
    %dma_start3A_15 = arith.constant 0 : i32
    %dma_start3A_16 = tpu.memref_slice %arg3[%add3A_12, %dma_start3A_15] : memref<2560x128xi32, #tpu.memory_space<hbm>> -> memref<1x128xi32, #tpu.memory_space<hbm>>
    %dma_start3A_17 = arith.constant 0 : i32
    %dma_start3A_18 = arith.constant 0 : i32
    %dma_start3A_19 = tpu.memref_slice %arg7[%dma_start3A_17, %dma_start3A_18] : memref<2x128xi32, #tpu.memory_space<vmem>> -> memref<1x128xi32, #tpu.memory_space<vmem>>
    %dma_start3A_20 = arith.constant 0 : i32
    %dma_start3A_21 = tpu.memref_slice %arg3[%add3A_12, %dma_start3A_20] : memref<2560x128xi32, #tpu.memory_space<hbm>> -> memref<1x128xi32, #tpu.memory_space<hbm>>
    tpu.enqueue_dma source(%dma_start3A_21 : memref<1x128xi32, #tpu.memory_space<hbm>>) target(%dma_start3A_19 : memref<1x128xi32, #tpu.memory_space<vmem>>) target_semaphore(%arg16 : memref<!tpu.dma_semaphore, #tpu.memory_space<semaphore_mem>>)
    %add3A_22 = arith.constant 0 : i32
    %add3A_23 = arith.addi %mul3A_4, %add3A_22 : i32
    %dma_start3A_24 = arith.constant 0 : i32
    %dma_start3A_25 = arith.constant 0 : i32
    %dma_start3A_26 = tpu.memref_slice %arg8[%dma_start3A_24, %dma_start3A_25] : memref<4x128xi32, #tpu.memory_space<vmem>> -> memref<1x128xi32, #tpu.memory_space<vmem>>
    %dma_start3A_27 = arith.constant 0 : i32
    %dma_start3A_28 = tpu.memref_slice %arg4[%add3A_23, %dma_start3A_27] : memref<2560x128xi32, #tpu.memory_space<hbm>> -> memref<1x128xi32, #tpu.memory_space<hbm>>
    %dma_start3A_29 = arith.constant 0 : i32
    %dma_start3A_30 = arith.constant 0 : i32
    %dma_start3A_31 = tpu.memref_slice %arg8[%dma_start3A_29, %dma_start3A_30] : memref<4x128xi32, #tpu.memory_space<vmem>> -> memref<1x128xi32, #tpu.memory_space<vmem>>
    %dma_start3A_32 = arith.constant 0 : i32
    %dma_start3A_33 = tpu.memref_slice %arg4[%add3A_23, %dma_start3A_32] : memref<2560x128xi32, #tpu.memory_space<hbm>> -> memref<1x128xi32, #tpu.memory_space<hbm>>
    tpu.enqueue_dma source(%dma_start3A_33 : memref<1x128xi32, #tpu.memory_space<hbm>>) target(%dma_start3A_31 : memref<1x128xi32, #tpu.memory_space<vmem>>) target_semaphore(%arg16 : memref<!tpu.dma_semaphore, #tpu.memory_space<semaphore_mem>>)
    %add3A_34 = arith.constant 1 : i32
    %add3A_35 = arith.addi %mul3A_4, %add3A_34 : i32
    %dma_start3A_36 = arith.constant 1 : i32
    %dma_start3A_37 = arith.constant 0 : i32
    %dma_start3A_38 = tpu.memref_slice %arg7[%dma_start3A_36, %dma_start3A_37] : memref<2x128xi32, #tpu.memory_space<vmem>> -> memref<1x128xi32, #tpu.memory_space<vmem>>
    %dma_start3A_39 = arith.constant 0 : i32
    %dma_start3A_40 = tpu.memref_slice %arg3[%add3A_35, %dma_start3A_39] : memref<2560x128xi32, #tpu.memory_space<hbm>> -> memref<1x128xi32, #tpu.memory_space<hbm>>
    %dma_start3A_41 = arith.constant 1 : i32
    %dma_start3A_42 = arith.constant 0 : i32
    %dma_start3A_43 = tpu.memref_slice %arg7[%dma_start3A_41, %dma_start3A_42] : memref<2x128xi32, #tpu.memory_space<vmem>> -> memref<1x128xi32, #tpu.memory_space<vmem>>
    %dma_start3A_44 = arith.constant 0 : i32
    %dma_start3A_45 = tpu.memref_slice %arg3[%add3A_35, %dma_start3A_44] : memref<2560x128xi32, #tpu.memory_space<hbm>> -> memref<1x128xi32, #tpu.memory_space<hbm>>
    tpu.enqueue_dma source(%dma_start3A_45 : memref<1x128xi32, #tpu.memory_space<hbm>>) target(%dma_start3A_43 : memref<1x128xi32, #tpu.memory_space<vmem>>) target_semaphore(%arg17 : memref<!tpu.dma_semaphore, #tpu.memory_space<semaphore_mem>>)
    %add3A_46 = arith.constant 1 : i32
    %add3A_47 = arith.addi %mul3A_4, %add3A_46 : i32
    %dma_start3A_48 = arith.constant 1 : i32
    %dma_start3A_49 = arith.constant 0 : i32
    %dma_start3A_50 = tpu.memref_slice %arg8[%dma_start3A_48, %dma_start3A_49] : memref<4x128xi32, #tpu.memory_space<vmem>> -> memref<1x128xi32, #tpu.memory_space<vmem>>
    %dma_start3A_51 = arith.constant 0 : i32
    %dma_start3A_52 = tpu.memref_slice %arg4[%add3A_47, %dma_start3A_51] : memref<2560x128xi32, #tpu.memory_space<hbm>> -> memref<1x128xi32, #tpu.memory_space<hbm>>
    %dma_start3A_53 = arith.constant 1 : i32
    %dma_start3A_54 = arith.constant 0 : i32
    %dma_start3A_55 = tpu.memref_slice %arg8[%dma_start3A_53, %dma_start3A_54] : memref<4x128xi32, #tpu.memory_space<vmem>> -> memref<1x128xi32, #tpu.memory_space<vmem>>
    %dma_start3A_56 = arith.constant 0 : i32
    %dma_start3A_57 = tpu.memref_slice %arg4[%add3A_47, %dma_start3A_56] : memref<2560x128xi32, #tpu.memory_space<hbm>> -> memref<1x128xi32, #tpu.memory_space<hbm>>
    tpu.enqueue_dma source(%dma_start3A_57 : memref<1x128xi32, #tpu.memory_space<hbm>>) target(%dma_start3A_55 : memref<1x128xi32, #tpu.memory_space<vmem>>) target_semaphore(%arg17 : memref<!tpu.dma_semaphore, #tpu.memory_space<semaphore_mem>>)
    %dma_wait3A = arith.constant 0 : i32
    %dma_wait3A_58 = arith.constant 0 : i32
    %dma_wait3A_59 = tpu.memref_slice %arg7[%dma_wait3A, %dma_wait3A_58] : memref<2x128xi32, #tpu.memory_space<vmem>> -> memref<1x128xi32, #tpu.memory_space<vmem>>
    %dma_wait3A_60 = arith.constant 0 : i32
    %dma_wait3A_61 = tpu.memref_slice %arg3[%mul3A_4, %dma_wait3A_60] : memref<2560x128xi32, #tpu.memory_space<hbm>> -> memref<1x128xi32, #tpu.memory_space<hbm>>
    %dma_wait3A_62 = arith.constant 0 : i32
    %dma_wait3A_63 = arith.constant 0 : i32
    %dma_wait3A_64 = tpu.memref_slice %arg7[%dma_wait3A_62, %dma_wait3A_63] : memref<2x128xi32, #tpu.memory_space<vmem>> -> memref<1x128xi32, #tpu.memory_space<vmem>>
    %dma_wait3A_65 = arith.constant 0 : i32
    %dma_wait3A_66 = tpu.memref_slice %arg3[%mul3A_4, %dma_wait3A_65] : memref<2560x128xi32, #tpu.memory_space<hbm>> -> memref<1x128xi32, #tpu.memory_space<hbm>>
    tpu.wait_dma2 semaphore(%arg16 : memref<!tpu.dma_semaphore, #tpu.memory_space<semaphore_mem>>) src(%dma_wait3A_66 : memref<1x128xi32, #tpu.memory_space<hbm>>) dst(%dma_wait3A_64 : memref<1x128xi32, #tpu.memory_space<vmem>>)
    %dma_wait3A_67 = arith.constant 0 : i32
    %dma_wait3A_68 = arith.constant 0 : i32
    %dma_wait3A_69 = tpu.memref_slice %arg8[%dma_wait3A_67, %dma_wait3A_68] : memref<4x128xi32, #tpu.memory_space<vmem>> -> memref<1x128xi32, #tpu.memory_space<vmem>>
    %dma_wait3A_70 = arith.constant 0 : i32
    %dma_wait3A_71 = tpu.memref_slice %arg4[%mul3A_4, %dma_wait3A_70] : memref<2560x128xi32, #tpu.memory_space<hbm>> -> memref<1x128xi32, #tpu.memory_space<hbm>>
    %dma_wait3A_72 = arith.constant 0 : i32
    %dma_wait3A_73 = arith.constant 0 : i32
    %dma_wait3A_74 = tpu.memref_slice %arg8[%dma_wait3A_72, %dma_wait3A_73] : memref<4x128xi32, #tpu.memory_space<vmem>> -> memref<1x128xi32, #tpu.memory_space<vmem>>
    %dma_wait3A_75 = arith.constant 0 : i32
    %dma_wait3A_76 = tpu.memref_slice %arg4[%mul3A_4, %dma_wait3A_75] : memref<2560x128xi32, #tpu.memory_space<hbm>> -> memref<1x128xi32, #tpu.memory_space<hbm>>
    tpu.wait_dma2 semaphore(%arg16 : memref<!tpu.dma_semaphore, #tpu.memory_space<semaphore_mem>>) src(%dma_wait3A_76 : memref<1x128xi32, #tpu.memory_space<hbm>>) dst(%dma_wait3A_74 : memref<1x128xi32, #tpu.memory_space<vmem>>)
    %dma_start3A_77 = arith.constant 0 : i32
    %dma_start3A_78 = arith.constant 0 : i32
    %dma_start3A_79 = tpu.memref_slice %arg7[%dma_start3A_77, %dma_start3A_78] : memref<2x128xi32, #tpu.memory_space<vmem>> -> memref<1x128xi32, #tpu.memory_space<vmem>>
    %dma_start3A_80 = tpu.memref_squeeze %dma_start3A_79 : memref<1x128xi32, #tpu.memory_space<vmem>> -> memref<128xi32, #tpu.memory_space<vmem>>
    %dma_start3A_81 = arith.constant 0 : i32
    %dma_start3A_82 = arith.constant 0 : i32
    %dma_start3A_83 = tpu.memref_slice %arg2[%dma_start3A_81, %dma_start3A_82] : memref<10240x128xf32, #tpu.memory_space<hbm>> -> memref<10240x128xf32, #tpu.memory_space<hbm>>
    tpu.enqueue_indirect_dma source(%dma_start3A_83 : memref<10240x128xf32, #tpu.memory_space<hbm>>) target(%arg9 : memref<128x128xf32, #tpu.memory_space<vmem>>) offsets(%dma_start3A_80 : memref<128xi32, #tpu.memory_space<vmem>>) semaphore(%arg12 : memref<!tpu.dma_semaphore, #tpu.memory_space<semaphore_mem>>)
    %barrier3A = arith.constant 0 : index
    tpu.barrier barrier_id(%barrier3A)
    %scan3A = arith.constant 0 : i32
    %scan3A_84 = arith.constant 0 : i32
    %scan3A_85 = arith.constant 20 : i32
    %scan3A_86 = arith.addi %scan3A_84, %scan3A_85 : i32
    %scan3A_87 = arith.constant 1 : i32
    scf.for %scan3A_97 = %scan3A_84 to %scan3A_86 step %scan3A_87  : i32 {
      %mul3A_98 = arith.constant 4 : i32
      %mul3A_99 = arith.muli %scan3A_97, %mul3A_98 : i32
      %add3A_100 = arith.constant 0 : i32
      %add3A_101 = arith.addi %mul3A_99, %add3A_100 : i32
      %add3A_102 = arith.constant 0 : i32
      %add3A_103 = arith.addi %add3A_101, %add3A_102 : i32
      %dma_wait3A_104 = arith.constant 0 : i32
      %dma_wait3A_105 = arith.constant 0 : i32
      %dma_wait3A_106 = tpu.memref_slice %arg7[%dma_wait3A_104, %dma_wait3A_105] : memref<2x128xi32, #tpu.memory_space<vmem>> -> memref<1x128xi32, #tpu.memory_space<vmem>>
      %dma_wait3A_107 = tpu.memref_squeeze %dma_wait3A_106 : memref<1x128xi32, #tpu.memory_space<vmem>> -> memref<128xi32, #tpu.memory_space<vmem>>
      %dma_wait3A_108 = arith.constant 0 : i32
      %dma_wait3A_109 = arith.constant 0 : i32
      %dma_wait3A_110 = tpu.memref_slice %arg2[%dma_wait3A_108, %dma_wait3A_109] : memref<10240x128xf32, #tpu.memory_space<hbm>> -> memref<10240x128xf32, #tpu.memory_space<hbm>>
      tpu.wait_indirect_dma semaphore(%arg12 : memref<!tpu.dma_semaphore, #tpu.memory_space<semaphore_mem>>) src(%dma_wait3A_110 : memref<10240x128xf32, #tpu.memory_space<hbm>>) dst(%arg9 : memref<128x128xf32, #tpu.memory_space<vmem>>)
      %gt3A = arith.constant 0 : i32
      %gt3A_111 = arith.cmpi sgt, %scan3A_97, %gt3A : i32
      %or3A = arith.constant false
      %or3A_112 = arith.ori %gt3A_111, %or3A : i1
      %or3A_113 = arith.constant false
      %or3A_114 = arith.ori %or3A_112, %or3A_113 : i1
      %convert_element_type3A_115 = arith.extui %or3A_114 : i1 to i32
      %cond3A_116 = arith.constant 0 : i32
      %cond3A_117 = arith.cmpi ne, %convert_element_type3A_115, %cond3A_116 : i32
      scf.if %cond3A_117 {
        %dma_wait3A_267 = arith.constant 1 : i32
        %dma_wait3A_268 = arith.constant 0 : i32
        %dma_wait3A_269 = tpu.memref_slice %arg8[%dma_wait3A_267, %dma_wait3A_268] : memref<4x128xi32, #tpu.memory_space<vmem>> -> memref<1x128xi32, #tpu.memory_space<vmem>>
        %dma_wait3A_270 = tpu.memref_squeeze %dma_wait3A_269 : memref<1x128xi32, #tpu.memory_space<vmem>> -> memref<128xi32, #tpu.memory_space<vmem>>
        %dma_wait3A_271 = arith.constant 0 : i32
        %dma_wait3A_272 = arith.constant 0 : i32
        %dma_wait3A_273 = tpu.memref_slice %arg11[%dma_wait3A_271, %dma_wait3A_272] : memref<10240x128xf32, #tpu.memory_space<vmem_shared>> -> memref<10240x128xf32, #tpu.memory_space<vmem_shared>>
        tpu.wait_indirect_dma semaphore(%arg15 : memref<!tpu.dma_semaphore, #tpu.memory_space<semaphore_mem>>) src(%arg10 : memref<128x128xf32, #tpu.memory_space<vmem>>) dst(%dma_wait3A_273 : memref<10240x128xf32, #tpu.memory_space<vmem_shared>>)
      } else {
      }
      %add3A_118 = arith.constant 1 : i32
      %add3A_119 = arith.addi %add3A_103, %add3A_118 : i32
      %lt3A = arith.constant 80 : i32
      %lt3A_120 = arith.cmpi slt, %add3A_119, %lt3A : i32
      %convert_element_type3A_121 = arith.extui %lt3A_120 : i1 to i32
      %cond3A_122 = arith.constant 0 : i32
      %cond3A_123 = arith.cmpi ne, %convert_element_type3A_121, %cond3A_122 : i32
      scf.if %cond3A_123 {
        %dma_wait3A_267 = arith.constant 1 : i32
        %dma_wait3A_268 = arith.constant 0 : i32
        %dma_wait3A_269 = tpu.memref_slice %arg7[%dma_wait3A_267, %dma_wait3A_268] : memref<2x128xi32, #tpu.memory_space<vmem>> -> memref<1x128xi32, #tpu.memory_space<vmem>>
        %dma_wait3A_270 = arith.constant 0 : i32
        %dma_wait3A_271 = tpu.memref_slice %arg3[%mul3A_4, %dma_wait3A_270] : memref<2560x128xi32, #tpu.memory_space<hbm>> -> memref<1x128xi32, #tpu.memory_space<hbm>>
        %dma_wait3A_272 = arith.constant 1 : i32
        %dma_wait3A_273 = arith.constant 0 : i32
        %dma_wait3A_274 = tpu.memref_slice %arg7[%dma_wait3A_272, %dma_wait3A_273] : memref<2x128xi32, #tpu.memory_space<vmem>> -> memref<1x128xi32, #tpu.memory_space<vmem>>
        %dma_wait3A_275 = arith.constant 0 : i32
        %dma_wait3A_276 = tpu.memref_slice %arg3[%mul3A_4, %dma_wait3A_275] : memref<2560x128xi32, #tpu.memory_space<hbm>> -> memref<1x128xi32, #tpu.memory_space<hbm>>
        tpu.wait_dma2 semaphore(%arg17 : memref<!tpu.dma_semaphore, #tpu.memory_space<semaphore_mem>>) src(%dma_wait3A_276 : memref<1x128xi32, #tpu.memory_space<hbm>>) dst(%dma_wait3A_274 : memref<1x128xi32, #tpu.memory_space<vmem>>)
        %dma_wait3A_277 = arith.constant 1 : i32
        %dma_wait3A_278 = arith.constant 0 : i32
        %dma_wait3A_279 = tpu.memref_slice %arg8[%dma_wait3A_277, %dma_wait3A_278] : memref<4x128xi32, #tpu.memory_space<vmem>> -> memref<1x128xi32, #tpu.memory_space<vmem>>
        %dma_wait3A_280 = arith.constant 0 : i32
        %dma_wait3A_281 = tpu.memref_slice %arg4[%mul3A_4, %dma_wait3A_280] : memref<2560x128xi32, #tpu.memory_space<hbm>> -> memref<1x128xi32, #tpu.memory_space<hbm>>
        %dma_wait3A_282 = arith.constant 1 : i32
        %dma_wait3A_283 = arith.constant 0 : i32
        %dma_wait3A_284 = tpu.memref_slice %arg8[%dma_wait3A_282, %dma_wait3A_283] : memref<4x128xi32, #tpu.memory_space<vmem>> -> memref<1x128xi32, #tpu.memory_space<vmem>>
        %dma_wait3A_285 = arith.constant 0 : i32
        %dma_wait3A_286 = tpu.memref_slice %arg4[%mul3A_4, %dma_wait3A_285] : memref<2560x128xi32, #tpu.memory_space<hbm>> -> memref<1x128xi32, #tpu.memory_space<hbm>>
        tpu.wait_dma2 semaphore(%arg17 : memref<!tpu.dma_semaphore, #tpu.memory_space<semaphore_mem>>) src(%dma_wait3A_286 : memref<1x128xi32, #tpu.memory_space<hbm>>) dst(%dma_wait3A_284 : memref<1x128xi32, #tpu.memory_space<vmem>>)
        %dma_start3A_287 = arith.constant 1 : i32
        %dma_start3A_288 = arith.constant 0 : i32
        %dma_start3A_289 = tpu.memref_slice %arg7[%dma_start3A_287, %dma_start3A_288] : memref<2x128xi32, #tpu.memory_space<vmem>> -> memref<1x128xi32, #tpu.memory_space<vmem>>
        %dma_start3A_290 = tpu.memref_squeeze %dma_start3A_289 : memref<1x128xi32, #tpu.memory_space<vmem>> -> memref<128xi32, #tpu.memory_space<vmem>>
        %dma_start3A_291 = arith.constant 0 : i32
        %dma_start3A_292 = arith.constant 0 : i32
        %dma_start3A_293 = tpu.memref_slice %arg2[%dma_start3A_291, %dma_start3A_292] : memref<10240x128xf32, #tpu.memory_space<hbm>> -> memref<10240x128xf32, #tpu.memory_space<hbm>>
        tpu.enqueue_indirect_dma source(%dma_start3A_293 : memref<10240x128xf32, #tpu.memory_space<hbm>>) target(%arg10 : memref<128x128xf32, #tpu.memory_space<vmem>>) offsets(%dma_start3A_290 : memref<128xi32, #tpu.memory_space<vmem>>) semaphore(%arg13 : memref<!tpu.dma_semaphore, #tpu.memory_space<semaphore_mem>>)
      } else {
      }
      %dma_start3A_124 = arith.constant 0 : i32
      %dma_start3A_125 = arith.constant 0 : i32
      %dma_start3A_126 = tpu.memref_slice %arg8[%dma_start3A_124, %dma_start3A_125] : memref<4x128xi32, #tpu.memory_space<vmem>> -> memref<1x128xi32, #tpu.memory_space<vmem>>
      %dma_start3A_127 = tpu.memref_squeeze %dma_start3A_126 : memref<1x128xi32, #tpu.memory_space<vmem>> -> memref<128xi32, #tpu.memory_space<vmem>>
      %dma_start3A_128 = arith.constant 0 : i32
      %dma_start3A_129 = arith.constant 0 : i32
      %dma_start3A_130 = tpu.memref_slice %arg11[%dma_start3A_128, %dma_start3A_129] : memref<10240x128xf32, #tpu.memory_space<vmem_shared>> -> memref<10240x128xf32, #tpu.memory_space<vmem_shared>>
      tpu.enqueue_indirect_dma source(%arg9 : memref<128x128xf32, #tpu.memory_space<vmem>>) target(%dma_start3A_130 : memref<10240x128xf32, #tpu.memory_space<vmem_shared>>) offsets(%dma_start3A_127 : memref<128xi32, #tpu.memory_space<vmem>>) semaphore(%arg14 : memref<!tpu.dma_semaphore, #tpu.memory_space<semaphore_mem>>) {add = true}
      %add3A_131 = arith.constant 2 : i32
      %add3A_132 = arith.addi %add3A_103, %add3A_131 : i32
      %lt3A_133 = arith.constant 80 : i32
      %lt3A_134 = arith.cmpi slt, %add3A_132, %lt3A_133 : i32
      %convert_element_type3A_135 = arith.extui %lt3A_134 : i1 to i32
      %cond3A_136 = arith.constant 0 : i32
      %cond3A_137 = arith.cmpi ne, %convert_element_type3A_135, %cond3A_136 : i32
      scf.if %cond3A_137 {
        %add3A_267 = arith.addi %mul3A_4, %add3A_103 : i32
        %add3A_268 = arith.constant 2 : i32
        %add3A_269 = arith.addi %add3A_267, %add3A_268 : i32
        %dma_start3A_270 = arith.constant 0 : i32
        %dma_start3A_271 = arith.constant 0 : i32
        %dma_start3A_272 = tpu.memref_slice %arg7[%dma_start3A_270, %dma_start3A_271] : memref<2x128xi32, #tpu.memory_space<vmem>> -> memref<1x128xi32, #tpu.memory_space<vmem>>
        %dma_start3A_273 = arith.constant 0 : i32
        %dma_start3A_274 = tpu.memref_slice %arg3[%add3A_269, %dma_start3A_273] : memref<2560x128xi32, #tpu.memory_space<hbm>> -> memref<1x128xi32, #tpu.memory_space<hbm>>
        %dma_start3A_275 = arith.constant 0 : i32
        %dma_start3A_276 = arith.constant 0 : i32
        %dma_start3A_277 = tpu.memref_slice %arg7[%dma_start3A_275, %dma_start3A_276] : memref<2x128xi32, #tpu.memory_space<vmem>> -> memref<1x128xi32, #tpu.memory_space<vmem>>
        %dma_start3A_278 = arith.constant 0 : i32
        %dma_start3A_279 = tpu.memref_slice %arg3[%add3A_269, %dma_start3A_278] : memref<2560x128xi32, #tpu.memory_space<hbm>> -> memref<1x128xi32, #tpu.memory_space<hbm>>
        tpu.enqueue_dma source(%dma_start3A_279 : memref<1x128xi32, #tpu.memory_space<hbm>>) target(%dma_start3A_277 : memref<1x128xi32, #tpu.memory_space<vmem>>) target_semaphore(%arg16 : memref<!tpu.dma_semaphore, #tpu.memory_space<semaphore_mem>>)
        %dma_start3A_280 = arith.constant 2 : i32
        %dma_start3A_281 = arith.constant 0 : i32
        %dma_start3A_282 = tpu.memref_slice %arg8[%dma_start3A_280, %dma_start3A_281] : memref<4x128xi32, #tpu.memory_space<vmem>> -> memref<1x128xi32, #tpu.memory_space<vmem>>
        %dma_start3A_283 = arith.constant 0 : i32
        %dma_start3A_284 = tpu.memref_slice %arg4[%add3A_269, %dma_start3A_283] : memref<2560x128xi32, #tpu.memory_space<hbm>> -> memref<1x128xi32, #tpu.memory_space<hbm>>
        %dma_start3A_285 = arith.constant 2 : i32
        %dma_start3A_286 = arith.constant 0 : i32
        %dma_start3A_287 = tpu.memref_slice %arg8[%dma_start3A_285, %dma_start3A_286] : memref<4x128xi32, #tpu.memory_space<vmem>> -> memref<1x128xi32, #tpu.memory_space<vmem>>
        %dma_start3A_288 = arith.constant 0 : i32
        %dma_start3A_289 = tpu.memref_slice %arg4[%add3A_269, %dma_start3A_288] : memref<2560x128xi32, #tpu.memory_space<hbm>> -> memref<1x128xi32, #tpu.memory_space<hbm>>
        tpu.enqueue_dma source(%dma_start3A_289 : memref<1x128xi32, #tpu.memory_space<hbm>>) target(%dma_start3A_287 : memref<1x128xi32, #tpu.memory_space<vmem>>) target_semaphore(%arg16 : memref<!tpu.dma_semaphore, #tpu.memory_space<semaphore_mem>>)
      } else {
      }
      %mul3A_138 = arith.constant 4 : i32
      %mul3A_139 = arith.muli %scan3A_97, %mul3A_138 : i32
      %add3A_140 = arith.constant 0 : i32
      %add3A_141 = arith.addi %mul3A_139, %add3A_140 : i32
      %add3A_142 = arith.constant 1 : i32
      %add3A_143 = arith.addi %add3A_141, %add3A_142 : i32
      %dma_wait3A_144 = arith.constant 1 : i32
      %dma_wait3A_145 = arith.constant 0 : i32
      %dma_wait3A_146 = tpu.memref_slice %arg7[%dma_wait3A_144, %dma_wait3A_145] : memref<2x128xi32, #tpu.memory_space<vmem>> -> memref<1x128xi32, #tpu.memory_space<vmem>>
      %dma_wait3A_147 = tpu.memref_squeeze %dma_wait3A_146 : memref<1x128xi32, #tpu.memory_space<vmem>> -> memref<128xi32, #tpu.memory_space<vmem>>
      %dma_wait3A_148 = arith.constant 0 : i32
      %dma_wait3A_149 = arith.constant 0 : i32
      %dma_wait3A_150 = tpu.memref_slice %arg2[%dma_wait3A_148, %dma_wait3A_149] : memref<10240x128xf32, #tpu.memory_space<hbm>> -> memref<10240x128xf32, #tpu.memory_space<hbm>>
      tpu.wait_indirect_dma semaphore(%arg13 : memref<!tpu.dma_semaphore, #tpu.memory_space<semaphore_mem>>) src(%dma_wait3A_150 : memref<10240x128xf32, #tpu.memory_space<hbm>>) dst(%arg10 : memref<128x128xf32, #tpu.memory_space<vmem>>)
      %gt3A_151 = arith.constant 0 : i32
      %gt3A_152 = arith.cmpi sgt, %scan3A_97, %gt3A_151 : i32
      %or3A_153 = arith.constant false
      %or3A_154 = arith.ori %gt3A_152, %or3A_153 : i1
      %or3A_155 = arith.constant true
      %or3A_156 = arith.ori %or3A_154, %or3A_155 : i1
      %convert_element_type3A_157 = arith.extui %or3A_156 : i1 to i32
      %cond3A_158 = arith.constant 0 : i32
      %cond3A_159 = arith.cmpi ne, %convert_element_type3A_157, %cond3A_158 : i32
      scf.if %cond3A_159 {
        %dma_wait3A_267 = arith.constant 2 : i32
        %dma_wait3A_268 = arith.constant 0 : i32
        %dma_wait3A_269 = tpu.memref_slice %arg8[%dma_wait3A_267, %dma_wait3A_268] : memref<4x128xi32, #tpu.memory_space<vmem>> -> memref<1x128xi32, #tpu.memory_space<vmem>>
        %dma_wait3A_270 = tpu.memref_squeeze %dma_wait3A_269 : memref<1x128xi32, #tpu.memory_space<vmem>> -> memref<128xi32, #tpu.memory_space<vmem>>
        %dma_wait3A_271 = arith.constant 0 : i32
        %dma_wait3A_272 = arith.constant 0 : i32
        %dma_wait3A_273 = tpu.memref_slice %arg11[%dma_wait3A_271, %dma_wait3A_272] : memref<10240x128xf32, #tpu.memory_space<vmem_shared>> -> memref<10240x128xf32, #tpu.memory_space<vmem_shared>>
        tpu.wait_indirect_dma semaphore(%arg14 : memref<!tpu.dma_semaphore, #tpu.memory_space<semaphore_mem>>) src(%arg9 : memref<128x128xf32, #tpu.memory_space<vmem>>) dst(%dma_wait3A_273 : memref<10240x128xf32, #tpu.memory_space<vmem_shared>>)
      } else {
      }
      %add3A_160 = arith.constant 1 : i32
      %add3A_161 = arith.addi %add3A_143, %add3A_160 : i32
      %lt3A_162 = arith.constant 80 : i32
      %lt3A_163 = arith.cmpi slt, %add3A_161, %lt3A_162 : i32
      %convert_element_type3A_164 = arith.extui %lt3A_163 : i1 to i32
      %cond3A_165 = arith.constant 0 : i32
      %cond3A_166 = arith.cmpi ne, %convert_element_type3A_164, %cond3A_165 : i32
      scf.if %cond3A_166 {
        %dma_wait3A_267 = arith.constant 0 : i32
        %dma_wait3A_268 = arith.constant 0 : i32
        %dma_wait3A_269 = tpu.memref_slice %arg7[%dma_wait3A_267, %dma_wait3A_268] : memref<2x128xi32, #tpu.memory_space<vmem>> -> memref<1x128xi32, #tpu.memory_space<vmem>>
        %dma_wait3A_270 = arith.constant 0 : i32
        %dma_wait3A_271 = tpu.memref_slice %arg3[%mul3A_4, %dma_wait3A_270] : memref<2560x128xi32, #tpu.memory_space<hbm>> -> memref<1x128xi32, #tpu.memory_space<hbm>>
        %dma_wait3A_272 = arith.constant 0 : i32
        %dma_wait3A_273 = arith.constant 0 : i32
        %dma_wait3A_274 = tpu.memref_slice %arg7[%dma_wait3A_272, %dma_wait3A_273] : memref<2x128xi32, #tpu.memory_space<vmem>> -> memref<1x128xi32, #tpu.memory_space<vmem>>
        %dma_wait3A_275 = arith.constant 0 : i32
        %dma_wait3A_276 = tpu.memref_slice %arg3[%mul3A_4, %dma_wait3A_275] : memref<2560x128xi32, #tpu.memory_space<hbm>> -> memref<1x128xi32, #tpu.memory_space<hbm>>
        tpu.wait_dma2 semaphore(%arg16 : memref<!tpu.dma_semaphore, #tpu.memory_space<semaphore_mem>>) src(%dma_wait3A_276 : memref<1x128xi32, #tpu.memory_space<hbm>>) dst(%dma_wait3A_274 : memref<1x128xi32, #tpu.memory_space<vmem>>)
        %dma_wait3A_277 = arith.constant 2 : i32
        %dma_wait3A_278 = arith.constant 0 : i32
        %dma_wait3A_279 = tpu.memref_slice %arg8[%dma_wait3A_277, %dma_wait3A_278] : memref<4x128xi32, #tpu.memory_space<vmem>> -> memref<1x128xi32, #tpu.memory_space<vmem>>
        %dma_wait3A_280 = arith.constant 0 : i32
        %dma_wait3A_281 = tpu.memref_slice %arg4[%mul3A_4, %dma_wait3A_280] : memref<2560x128xi32, #tpu.memory_space<hbm>> -> memref<1x128xi32, #tpu.memory_space<hbm>>
        %dma_wait3A_282 = arith.constant 2 : i32
        %dma_wait3A_283 = arith.constant 0 : i32
        %dma_wait3A_284 = tpu.memref_slice %arg8[%dma_wait3A_282, %dma_wait3A_283] : memref<4x128xi32, #tpu.memory_space<vmem>> -> memref<1x128xi32, #tpu.memory_space<vmem>>
        %dma_wait3A_285 = arith.constant 0 : i32
        %dma_wait3A_286 = tpu.memref_slice %arg4[%mul3A_4, %dma_wait3A_285] : memref<2560x128xi32, #tpu.memory_space<hbm>> -> memref<1x128xi32, #tpu.memory_space<hbm>>
        tpu.wait_dma2 semaphore(%arg16 : memref<!tpu.dma_semaphore, #tpu.memory_space<semaphore_mem>>) src(%dma_wait3A_286 : memref<1x128xi32, #tpu.memory_space<hbm>>) dst(%dma_wait3A_284 : memref<1x128xi32, #tpu.memory_space<vmem>>)
        %dma_start3A_287 = arith.constant 0 : i32
        %dma_start3A_288 = arith.constant 0 : i32
        %dma_start3A_289 = tpu.memref_slice %arg7[%dma_start3A_287, %dma_start3A_288] : memref<2x128xi32, #tpu.memory_space<vmem>> -> memref<1x128xi32, #tpu.memory_space<vmem>>
        %dma_start3A_290 = tpu.memref_squeeze %dma_start3A_289 : memref<1x128xi32, #tpu.memory_space<vmem>> -> memref<128xi32, #tpu.memory_space<vmem>>
        %dma_start3A_291 = arith.constant 0 : i32
        %dma_start3A_292 = arith.constant 0 : i32
        %dma_start3A_293 = tpu.memref_slice %arg2[%dma_start3A_291, %dma_start3A_292] : memref<10240x128xf32, #tpu.memory_space<hbm>> -> memref<10240x128xf32, #tpu.memory_space<hbm>>
        tpu.enqueue_indirect_dma source(%dma_start3A_293 : memref<10240x128xf32, #tpu.memory_space<hbm>>) target(%arg9 : memref<128x128xf32, #tpu.memory_space<vmem>>) offsets(%dma_start3A_290 : memref<128xi32, #tpu.memory_space<vmem>>) semaphore(%arg12 : memref<!tpu.dma_semaphore, #tpu.memory_space<semaphore_mem>>)
      } else {
      }
      %dma_start3A_167 = arith.constant 1 : i32
      %dma_start3A_168 = arith.constant 0 : i32
      %dma_start3A_169 = tpu.memref_slice %arg8[%dma_start3A_167, %dma_start3A_168] : memref<4x128xi32, #tpu.memory_space<vmem>> -> memref<1x128xi32, #tpu.memory_space<vmem>>
      %dma_start3A_170 = tpu.memref_squeeze %dma_start3A_169 : memref<1x128xi32, #tpu.memory_space<vmem>> -> memref<128xi32, #tpu.memory_space<vmem>>
      %dma_start3A_171 = arith.constant 0 : i32
      %dma_start3A_172 = arith.constant 0 : i32
      %dma_start3A_173 = tpu.memref_slice %arg11[%dma_start3A_171, %dma_start3A_172] : memref<10240x128xf32, #tpu.memory_space<vmem_shared>> -> memref<10240x128xf32, #tpu.memory_space<vmem_shared>>
      tpu.enqueue_indirect_dma source(%arg10 : memref<128x128xf32, #tpu.memory_space<vmem>>) target(%dma_start3A_173 : memref<10240x128xf32, #tpu.memory_space<vmem_shared>>) offsets(%dma_start3A_170 : memref<128xi32, #tpu.memory_space<vmem>>) semaphore(%arg15 : memref<!tpu.dma_semaphore, #tpu.memory_space<semaphore_mem>>) {add = true}
      %add3A_174 = arith.constant 2 : i32
      %add3A_175 = arith.addi %add3A_143, %add3A_174 : i32
      %lt3A_176 = arith.constant 80 : i32
      %lt3A_177 = arith.cmpi slt, %add3A_175, %lt3A_176 : i32
      %convert_element_type3A_178 = arith.extui %lt3A_177 : i1 to i32
      %cond3A_179 = arith.constant 0 : i32
      %cond3A_180 = arith.cmpi ne, %convert_element_type3A_178, %cond3A_179 : i32
      scf.if %cond3A_180 {
        %add3A_267 = arith.addi %mul3A_4, %add3A_143 : i32
        %add3A_268 = arith.constant 2 : i32
        %add3A_269 = arith.addi %add3A_267, %add3A_268 : i32
        %dma_start3A_270 = arith.constant 1 : i32
        %dma_start3A_271 = arith.constant 0 : i32
        %dma_start3A_272 = tpu.memref_slice %arg7[%dma_start3A_270, %dma_start3A_271] : memref<2x128xi32, #tpu.memory_space<vmem>> -> memref<1x128xi32, #tpu.memory_space<vmem>>
        %dma_start3A_273 = arith.constant 0 : i32
        %dma_start3A_274 = tpu.memref_slice %arg3[%add3A_269, %dma_start3A_273] : memref<2560x128xi32, #tpu.memory_space<hbm>> -> memref<1x128xi32, #tpu.memory_space<hbm>>
        %dma_start3A_275 = arith.constant 1 : i32
        %dma_start3A_276 = arith.constant 0 : i32
        %dma_start3A_277 = tpu.memref_slice %arg7[%dma_start3A_275, %dma_start3A_276] : memref<2x128xi32, #tpu.memory_space<vmem>> -> memref<1x128xi32, #tpu.memory_space<vmem>>
        %dma_start3A_278 = arith.constant 0 : i32
        %dma_start3A_279 = tpu.memref_slice %arg3[%add3A_269, %dma_start3A_278] : memref<2560x128xi32, #tpu.memory_space<hbm>> -> memref<1x128xi32, #tpu.memory_space<hbm>>
        tpu.enqueue_dma source(%dma_start3A_279 : memref<1x128xi32, #tpu.memory_space<hbm>>) target(%dma_start3A_277 : memref<1x128xi32, #tpu.memory_space<vmem>>) target_semaphore(%arg17 : memref<!tpu.dma_semaphore, #tpu.memory_space<semaphore_mem>>)
        %dma_start3A_280 = arith.constant 3 : i32
        %dma_start3A_281 = arith.constant 0 : i32
        %dma_start3A_282 = tpu.memref_slice %arg8[%dma_start3A_280, %dma_start3A_281] : memref<4x128xi32, #tpu.memory_space<vmem>> -> memref<1x128xi32, #tpu.memory_space<vmem>>
        %dma_start3A_283 = arith.constant 0 : i32
        %dma_start3A_284 = tpu.memref_slice %arg4[%add3A_269, %dma_start3A_283] : memref<2560x128xi32, #tpu.memory_space<hbm>> -> memref<1x128xi32, #tpu.memory_space<hbm>>
        %dma_start3A_285 = arith.constant 3 : i32
        %dma_start3A_286 = arith.constant 0 : i32
        %dma_start3A_287 = tpu.memref_slice %arg8[%dma_start3A_285, %dma_start3A_286] : memref<4x128xi32, #tpu.memory_space<vmem>> -> memref<1x128xi32, #tpu.memory_space<vmem>>
        %dma_start3A_288 = arith.constant 0 : i32
        %dma_start3A_289 = tpu.memref_slice %arg4[%add3A_269, %dma_start3A_288] : memref<2560x128xi32, #tpu.memory_space<hbm>> -> memref<1x128xi32, #tpu.memory_space<hbm>>
        tpu.enqueue_dma source(%dma_start3A_289 : memref<1x128xi32, #tpu.memory_space<hbm>>) target(%dma_start3A_287 : memref<1x128xi32, #tpu.memory_space<vmem>>) target_semaphore(%arg17 : memref<!tpu.dma_semaphore, #tpu.memory_space<semaphore_mem>>)
      } else {
      }
      %mul3A_181 = arith.constant 4 : i32
      %mul3A_182 = arith.muli %scan3A_97, %mul3A_181 : i32
      %add3A_183 = arith.constant 2 : i32
      %add3A_184 = arith.addi %mul3A_182, %add3A_183 : i32
      %add3A_185 = arith.constant 0 : i32
      %add3A_186 = arith.addi %add3A_184, %add3A_185 : i32
      %dma_wait3A_187 = arith.constant 0 : i32
      %dma_wait3A_188 = arith.constant 0 : i32
      %dma_wait3A_189 = tpu.memref_slice %arg7[%dma_wait3A_187, %dma_wait3A_188] : memref<2x128xi32, #tpu.memory_space<vmem>> -> memref<1x128xi32, #tpu.memory_space<vmem>>
      %dma_wait3A_190 = tpu.memref_squeeze %dma_wait3A_189 : memref<1x128xi32, #tpu.memory_space<vmem>> -> memref<128xi32, #tpu.memory_space<vmem>>
      %dma_wait3A_191 = arith.constant 0 : i32
      %dma_wait3A_192 = arith.constant 0 : i32
      %dma_wait3A_193 = tpu.memref_slice %arg2[%dma_wait3A_191, %dma_wait3A_192] : memref<10240x128xf32, #tpu.memory_space<hbm>> -> memref<10240x128xf32, #tpu.memory_space<hbm>>
      tpu.wait_indirect_dma semaphore(%arg12 : memref<!tpu.dma_semaphore, #tpu.memory_space<semaphore_mem>>) src(%dma_wait3A_193 : memref<10240x128xf32, #tpu.memory_space<hbm>>) dst(%arg9 : memref<128x128xf32, #tpu.memory_space<vmem>>)
      %gt3A_194 = arith.constant 0 : i32
      %gt3A_195 = arith.cmpi sgt, %scan3A_97, %gt3A_194 : i32
      %or3A_196 = arith.constant true
      %or3A_197 = arith.ori %gt3A_195, %or3A_196 : i1
      %or3A_198 = arith.constant false
      %or3A_199 = arith.ori %or3A_197, %or3A_198 : i1
      %convert_element_type3A_200 = arith.extui %or3A_199 : i1 to i32
      %cond3A_201 = arith.constant 0 : i32
      %cond3A_202 = arith.cmpi ne, %convert_element_type3A_200, %cond3A_201 : i32
      scf.if %cond3A_202 {
        %dma_wait3A_267 = arith.constant 3 : i32
        %dma_wait3A_268 = arith.constant 0 : i32
        %dma_wait3A_269 = tpu.memref_slice %arg8[%dma_wait3A_267, %dma_wait3A_268] : memref<4x128xi32, #tpu.memory_space<vmem>> -> memref<1x128xi32, #tpu.memory_space<vmem>>
        %dma_wait3A_270 = tpu.memref_squeeze %dma_wait3A_269 : memref<1x128xi32, #tpu.memory_space<vmem>> -> memref<128xi32, #tpu.memory_space<vmem>>
        %dma_wait3A_271 = arith.constant 0 : i32
        %dma_wait3A_272 = arith.constant 0 : i32
        %dma_wait3A_273 = tpu.memref_slice %arg11[%dma_wait3A_271, %dma_wait3A_272] : memref<10240x128xf32, #tpu.memory_space<vmem_shared>> -> memref<10240x128xf32, #tpu.memory_space<vmem_shared>>
        tpu.wait_indirect_dma semaphore(%arg15 : memref<!tpu.dma_semaphore, #tpu.memory_space<semaphore_mem>>) src(%arg10 : memref<128x128xf32, #tpu.memory_space<vmem>>) dst(%dma_wait3A_273 : memref<10240x128xf32, #tpu.memory_space<vmem_shared>>)
      } else {
      }
      %add3A_203 = arith.constant 1 : i32
      %add3A_204 = arith.addi %add3A_186, %add3A_203 : i32
      %lt3A_205 = arith.constant 80 : i32
      %lt3A_206 = arith.cmpi slt, %add3A_204, %lt3A_205 : i32
      %convert_element_type3A_207 = arith.extui %lt3A_206 : i1 to i32
      %cond3A_208 = arith.constant 0 : i32
      %cond3A_209 = arith.cmpi ne, %convert_element_type3A_207, %cond3A_208 : i32
      scf.if %cond3A_209 {
        %dma_wait3A_267 = arith.constant 1 : i32
        %dma_wait3A_268 = arith.constant 0 : i32
        %dma_wait3A_269 = tpu.memref_slice %arg7[%dma_wait3A_267, %dma_wait3A_268] : memref<2x128xi32, #tpu.memory_space<vmem>> -> memref<1x128xi32, #tpu.memory_space<vmem>>
        %dma_wait3A_270 = arith.constant 0 : i32
        %dma_wait3A_271 = tpu.memref_slice %arg3[%mul3A_4, %dma_wait3A_270] : memref<2560x128xi32, #tpu.memory_space<hbm>> -> memref<1x128xi32, #tpu.memory_space<hbm>>
        %dma_wait3A_272 = arith.constant 1 : i32
        %dma_wait3A_273 = arith.constant 0 : i32
        %dma_wait3A_274 = tpu.memref_slice %arg7[%dma_wait3A_272, %dma_wait3A_273] : memref<2x128xi32, #tpu.memory_space<vmem>> -> memref<1x128xi32, #tpu.memory_space<vmem>>
        %dma_wait3A_275 = arith.constant 0 : i32
        %dma_wait3A_276 = tpu.memref_slice %arg3[%mul3A_4, %dma_wait3A_275] : memref<2560x128xi32, #tpu.memory_space<hbm>> -> memref<1x128xi32, #tpu.memory_space<hbm>>
        tpu.wait_dma2 semaphore(%arg17 : memref<!tpu.dma_semaphore, #tpu.memory_space<semaphore_mem>>) src(%dma_wait3A_276 : memref<1x128xi32, #tpu.memory_space<hbm>>) dst(%dma_wait3A_274 : memref<1x128xi32, #tpu.memory_space<vmem>>)
        %dma_wait3A_277 = arith.constant 3 : i32
        %dma_wait3A_278 = arith.constant 0 : i32
        %dma_wait3A_279 = tpu.memref_slice %arg8[%dma_wait3A_277, %dma_wait3A_278] : memref<4x128xi32, #tpu.memory_space<vmem>> -> memref<1x128xi32, #tpu.memory_space<vmem>>
        %dma_wait3A_280 = arith.constant 0 : i32
        %dma_wait3A_281 = tpu.memref_slice %arg4[%mul3A_4, %dma_wait3A_280] : memref<2560x128xi32, #tpu.memory_space<hbm>> -> memref<1x128xi32, #tpu.memory_space<hbm>>
        %dma_wait3A_282 = arith.constant 3 : i32
        %dma_wait3A_283 = arith.constant 0 : i32
        %dma_wait3A_284 = tpu.memref_slice %arg8[%dma_wait3A_282, %dma_wait3A_283] : memref<4x128xi32, #tpu.memory_space<vmem>> -> memref<1x128xi32, #tpu.memory_space<vmem>>
        %dma_wait3A_285 = arith.constant 0 : i32
        %dma_wait3A_286 = tpu.memref_slice %arg4[%mul3A_4, %dma_wait3A_285] : memref<2560x128xi32, #tpu.memory_space<hbm>> -> memref<1x128xi32, #tpu.memory_space<hbm>>
        tpu.wait_dma2 semaphore(%arg17 : memref<!tpu.dma_semaphore, #tpu.memory_space<semaphore_mem>>) src(%dma_wait3A_286 : memref<1x128xi32, #tpu.memory_space<hbm>>) dst(%dma_wait3A_284 : memref<1x128xi32, #tpu.memory_space<vmem>>)
        %dma_start3A_287 = arith.constant 1 : i32
        %dma_start3A_288 = arith.constant 0 : i32
        %dma_start3A_289 = tpu.memref_slice %arg7[%dma_start3A_287, %dma_start3A_288] : memref<2x128xi32, #tpu.memory_space<vmem>> -> memref<1x128xi32, #tpu.memory_space<vmem>>
        %dma_start3A_290 = tpu.memref_squeeze %dma_start3A_289 : memref<1x128xi32, #tpu.memory_space<vmem>> -> memref<128xi32, #tpu.memory_space<vmem>>
        %dma_start3A_291 = arith.constant 0 : i32
        %dma_start3A_292 = arith.constant 0 : i32
        %dma_start3A_293 = tpu.memref_slice %arg2[%dma_start3A_291, %dma_start3A_292] : memref<10240x128xf32, #tpu.memory_space<hbm>> -> memref<10240x128xf32, #tpu.memory_space<hbm>>
        tpu.enqueue_indirect_dma source(%dma_start3A_293 : memref<10240x128xf32, #tpu.memory_space<hbm>>) target(%arg10 : memref<128x128xf32, #tpu.memory_space<vmem>>) offsets(%dma_start3A_290 : memref<128xi32, #tpu.memory_space<vmem>>) semaphore(%arg13 : memref<!tpu.dma_semaphore, #tpu.memory_space<semaphore_mem>>)
      } else {
      }
      %dma_start3A_210 = arith.constant 2 : i32
      %dma_start3A_211 = arith.constant 0 : i32
      %dma_start3A_212 = tpu.memref_slice %arg8[%dma_start3A_210, %dma_start3A_211] : memref<4x128xi32, #tpu.memory_space<vmem>> -> memref<1x128xi32, #tpu.memory_space<vmem>>
      %dma_start3A_213 = tpu.memref_squeeze %dma_start3A_212 : memref<1x128xi32, #tpu.memory_space<vmem>> -> memref<128xi32, #tpu.memory_space<vmem>>
      %dma_start3A_214 = arith.constant 0 : i32
      %dma_start3A_215 = arith.constant 0 : i32
      %dma_start3A_216 = tpu.memref_slice %arg11[%dma_start3A_214, %dma_start3A_215] : memref<10240x128xf32, #tpu.memory_space<vmem_shared>> -> memref<10240x128xf32, #tpu.memory_space<vmem_shared>>
      tpu.enqueue_indirect_dma source(%arg9 : memref<128x128xf32, #tpu.memory_space<vmem>>) target(%dma_start3A_216 : memref<10240x128xf32, #tpu.memory_space<vmem_shared>>) offsets(%dma_start3A_213 : memref<128xi32, #tpu.memory_space<vmem>>) semaphore(%arg14 : memref<!tpu.dma_semaphore, #tpu.memory_space<semaphore_mem>>) {add = true}
      %add3A_217 = arith.constant 2 : i32
      %add3A_218 = arith.addi %add3A_186, %add3A_217 : i32
      %lt3A_219 = arith.constant 80 : i32
      %lt3A_220 = arith.cmpi slt, %add3A_218, %lt3A_219 : i32
      %convert_element_type3A_221 = arith.extui %lt3A_220 : i1 to i32
      %cond3A_222 = arith.constant 0 : i32
      %cond3A_223 = arith.cmpi ne, %convert_element_type3A_221, %cond3A_222 : i32
      scf.if %cond3A_223 {
        %add3A_267 = arith.addi %mul3A_4, %add3A_186 : i32
        %add3A_268 = arith.constant 2 : i32
        %add3A_269 = arith.addi %add3A_267, %add3A_268 : i32
        %dma_start3A_270 = arith.constant 0 : i32
        %dma_start3A_271 = arith.constant 0 : i32
        %dma_start3A_272 = tpu.memref_slice %arg7[%dma_start3A_270, %dma_start3A_271] : memref<2x128xi32, #tpu.memory_space<vmem>> -> memref<1x128xi32, #tpu.memory_space<vmem>>
        %dma_start3A_273 = arith.constant 0 : i32
        %dma_start3A_274 = tpu.memref_slice %arg3[%add3A_269, %dma_start3A_273] : memref<2560x128xi32, #tpu.memory_space<hbm>> -> memref<1x128xi32, #tpu.memory_space<hbm>>
        %dma_start3A_275 = arith.constant 0 : i32
        %dma_start3A_276 = arith.constant 0 : i32
        %dma_start3A_277 = tpu.memref_slice %arg7[%dma_start3A_275, %dma_start3A_276] : memref<2x128xi32, #tpu.memory_space<vmem>> -> memref<1x128xi32, #tpu.memory_space<vmem>>
        %dma_start3A_278 = arith.constant 0 : i32
        %dma_start3A_279 = tpu.memref_slice %arg3[%add3A_269, %dma_start3A_278] : memref<2560x128xi32, #tpu.memory_space<hbm>> -> memref<1x128xi32, #tpu.memory_space<hbm>>
        tpu.enqueue_dma source(%dma_start3A_279 : memref<1x128xi32, #tpu.memory_space<hbm>>) target(%dma_start3A_277 : memref<1x128xi32, #tpu.memory_space<vmem>>) target_semaphore(%arg16 : memref<!tpu.dma_semaphore, #tpu.memory_space<semaphore_mem>>)
        %dma_start3A_280 = arith.constant 0 : i32
        %dma_start3A_281 = arith.constant 0 : i32
        %dma_start3A_282 = tpu.memref_slice %arg8[%dma_start3A_280, %dma_start3A_281] : memref<4x128xi32, #tpu.memory_space<vmem>> -> memref<1x128xi32, #tpu.memory_space<vmem>>
        %dma_start3A_283 = arith.constant 0 : i32
        %dma_start3A_284 = tpu.memref_slice %arg4[%add3A_269, %dma_start3A_283] : memref<2560x128xi32, #tpu.memory_space<hbm>> -> memref<1x128xi32, #tpu.memory_space<hbm>>
        %dma_start3A_285 = arith.constant 0 : i32
        %dma_start3A_286 = arith.constant 0 : i32
        %dma_start3A_287 = tpu.memref_slice %arg8[%dma_start3A_285, %dma_start3A_286] : memref<4x128xi32, #tpu.memory_space<vmem>> -> memref<1x128xi32, #tpu.memory_space<vmem>>
        %dma_start3A_288 = arith.constant 0 : i32
        %dma_start3A_289 = tpu.memref_slice %arg4[%add3A_269, %dma_start3A_288] : memref<2560x128xi32, #tpu.memory_space<hbm>> -> memref<1x128xi32, #tpu.memory_space<hbm>>
        tpu.enqueue_dma source(%dma_start3A_289 : memref<1x128xi32, #tpu.memory_space<hbm>>) target(%dma_start3A_287 : memref<1x128xi32, #tpu.memory_space<vmem>>) target_semaphore(%arg16 : memref<!tpu.dma_semaphore, #tpu.memory_space<semaphore_mem>>)
      } else {
      }
      %mul3A_224 = arith.constant 4 : i32
      %mul3A_225 = arith.muli %scan3A_97, %mul3A_224 : i32
      %add3A_226 = arith.constant 2 : i32
      %add3A_227 = arith.addi %mul3A_225, %add3A_226 : i32
      %add3A_228 = arith.constant 1 : i32
      %add3A_229 = arith.addi %add3A_227, %add3A_228 : i32
      %dma_wait3A_230 = arith.constant 1 : i32
      %dma_wait3A_231 = arith.constant 0 : i32
      %dma_wait3A_232 = tpu.memref_slice %arg7[%dma_wait3A_230, %dma_wait3A_231] : memref<2x128xi32, #tpu.memory_space<vmem>> -> memref<1x128xi32, #tpu.memory_space<vmem>>
      %dma_wait3A_233 = tpu.memref_squeeze %dma_wait3A_232 : memref<1x128xi32, #tpu.memory_space<vmem>> -> memref<128xi32, #tpu.memory_space<vmem>>
      %dma_wait3A_234 = arith.constant 0 : i32
      %dma_wait3A_235 = arith.constant 0 : i32
      %dma_wait3A_236 = tpu.memref_slice %arg2[%dma_wait3A_234, %dma_wait3A_235] : memref<10240x128xf32, #tpu.memory_space<hbm>> -> memref<10240x128xf32, #tpu.memory_space<hbm>>
      tpu.wait_indirect_dma semaphore(%arg13 : memref<!tpu.dma_semaphore, #tpu.memory_space<semaphore_mem>>) src(%dma_wait3A_236 : memref<10240x128xf32, #tpu.memory_space<hbm>>) dst(%arg10 : memref<128x128xf32, #tpu.memory_space<vmem>>)
      %gt3A_237 = arith.constant 0 : i32
      %gt3A_238 = arith.cmpi sgt, %scan3A_97, %gt3A_237 : i32
      %or3A_239 = arith.constant true
      %or3A_240 = arith.ori %gt3A_238, %or3A_239 : i1
      %or3A_241 = arith.constant true
      %or3A_242 = arith.ori %or3A_240, %or3A_241 : i1
      %convert_element_type3A_243 = arith.extui %or3A_242 : i1 to i32
      %cond3A_244 = arith.constant 0 : i32
      %cond3A_245 = arith.cmpi ne, %convert_element_type3A_243, %cond3A_244 : i32
      scf.if %cond3A_245 {
        %dma_wait3A_267 = arith.constant 0 : i32
        %dma_wait3A_268 = arith.constant 0 : i32
        %dma_wait3A_269 = tpu.memref_slice %arg8[%dma_wait3A_267, %dma_wait3A_268] : memref<4x128xi32, #tpu.memory_space<vmem>> -> memref<1x128xi32, #tpu.memory_space<vmem>>
        %dma_wait3A_270 = tpu.memref_squeeze %dma_wait3A_269 : memref<1x128xi32, #tpu.memory_space<vmem>> -> memref<128xi32, #tpu.memory_space<vmem>>
        %dma_wait3A_271 = arith.constant 0 : i32
        %dma_wait3A_272 = arith.constant 0 : i32
        %dma_wait3A_273 = tpu.memref_slice %arg11[%dma_wait3A_271, %dma_wait3A_272] : memref<10240x128xf32, #tpu.memory_space<vmem_shared>> -> memref<10240x128xf32, #tpu.memory_space<vmem_shared>>
        tpu.wait_indirect_dma semaphore(%arg14 : memref<!tpu.dma_semaphore, #tpu.memory_space<semaphore_mem>>) src(%arg9 : memref<128x128xf32, #tpu.memory_space<vmem>>) dst(%dma_wait3A_273 : memref<10240x128xf32, #tpu.memory_space<vmem_shared>>)
      } else {
      }
      %add3A_246 = arith.constant 1 : i32
      %add3A_247 = arith.addi %add3A_229, %add3A_246 : i32
      %lt3A_248 = arith.constant 80 : i32
      %lt3A_249 = arith.cmpi slt, %add3A_247, %lt3A_248 : i32
      %convert_element_type3A_250 = arith.extui %lt3A_249 : i1 to i32
      %cond3A_251 = arith.constant 0 : i32
      %cond3A_252 = arith.cmpi ne, %convert_element_type3A_250, %cond3A_251 : i32
      scf.if %cond3A_252 {
        %dma_wait3A_267 = arith.constant 0 : i32
        %dma_wait3A_268 = arith.constant 0 : i32
        %dma_wait3A_269 = tpu.memref_slice %arg7[%dma_wait3A_267, %dma_wait3A_268] : memref<2x128xi32, #tpu.memory_space<vmem>> -> memref<1x128xi32, #tpu.memory_space<vmem>>
        %dma_wait3A_270 = arith.constant 0 : i32
        %dma_wait3A_271 = tpu.memref_slice %arg3[%mul3A_4, %dma_wait3A_270] : memref<2560x128xi32, #tpu.memory_space<hbm>> -> memref<1x128xi32, #tpu.memory_space<hbm>>
        %dma_wait3A_272 = arith.constant 0 : i32
        %dma_wait3A_273 = arith.constant 0 : i32
        %dma_wait3A_274 = tpu.memref_slice %arg7[%dma_wait3A_272, %dma_wait3A_273] : memref<2x128xi32, #tpu.memory_space<vmem>> -> memref<1x128xi32, #tpu.memory_space<vmem>>
        %dma_wait3A_275 = arith.constant 0 : i32
        %dma_wait3A_276 = tpu.memref_slice %arg3[%mul3A_4, %dma_wait3A_275] : memref<2560x128xi32, #tpu.memory_space<hbm>> -> memref<1x128xi32, #tpu.memory_space<hbm>>
        tpu.wait_dma2 semaphore(%arg16 : memref<!tpu.dma_semaphore, #tpu.memory_space<semaphore_mem>>) src(%dma_wait3A_276 : memref<1x128xi32, #tpu.memory_space<hbm>>) dst(%dma_wait3A_274 : memref<1x128xi32, #tpu.memory_space<vmem>>)
        %dma_wait3A_277 = arith.constant 0 : i32
        %dma_wait3A_278 = arith.constant 0 : i32
        %dma_wait3A_279 = tpu.memref_slice %arg8[%dma_wait3A_277, %dma_wait3A_278] : memref<4x128xi32, #tpu.memory_space<vmem>> -> memref<1x128xi32, #tpu.memory_space<vmem>>
        %dma_wait3A_280 = arith.constant 0 : i32
        %dma_wait3A_281 = tpu.memref_slice %arg4[%mul3A_4, %dma_wait3A_280] : memref<2560x128xi32, #tpu.memory_space<hbm>> -> memref<1x128xi32, #tpu.memory_space<hbm>>
        %dma_wait3A_282 = arith.constant 0 : i32
        %dma_wait3A_283 = arith.constant 0 : i32
        %dma_wait3A_284 = tpu.memref_slice %arg8[%dma_wait3A_282, %dma_wait3A_283] : memref<4x128xi32, #tpu.memory_space<vmem>> -> memref<1x128xi32, #tpu.memory_space<vmem>>
        %dma_wait3A_285 = arith.constant 0 : i32
        %dma_wait3A_286 = tpu.memref_slice %arg4[%mul3A_4, %dma_wait3A_285] : memref<2560x128xi32, #tpu.memory_space<hbm>> -> memref<1x128xi32, #tpu.memory_space<hbm>>
        tpu.wait_dma2 semaphore(%arg16 : memref<!tpu.dma_semaphore, #tpu.memory_space<semaphore_mem>>) src(%dma_wait3A_286 : memref<1x128xi32, #tpu.memory_space<hbm>>) dst(%dma_wait3A_284 : memref<1x128xi32, #tpu.memory_space<vmem>>)
        %dma_start3A_287 = arith.constant 0 : i32
        %dma_start3A_288 = arith.constant 0 : i32
        %dma_start3A_289 = tpu.memref_slice %arg7[%dma_start3A_287, %dma_start3A_288] : memref<2x128xi32, #tpu.memory_space<vmem>> -> memref<1x128xi32, #tpu.memory_space<vmem>>
        %dma_start3A_290 = tpu.memref_squeeze %dma_start3A_289 : memref<1x128xi32, #tpu.memory_space<vmem>> -> memref<128xi32, #tpu.memory_space<vmem>>
        %dma_start3A_291 = arith.constant 0 : i32
        %dma_start3A_292 = arith.constant 0 : i32
        %dma_start3A_293 = tpu.memref_slice %arg2[%dma_start3A_291, %dma_start3A_292] : memref<10240x128xf32, #tpu.memory_space<hbm>> -> memref<10240x128xf32, #tpu.memory_space<hbm>>
        tpu.enqueue_indirect_dma source(%dma_start3A_293 : memref<10240x128xf32, #tpu.memory_space<hbm>>) target(%arg9 : memref<128x128xf32, #tpu.memory_space<vmem>>) offsets(%dma_start3A_290 : memref<128xi32, #tpu.memory_space<vmem>>) semaphore(%arg12 : memref<!tpu.dma_semaphore, #tpu.memory_space<semaphore_mem>>)
      } else {
      }
      %dma_start3A_253 = arith.constant 3 : i32
      %dma_start3A_254 = arith.constant 0 : i32
      %dma_start3A_255 = tpu.memref_slice %arg8[%dma_start3A_253, %dma_start3A_254] : memref<4x128xi32, #tpu.memory_space<vmem>> -> memref<1x128xi32, #tpu.memory_space<vmem>>
      %dma_start3A_256 = tpu.memref_squeeze %dma_start3A_255 : memref<1x128xi32, #tpu.memory_space<vmem>> -> memref<128xi32, #tpu.memory_space<vmem>>
      %dma_start3A_257 = arith.constant 0 : i32
      %dma_start3A_258 = arith.constant 0 : i32
      %dma_start3A_259 = tpu.memref_slice %arg11[%dma_start3A_257, %dma_start3A_258] : memref<10240x128xf32, #tpu.memory_space<vmem_shared>> -> memref<10240x128xf32, #tpu.memory_space<vmem_shared>>
      tpu.enqueue_indirect_dma source(%arg10 : memref<128x128xf32, #tpu.memory_space<vmem>>) target(%dma_start3A_259 : memref<10240x128xf32, #tpu.memory_space<vmem_shared>>) offsets(%dma_start3A_256 : memref<128xi32, #tpu.memory_space<vmem>>) semaphore(%arg15 : memref<!tpu.dma_semaphore, #tpu.memory_space<semaphore_mem>>) {add = true}
      %add3A_260 = arith.constant 2 : i32
      %add3A_261 = arith.addi %add3A_229, %add3A_260 : i32
      %lt3A_262 = arith.constant 80 : i32
      %lt3A_263 = arith.cmpi slt, %add3A_261, %lt3A_262 : i32
      %convert_element_type3A_264 = arith.extui %lt3A_263 : i1 to i32
      %cond3A_265 = arith.constant 0 : i32
      %cond3A_266 = arith.cmpi ne, %convert_element_type3A_264, %cond3A_265 : i32
      scf.if %cond3A_266 {
        %add3A_267 = arith.addi %mul3A_4, %add3A_229 : i32
        %add3A_268 = arith.constant 2 : i32
        %add3A_269 = arith.addi %add3A_267, %add3A_268 : i32
        %dma_start3A_270 = arith.constant 1 : i32
        %dma_start3A_271 = arith.constant 0 : i32
        %dma_start3A_272 = tpu.memref_slice %arg7[%dma_start3A_270, %dma_start3A_271] : memref<2x128xi32, #tpu.memory_space<vmem>> -> memref<1x128xi32, #tpu.memory_space<vmem>>
        %dma_start3A_273 = arith.constant 0 : i32
        %dma_start3A_274 = tpu.memref_slice %arg3[%add3A_269, %dma_start3A_273] : memref<2560x128xi32, #tpu.memory_space<hbm>> -> memref<1x128xi32, #tpu.memory_space<hbm>>
        %dma_start3A_275 = arith.constant 1 : i32
        %dma_start3A_276 = arith.constant 0 : i32
        %dma_start3A_277 = tpu.memref_slice %arg7[%dma_start3A_275, %dma_start3A_276] : memref<2x128xi32, #tpu.memory_space<vmem>> -> memref<1x128xi32, #tpu.memory_space<vmem>>
        %dma_start3A_278 = arith.constant 0 : i32
        %dma_start3A_279 = tpu.memref_slice %arg3[%add3A_269, %dma_start3A_278] : memref<2560x128xi32, #tpu.memory_space<hbm>> -> memref<1x128xi32, #tpu.memory_space<hbm>>
        tpu.enqueue_dma source(%dma_start3A_279 : memref<1x128xi32, #tpu.memory_space<hbm>>) target(%dma_start3A_277 : memref<1x128xi32, #tpu.memory_space<vmem>>) target_semaphore(%arg17 : memref<!tpu.dma_semaphore, #tpu.memory_space<semaphore_mem>>)
        %dma_start3A_280 = arith.constant 1 : i32
        %dma_start3A_281 = arith.constant 0 : i32
        %dma_start3A_282 = tpu.memref_slice %arg8[%dma_start3A_280, %dma_start3A_281] : memref<4x128xi32, #tpu.memory_space<vmem>> -> memref<1x128xi32, #tpu.memory_space<vmem>>
        %dma_start3A_283 = arith.constant 0 : i32
        %dma_start3A_284 = tpu.memref_slice %arg4[%add3A_269, %dma_start3A_283] : memref<2560x128xi32, #tpu.memory_space<hbm>> -> memref<1x128xi32, #tpu.memory_space<hbm>>
        %dma_start3A_285 = arith.constant 1 : i32
        %dma_start3A_286 = arith.constant 0 : i32
        %dma_start3A_287 = tpu.memref_slice %arg8[%dma_start3A_285, %dma_start3A_286] : memref<4x128xi32, #tpu.memory_space<vmem>> -> memref<1x128xi32, #tpu.memory_space<vmem>>
        %dma_start3A_288 = arith.constant 0 : i32
        %dma_start3A_289 = tpu.memref_slice %arg4[%add3A_269, %dma_start3A_288] : memref<2560x128xi32, #tpu.memory_space<hbm>> -> memref<1x128xi32, #tpu.memory_space<hbm>>
        tpu.enqueue_dma source(%dma_start3A_289 : memref<1x128xi32, #tpu.memory_space<hbm>>) target(%dma_start3A_287 : memref<1x128xi32, #tpu.memory_space<vmem>>) target_semaphore(%arg17 : memref<!tpu.dma_semaphore, #tpu.memory_space<semaphore_mem>>)
      } else {
      }
    }
    %scan3A_88 = arith.constant 20 : i32
    %dma_wait3A_89 = arith.constant 3 : i32
    %dma_wait3A_90 = arith.constant 0 : i32
    %dma_wait3A_91 = tpu.memref_slice %arg8[%dma_wait3A_89, %dma_wait3A_90] : memref<4x128xi32, #tpu.memory_space<vmem>> -> memref<1x128xi32, #tpu.memory_space<vmem>>
    %dma_wait3A_92 = tpu.memref_squeeze %dma_wait3A_91 : memref<1x128xi32, #tpu.memory_space<vmem>> -> memref<128xi32, #tpu.memory_space<vmem>>
    %dma_wait3A_93 = arith.constant 0 : i32
    %dma_wait3A_94 = arith.constant 0 : i32
    %dma_wait3A_95 = tpu.memref_slice %arg11[%dma_wait3A_93, %dma_wait3A_94] : memref<10240x128xf32, #tpu.memory_space<vmem_shared>> -> memref<10240x128xf32, #tpu.memory_space<vmem_shared>>
    tpu.wait_indirect_dma semaphore(%arg15 : memref<!tpu.dma_semaphore, #tpu.memory_space<semaphore_mem>>) src(%arg10 : memref<128x128xf32, #tpu.memory_space<vmem>>) dst(%dma_wait3A_95 : memref<10240x128xf32, #tpu.memory_space<vmem_shared>>)
    %barrier3A_96 = arith.constant 0 : index
    tpu.barrier barrier_id(%barrier3A_96)
    "tpu.region"() ({
      %run_scoped3A = tpu.sem_alloc : memref<!tpu.dma_semaphore, #tpu.memory_space<semaphore_mem>>
      %dma_start3A_97 = arith.constant 0 : i32
      %dma_start3A_98 = tpu.memref_slice %arg6[%arg0, %mul3A_2, %dma_start3A_97] : memref<2x10240x128xf32, #tpu.memory_space<hbm>> -> memref<1x640x128xf32, #tpu.memory_space<hbm>>
      %dma_start3A_99 = tpu.memref_squeeze %dma_start3A_98 : memref<1x640x128xf32, #tpu.memory_space<hbm>> -> memref<640x128xf32, #tpu.memory_space<hbm>>
      %dma_start3A_100 = arith.constant 0 : i32
      %dma_start3A_101 = tpu.memref_slice %arg11[%mul3A_2, %dma_start3A_100] : memref<10240x128xf32, #tpu.memory_space<vmem_shared>> -> memref<640x128xf32, #tpu.memory_space<vmem_shared>>
      tpu.enqueue_dma source(%dma_start3A_101 : memref<640x128xf32, #tpu.memory_space<vmem_shared>>) target(%dma_start3A_99 : memref<640x128xf32, #tpu.memory_space<hbm>>) target_semaphore(%run_scoped3A : memref<!tpu.dma_semaphore, #tpu.memory_space<semaphore_mem>>)
      %dma_wait3A_102 = arith.constant 0 : i32
      %dma_wait3A_103 = tpu.memref_slice %arg6[%arg0, %mul3A_2, %dma_wait3A_102] : memref<2x10240x128xf32, #tpu.memory_space<hbm>> -> memref<1x640x128xf32, #tpu.memory_space<hbm>>
      %dma_wait3A_104 = tpu.memref_squeeze %dma_wait3A_103 : memref<1x640x128xf32, #tpu.memory_space<hbm>> -> memref<640x128xf32, #tpu.memory_space<hbm>>
      %dma_wait3A_105 = arith.constant 0 : i32
      %dma_wait3A_106 = tpu.memref_slice %arg11[%mul3A_2, %dma_wait3A_105] : memref<10240x128xf32, #tpu.memory_space<vmem_shared>> -> memref<640x128xf32, #tpu.memory_space<vmem_shared>>
      tpu.wait_dma2 semaphore(%run_scoped3A : memref<!tpu.dma_semaphore, #tpu.memory_space<semaphore_mem>>) src(%dma_wait3A_106 : memref<640x128xf32, #tpu.memory_space<vmem_shared>>) dst(%dma_wait3A_104 : memref<640x128xf32, #tpu.memory_space<hbm>>)
      tpu.yield
    }) : () -> ()
    return
  }
}

#map = affine_map<(d0, d1) -> (0, 0)>
#map1 = affine_map<(d0, d1) -> (0)>
module attributes {stable_mosaic.version = 14 : i64} {
  func.func @_sc_deg_body(%arg0: i32, %arg1: i32, %arg2: memref<2560x128xi32, #tpu.memory_space<hbm>>, %arg3: memref<10240xf32, #tpu.memory_space<hbm>>, %arg4: memref<2x10240xf32, #tpu.memory_space<hbm>>, %arg5: memref<80x128xi32, #tpu.memory_space<vmem>>, %arg6: memref<128xf32, #tpu.memory_space<vmem>>, %arg7: memref<10240xf32, #tpu.memory_space<vmem_shared>>) attributes {dimension_semantics = [#tpu.dimension_semantics<core_parallel>, #tpu.dimension_semantics<subcore_parallel>], iteration_bounds = array<i64: 2, 16>, scalar_prefetch = 0 : i64, scratch_operands = 3 : i64, tpu.core_type = #tpu.core_type<sc_vector_subcore>, window_params = [{transform_indices = #map}, {transform_indices = #map1}, {transform_indices = #map}]} {
    %mul3A = arith.constant 2 : i32
    %mul3A_0 = arith.muli %arg1, %mul3A : i32
    %add3A = arith.addi %mul3A_0, %arg0 : i32
    %mul3A_1 = arith.constant 640 : i32
    %mul3A_2 = arith.muli %arg1, %mul3A_1 : i32
    "tpu.region"() ({
      %run_scoped3A = tpu.sem_alloc : memref<!tpu.dma_semaphore, #tpu.memory_space<semaphore_mem>>
      %dma_start3A = tpu.memref_slice %arg7[%mul3A_2] : memref<10240xf32, #tpu.memory_space<vmem_shared>> -> memref<640xf32, #tpu.memory_space<vmem_shared>>
      %dma_start3A_57 = tpu.memref_slice %arg3[%mul3A_2] : memref<10240xf32, #tpu.memory_space<hbm>> -> memref<640xf32, #tpu.memory_space<hbm>>
      tpu.enqueue_dma source(%dma_start3A_57 : memref<640xf32, #tpu.memory_space<hbm>>) target(%dma_start3A : memref<640xf32, #tpu.memory_space<vmem_shared>>) target_semaphore(%run_scoped3A : memref<!tpu.dma_semaphore, #tpu.memory_space<semaphore_mem>>)
      %dma_wait3A = tpu.memref_slice %arg7[%mul3A_2] : memref<10240xf32, #tpu.memory_space<vmem_shared>> -> memref<640xf32, #tpu.memory_space<vmem_shared>>
      %dma_wait3A_58 = tpu.memref_slice %arg3[%mul3A_2] : memref<10240xf32, #tpu.memory_space<hbm>> -> memref<640xf32, #tpu.memory_space<hbm>>
      tpu.wait_dma2 semaphore(%run_scoped3A : memref<!tpu.dma_semaphore, #tpu.memory_space<semaphore_mem>>) src(%dma_wait3A_58 : memref<640xf32, #tpu.memory_space<hbm>>) dst(%dma_wait3A : memref<640xf32, #tpu.memory_space<vmem_shared>>)
      tpu.yield
    }) : () -> ()
    %broadcast_in_dim3A = arith.constant 1.000000e+00 : f32
    %broadcast_in_dim3A_3 = vector.broadcast %broadcast_in_dim3A : f32 to vector<16xf32>
    %swap3A = arith.constant 0 : index
    %swap3A_4 = tpu.vector_load %arg6[%swap3A] {strides = array<i32>} : memref<128xf32, #tpu.memory_space<vmem>>, vector<16xf32>,
    %swap3A_5 = vector.shape_cast %swap3A_4 : vector<16xf32> to vector<16xf32>
    %swap3A_6 = vector.shape_cast %broadcast_in_dim3A_3 : vector<16xf32> to vector<16xf32>
    tpu.vector_store %arg6[%swap3A], %swap3A_6 {strides = array<i32>} : memref<128xf32, #tpu.memory_space<vmem>>, vector<16xf32>,
    %broadcast_in_dim3A_7 = arith.constant 1.000000e+00 : f32
    %broadcast_in_dim3A_8 = vector.broadcast %broadcast_in_dim3A_7 : f32 to vector<16xf32>
    %swap3A_9 = arith.constant 16 : index
    %swap3A_10 = tpu.vector_load %arg6[%swap3A_9] {strides = array<i32>} : memref<128xf32, #tpu.memory_space<vmem>>, vector<16xf32>,
    %swap3A_11 = vector.shape_cast %swap3A_10 : vector<16xf32> to vector<16xf32>
    %swap3A_12 = vector.shape_cast %broadcast_in_dim3A_8 : vector<16xf32> to vector<16xf32>
    tpu.vector_store %arg6[%swap3A_9], %swap3A_12 {strides = array<i32>} : memref<128xf32, #tpu.memory_space<vmem>>, vector<16xf32>,
    %broadcast_in_dim3A_13 = arith.constant 1.000000e+00 : f32
    %broadcast_in_dim3A_14 = vector.broadcast %broadcast_in_dim3A_13 : f32 to vector<16xf32>
    %swap3A_15 = arith.constant 32 : index
    %swap3A_16 = tpu.vector_load %arg6[%swap3A_15] {strides = array<i32>} : memref<128xf32, #tpu.memory_space<vmem>>, vector<16xf32>,
    %swap3A_17 = vector.shape_cast %swap3A_16 : vector<16xf32> to vector<16xf32>
    %swap3A_18 = vector.shape_cast %broadcast_in_dim3A_14 : vector<16xf32> to vector<16xf32>
    tpu.vector_store %arg6[%swap3A_15], %swap3A_18 {strides = array<i32>} : memref<128xf32, #tpu.memory_space<vmem>>, vector<16xf32>,
    %broadcast_in_dim3A_19 = arith.constant 1.000000e+00 : f32
    %broadcast_in_dim3A_20 = vector.broadcast %broadcast_in_dim3A_19 : f32 to vector<16xf32>
    %swap3A_21 = arith.constant 48 : index
    %swap3A_22 = tpu.vector_load %arg6[%swap3A_21] {strides = array<i32>} : memref<128xf32, #tpu.memory_space<vmem>>, vector<16xf32>,
    %swap3A_23 = vector.shape_cast %swap3A_22 : vector<16xf32> to vector<16xf32>
    %swap3A_24 = vector.shape_cast %broadcast_in_dim3A_20 : vector<16xf32> to vector<16xf32>
    tpu.vector_store %arg6[%swap3A_21], %swap3A_24 {strides = array<i32>} : memref<128xf32, #tpu.memory_space<vmem>>, vector<16xf32>,
    %broadcast_in_dim3A_25 = arith.constant 1.000000e+00 : f32
    %broadcast_in_dim3A_26 = vector.broadcast %broadcast_in_dim3A_25 : f32 to vector<16xf32>
    %swap3A_27 = arith.constant 64 : index
    %swap3A_28 = tpu.vector_load %arg6[%swap3A_27] {strides = array<i32>} : memref<128xf32, #tpu.memory_space<vmem>>, vector<16xf32>,
    %swap3A_29 = vector.shape_cast %swap3A_28 : vector<16xf32> to vector<16xf32>
    %swap3A_30 = vector.shape_cast %broadcast_in_dim3A_26 : vector<16xf32> to vector<16xf32>
    tpu.vector_store %arg6[%swap3A_27], %swap3A_30 {strides = array<i32>} : memref<128xf32, #tpu.memory_space<vmem>>, vector<16xf32>,
    %broadcast_in_dim3A_31 = arith.constant 1.000000e+00 : f32
    %broadcast_in_dim3A_32 = vector.broadcast %broadcast_in_dim3A_31 : f32 to vector<16xf32>
    %swap3A_33 = arith.constant 80 : index
    %swap3A_34 = tpu.vector_load %arg6[%swap3A_33] {strides = array<i32>} : memref<128xf32, #tpu.memory_space<vmem>>, vector<16xf32>,
    %swap3A_35 = vector.shape_cast %swap3A_34 : vector<16xf32> to vector<16xf32>
    %swap3A_36 = vector.shape_cast %broadcast_in_dim3A_32 : vector<16xf32> to vector<16xf32>
    tpu.vector_store %arg6[%swap3A_33], %swap3A_36 {strides = array<i32>} : memref<128xf32, #tpu.memory_space<vmem>>, vector<16xf32>,
    %broadcast_in_dim3A_37 = arith.constant 1.000000e+00 : f32
    %broadcast_in_dim3A_38 = vector.broadcast %broadcast_in_dim3A_37 : f32 to vector<16xf32>
    %swap3A_39 = arith.constant 96 : index
    %swap3A_40 = tpu.vector_load %arg6[%swap3A_39] {strides = array<i32>} : memref<128xf32, #tpu.memory_space<vmem>>, vector<16xf32>,
    %swap3A_41 = vector.shape_cast %swap3A_40 : vector<16xf32> to vector<16xf32>
    %swap3A_42 = vector.shape_cast %broadcast_in_dim3A_38 : vector<16xf32> to vector<16xf32>
    tpu.vector_store %arg6[%swap3A_39], %swap3A_42 {strides = array<i32>} : memref<128xf32, #tpu.memory_space<vmem>>, vector<16xf32>,
    %broadcast_in_dim3A_43 = arith.constant 1.000000e+00 : f32
    %broadcast_in_dim3A_44 = vector.broadcast %broadcast_in_dim3A_43 : f32 to vector<16xf32>
    %swap3A_45 = arith.constant 112 : index
    %swap3A_46 = tpu.vector_load %arg6[%swap3A_45] {strides = array<i32>} : memref<128xf32, #tpu.memory_space<vmem>>, vector<16xf32>,
    %swap3A_47 = vector.shape_cast %swap3A_46 : vector<16xf32> to vector<16xf32>
    %swap3A_48 = vector.shape_cast %broadcast_in_dim3A_44 : vector<16xf32> to vector<16xf32>
    tpu.vector_store %arg6[%swap3A_45], %swap3A_48 {strides = array<i32>} : memref<128xf32, #tpu.memory_space<vmem>>, vector<16xf32>,
    %mul3A_49 = arith.constant 80 : i32
    %mul3A_50 = arith.muli %add3A, %mul3A_49 : i32
    "tpu.region"() ({
      %run_scoped3A = tpu.sem_alloc : memref<!tpu.dma_semaphore, #tpu.memory_space<semaphore_mem>>
      %dma_start3A = arith.constant 0 : i32
      %dma_start3A_57 = tpu.memref_slice %arg2[%mul3A_50, %dma_start3A] : memref<2560x128xi32, #tpu.memory_space<hbm>> -> memref<80x128xi32, #tpu.memory_space<hbm>>
      %dma_start3A_58 = arith.constant 0 : i32
      %dma_start3A_59 = tpu.memref_slice %arg2[%mul3A_50, %dma_start3A_58] : memref<2560x128xi32, #tpu.memory_space<hbm>> -> memref<80x128xi32, #tpu.memory_space<hbm>>
      tpu.enqueue_dma source(%dma_start3A_59 : memref<80x128xi32, #tpu.memory_space<hbm>>) target(%arg5 : memref<80x128xi32, #tpu.memory_space<vmem>>) target_semaphore(%run_scoped3A : memref<!tpu.dma_semaphore, #tpu.memory_space<semaphore_mem>>)
      %dma_wait3A = arith.constant 0 : i32
      %dma_wait3A_60 = tpu.memref_slice %arg2[%mul3A_50, %dma_wait3A] : memref<2560x128xi32, #tpu.memory_space<hbm>> -> memref<80x128xi32, #tpu.memory_space<hbm>>
      %dma_wait3A_61 = arith.constant 0 : i32
      %dma_wait3A_62 = tpu.memref_slice %arg2[%mul3A_50, %dma_wait3A_61] : memref<2560x128xi32, #tpu.memory_space<hbm>> -> memref<80x128xi32, #tpu.memory_space<hbm>>
      tpu.wait_dma2 semaphore(%run_scoped3A : memref<!tpu.dma_semaphore, #tpu.memory_space<semaphore_mem>>) src(%dma_wait3A_62 : memref<80x128xi32, #tpu.memory_space<hbm>>) dst(%arg5 : memref<80x128xi32, #tpu.memory_space<vmem>>)
      tpu.yield
    }) : () -> ()
    %barrier3A = arith.constant 0 : index
    tpu.barrier barrier_id(%barrier3A)
    %scan3A = arith.constant 0 : i32
    %scan3A_51 = arith.constant 0 : i32
    %scan3A_52 = arith.constant 80 : i32
    %scan3A_53 = arith.addi %scan3A_51, %scan3A_52 : i32
    %scan3A_54 = arith.constant 1 : i32
    scf.for %scan3A_57 = %scan3A_51 to %scan3A_53 step %scan3A_54  : i32 {
      "tpu.region"() ({
        %run_scoped3A = tpu.sem_alloc : memref<!tpu.dma_semaphore, #tpu.memory_space<semaphore_mem>>
        %dma_start3A = arith.constant 0 : i32
        %dma_start3A_58 = tpu.memref_slice %arg5[%scan3A_57, %dma_start3A] : memref<80x128xi32, #tpu.memory_space<vmem>> -> memref<1x128xi32, #tpu.memory_space<vmem>>
        %dma_start3A_59 = tpu.memref_squeeze %dma_start3A_58 : memref<1x128xi32, #tpu.memory_space<vmem>> -> memref<128xi32, #tpu.memory_space<vmem>>
        %dma_start3A_60 = arith.constant 0 : i32
        %dma_start3A_61 = tpu.memref_slice %arg7[%dma_start3A_60] : memref<10240xf32, #tpu.memory_space<vmem_shared>> -> memref<10240xf32, #tpu.memory_space<vmem_shared>>
        tpu.enqueue_indirect_dma source(%arg6 : memref<128xf32, #tpu.memory_space<vmem>>) target(%dma_start3A_61 : memref<10240xf32, #tpu.memory_space<vmem_shared>>) offsets(%dma_start3A_59 : memref<128xi32, #tpu.memory_space<vmem>>) semaphore(%run_scoped3A : memref<!tpu.dma_semaphore, #tpu.memory_space<semaphore_mem>>) {add = true}
        %dma_wait3A = arith.constant 0 : i32
        %dma_wait3A_62 = tpu.memref_slice %arg5[%scan3A_57, %dma_wait3A] : memref<80x128xi32, #tpu.memory_space<vmem>> -> memref<1x128xi32, #tpu.memory_space<vmem>>
        %dma_wait3A_63 = tpu.memref_squeeze %dma_wait3A_62 : memref<1x128xi32, #tpu.memory_space<vmem>> -> memref<128xi32, #tpu.memory_space<vmem>>
        %dma_wait3A_64 = arith.constant 0 : i32
        %dma_wait3A_65 = tpu.memref_slice %arg7[%dma_wait3A_64] : memref<10240xf32, #tpu.memory_space<vmem_shared>> -> memref<10240xf32, #tpu.memory_space<vmem_shared>>
        tpu.wait_indirect_dma semaphore(%run_scoped3A : memref<!tpu.dma_semaphore, #tpu.memory_space<semaphore_mem>>) src(%arg6 : memref<128xf32, #tpu.memory_space<vmem>>) dst(%dma_wait3A_65 : memref<10240xf32, #tpu.memory_space<vmem_shared>>)
        tpu.yield
      }) : () -> ()
    }
    %scan3A_55 = arith.constant 80 : i32
    %barrier3A_56 = arith.constant 0 : index
    tpu.barrier barrier_id(%barrier3A_56)
    "tpu.region"() ({
      %run_scoped3A = tpu.sem_alloc : memref<!tpu.dma_semaphore, #tpu.memory_space<semaphore_mem>>
      %dma_start3A = tpu.memref_slice %arg4[%arg0, %mul3A_2] : memref<2x10240xf32, #tpu.memory_space<hbm>> -> memref<1x640xf32, #tpu.memory_space<hbm>>
      %dma_start3A_57 = tpu.memref_squeeze %dma_start3A : memref<1x640xf32, #tpu.memory_space<hbm>> -> memref<640xf32, #tpu.memory_space<hbm>>
      %dma_start3A_58 = tpu.memref_slice %arg7[%mul3A_2] : memref<10240xf32, #tpu.memory_space<vmem_shared>> -> memref<640xf32, #tpu.memory_space<vmem_shared>>
      tpu.enqueue_dma source(%dma_start3A_58 : memref<640xf32, #tpu.memory_space<vmem_shared>>) target(%dma_start3A_57 : memref<640xf32, #tpu.memory_space<hbm>>) target_semaphore(%run_scoped3A : memref<!tpu.dma_semaphore, #tpu.memory_space<semaphore_mem>>)
      %dma_wait3A = tpu.memref_slice %arg4[%arg0, %mul3A_2] : memref<2x10240xf32, #tpu.memory_space<hbm>> -> memref<1x640xf32, #tpu.memory_space<hbm>>
      %dma_wait3A_59 = tpu.memref_squeeze %dma_wait3A : memref<1x640xf32, #tpu.memory_space<hbm>> -> memref<640xf32, #tpu.memory_space<hbm>>
      %dma_wait3A_60 = tpu.memref_slice %arg7[%mul3A_2] : memref<10240xf32, #tpu.memory_space<vmem_shared>> -> memref<640xf32, #tpu.memory_space<vmem_shared>>
      tpu.wait_dma2 semaphore(%run_scoped3A : memref<!tpu.dma_semaphore, #tpu.memory_space<semaphore_mem>>) src(%dma_wait3A_60 : memref<640xf32, #tpu.memory_space<vmem_shared>>) dst(%dma_wait3A_59 : memref<640xf32, #tpu.memory_space<hbm>>)
      tpu.yield
    }) : () -> ()
    return
  }
}

#map = affine_map<(d0, d1) -> (0, 0)>
#map1 = affine_map<(d0, d1) -> (0, 0, 0)>
module attributes {stable_mosaic.version = 14 : i64} {
  func.func @_sc_agg_body(%arg0: i32, %arg1: i32, %arg2: memref<10240x128xf32, #tpu.memory_space<hbm>>, %arg3: memref<2560x128xi32, #tpu.memory_space<hbm>>, %arg4: memref<2560x128xi32, #tpu.memory_space<hbm>>, %arg5: memref<10240x128xf32, #tpu.memory_space<hbm>>, %arg6: memref<2x10240x128xf32, #tpu.memory_space<hbm>>, %arg7: memref<2x128xi32, #tpu.memory_space<vmem>>, %arg8: memref<4x128xi32, #tpu.memory_space<vmem>>, %arg9: memref<128x128xf32, #tpu.memory_space<vmem>>, %arg10: memref<128x128xf32, #tpu.memory_space<vmem>>, %arg11: memref<10240x128xf32, #tpu.memory_space<vmem_shared>>, %arg12: memref<!tpu.dma_semaphore, #tpu.memory_space<semaphore_mem>>, %arg13: memref<!tpu.dma_semaphore, #tpu.memory_space<semaphore_mem>>, %arg14: memref<!tpu.dma_semaphore, #tpu.memory_space<semaphore_mem>>, %arg15: memref<!tpu.dma_semaphore, #tpu.memory_space<semaphore_mem>>, %arg16: memref<!tpu.dma_semaphore, #tpu.memory_space<semaphore_mem>>, %arg17: memref<!tpu.dma_semaphore, #tpu.memory_space<semaphore_mem>>) attributes {dimension_semantics = [#tpu.dimension_semantics<core_parallel>, #tpu.dimension_semantics<subcore_parallel>], iteration_bounds = array<i64: 2, 16>, scalar_prefetch = 0 : i64, scratch_operands = 11 : i64, tpu.core_type = #tpu.core_type<sc_vector_subcore>, window_params = [{transform_indices = #map}, {transform_indices = #map}, {transform_indices = #map}, {transform_indices = #map}, {transform_indices = #map1}]} {
    %mul3A = arith.constant 2 : i32
    %mul3A_0 = arith.muli %arg1, %mul3A : i32
    %add3A = arith.addi %mul3A_0, %arg0 : i32
    %mul3A_1 = arith.constant 640 : i32
    %mul3A_2 = arith.muli %arg1, %mul3A_1 : i32
    %mul3A_3 = arith.constant 80 : i32
    %mul3A_4 = arith.muli %add3A, %mul3A_3 : i32
    %eq3A = arith.constant 0 : i32
    %eq3A_5 = arith.cmpi eq, %arg0, %eq3A : i32
    %convert_element_type3A = arith.extui %eq3A_5 : i1 to i32
    %cond3A = arith.constant 0 : i32
    %cond3A_6 = arith.cmpi ne, %convert_element_type3A, %cond3A : i32
    scf.if %cond3A_6 {
      "tpu.region"() ({
        %run_scoped3A = tpu.sem_alloc : memref<!tpu.dma_semaphore, #tpu.memory_space<semaphore_mem>>
        %dma_start3A_97 = arith.constant 0 : i32
        %dma_start3A_98 = tpu.memref_slice %arg11[%mul3A_2, %dma_start3A_97] : memref<10240x128xf32, #tpu.memory_space<vmem_shared>> -> memref<640x128xf32, #tpu.memory_space<vmem_shared>>
        %dma_start3A_99 = arith.constant 0 : i32
        %dma_start3A_100 = tpu.memref_slice %arg2[%mul3A_2, %dma_start3A_99] : memref<10240x128xf32, #tpu.memory_space<hbm>> -> memref<640x128xf32, #tpu.memory_space<hbm>>
        tpu.enqueue_dma source(%dma_start3A_100 : memref<640x128xf32, #tpu.memory_space<hbm>>) target(%dma_start3A_98 : memref<640x128xf32, #tpu.memory_space<vmem_shared>>) target_semaphore(%run_scoped3A : memref<!tpu.dma_semaphore, #tpu.memory_space<semaphore_mem>>)
        %dma_wait3A_101 = arith.constant 0 : i32
        %dma_wait3A_102 = tpu.memref_slice %arg11[%mul3A_2, %dma_wait3A_101] : memref<10240x128xf32, #tpu.memory_space<vmem_shared>> -> memref<640x128xf32, #tpu.memory_space<vmem_shared>>
        %dma_wait3A_103 = arith.constant 0 : i32
        %dma_wait3A_104 = tpu.memref_slice %arg2[%mul3A_2, %dma_wait3A_103] : memref<10240x128xf32, #tpu.memory_space<hbm>> -> memref<640x128xf32, #tpu.memory_space<hbm>>
        tpu.wait_dma2 semaphore(%run_scoped3A : memref<!tpu.dma_semaphore, #tpu.memory_space<semaphore_mem>>) src(%dma_wait3A_104 : memref<640x128xf32, #tpu.memory_space<hbm>>) dst(%dma_wait3A_102 : memref<640x128xf32, #tpu.memory_space<vmem_shared>>)
        tpu.yield
      }) : () -> ()
    } else {
    }
    %ne3A = arith.constant 0 : i32
    %ne3A_7 = arith.cmpi ne, %arg0, %ne3A : i32
    %convert_element_type3A_8 = arith.extui %ne3A_7 : i1 to i32
    %cond3A_9 = arith.constant 0 : i32
    %cond3A_10 = arith.cmpi ne, %convert_element_type3A_8, %cond3A_9 : i32
    scf.if %cond3A_10 {
      "tpu.region"() ({
        %run_scoped3A = tpu.sem_alloc : memref<!tpu.dma_semaphore, #tpu.memory_space<semaphore_mem>>
        %dma_start3A_97 = arith.constant 0 : i32
        %dma_start3A_98 = tpu.memref_slice %arg11[%mul3A_2, %dma_start3A_97] : memref<10240x128xf32, #tpu.memory_space<vmem_shared>> -> memref<640x128xf32, #tpu.memory_space<vmem_shared>>
        %dma_start3A_99 = arith.constant 0 : i32
        %dma_start3A_100 = tpu.memref_slice %arg5[%mul3A_2, %dma_start3A_99] : memref<10240x128xf32, #tpu.memory_space<hbm>> -> memref<640x128xf32, #tpu.memory_space<hbm>>
        tpu.enqueue_dma source(%dma_start3A_100 : memref<640x128xf32, #tpu.memory_space<hbm>>) target(%dma_start3A_98 : memref<640x128xf32, #tpu.memory_space<vmem_shared>>) target_semaphore(%run_scoped3A : memref<!tpu.dma_semaphore, #tpu.memory_space<semaphore_mem>>)
        %dma_wait3A_101 = arith.constant 0 : i32
        %dma_wait3A_102 = tpu.memref_slice %arg11[%mul3A_2, %dma_wait3A_101] : memref<10240x128xf32, #tpu.memory_space<vmem_shared>> -> memref<640x128xf32, #tpu.memory_space<vmem_shared>>
        %dma_wait3A_103 = arith.constant 0 : i32
        %dma_wait3A_104 = tpu.memref_slice %arg5[%mul3A_2, %dma_wait3A_103] : memref<10240x128xf32, #tpu.memory_space<hbm>> -> memref<640x128xf32, #tpu.memory_space<hbm>>
        tpu.wait_dma2 semaphore(%run_scoped3A : memref<!tpu.dma_semaphore, #tpu.memory_space<semaphore_mem>>) src(%dma_wait3A_104 : memref<640x128xf32, #tpu.memory_space<hbm>>) dst(%dma_wait3A_102 : memref<640x128xf32, #tpu.memory_space<vmem_shared>>)
        tpu.yield
      }) : () -> ()
    } else {
    }
    %add3A_11 = arith.constant 0 : i32
    %add3A_12 = arith.addi %mul3A_4, %add3A_11 : i32
    %dma_start3A = arith.constant 0 : i32
    %dma_start3A_13 = arith.constant 0 : i32
    %dma_start3A_14 = tpu.memref_slice %arg7[%dma_start3A, %dma_start3A_13] : memref<2x128xi32, #tpu.memory_space<vmem>> -> memref<1x128xi32, #tpu.memory_space<vmem>>
    %dma_start3A_15 = arith.constant 0 : i32
    %dma_start3A_16 = tpu.memref_slice %arg3[%add3A_12, %dma_start3A_15] : memref<2560x128xi32, #tpu.memory_space<hbm>> -> memref<1x128xi32, #tpu.memory_space<hbm>>
    %dma_start3A_17 = arith.constant 0 : i32
    %dma_start3A_18 = arith.constant 0 : i32
    %dma_start3A_19 = tpu.memref_slice %arg7[%dma_start3A_17, %dma_start3A_18] : memref<2x128xi32, #tpu.memory_space<vmem>> -> memref<1x128xi32, #tpu.memory_space<vmem>>
    %dma_start3A_20 = arith.constant 0 : i32
    %dma_start3A_21 = tpu.memref_slice %arg3[%add3A_12, %dma_start3A_20] : memref<2560x128xi32, #tpu.memory_space<hbm>> -> memref<1x128xi32, #tpu.memory_space<hbm>>
    tpu.enqueue_dma source(%dma_start3A_21 : memref<1x128xi32, #tpu.memory_space<hbm>>) target(%dma_start3A_19 : memref<1x128xi32, #tpu.memory_space<vmem>>) target_semaphore(%arg16 : memref<!tpu.dma_semaphore, #tpu.memory_space<semaphore_mem>>)
    %add3A_22 = arith.constant 0 : i32
    %add3A_23 = arith.addi %mul3A_4, %add3A_22 : i32
    %dma_start3A_24 = arith.constant 0 : i32
    %dma_start3A_25 = arith.constant 0 : i32
    %dma_start3A_26 = tpu.memref_slice %arg8[%dma_start3A_24, %dma_start3A_25] : memref<4x128xi32, #tpu.memory_space<vmem>> -> memref<1x128xi32, #tpu.memory_space<vmem>>
    %dma_start3A_27 = arith.constant 0 : i32
    %dma_start3A_28 = tpu.memref_slice %arg4[%add3A_23, %dma_start3A_27] : memref<2560x128xi32, #tpu.memory_space<hbm>> -> memref<1x128xi32, #tpu.memory_space<hbm>>
    %dma_start3A_29 = arith.constant 0 : i32
    %dma_start3A_30 = arith.constant 0 : i32
    %dma_start3A_31 = tpu.memref_slice %arg8[%dma_start3A_29, %dma_start3A_30] : memref<4x128xi32, #tpu.memory_space<vmem>> -> memref<1x128xi32, #tpu.memory_space<vmem>>
    %dma_start3A_32 = arith.constant 0 : i32
    %dma_start3A_33 = tpu.memref_slice %arg4[%add3A_23, %dma_start3A_32] : memref<2560x128xi32, #tpu.memory_space<hbm>> -> memref<1x128xi32, #tpu.memory_space<hbm>>
    tpu.enqueue_dma source(%dma_start3A_33 : memref<1x128xi32, #tpu.memory_space<hbm>>) target(%dma_start3A_31 : memref<1x128xi32, #tpu.memory_space<vmem>>) target_semaphore(%arg16 : memref<!tpu.dma_semaphore, #tpu.memory_space<semaphore_mem>>)
    %add3A_34 = arith.constant 1 : i32
    %add3A_35 = arith.addi %mul3A_4, %add3A_34 : i32
    %dma_start3A_36 = arith.constant 1 : i32
    %dma_start3A_37 = arith.constant 0 : i32
    %dma_start3A_38 = tpu.memref_slice %arg7[%dma_start3A_36, %dma_start3A_37] : memref<2x128xi32, #tpu.memory_space<vmem>> -> memref<1x128xi32, #tpu.memory_space<vmem>>
    %dma_start3A_39 = arith.constant 0 : i32
    %dma_start3A_40 = tpu.memref_slice %arg3[%add3A_35, %dma_start3A_39] : memref<2560x128xi32, #tpu.memory_space<hbm>> -> memref<1x128xi32, #tpu.memory_space<hbm>>
    %dma_start3A_41 = arith.constant 1 : i32
    %dma_start3A_42 = arith.constant 0 : i32
    %dma_start3A_43 = tpu.memref_slice %arg7[%dma_start3A_41, %dma_start3A_42] : memref<2x128xi32, #tpu.memory_space<vmem>> -> memref<1x128xi32, #tpu.memory_space<vmem>>
    %dma_start3A_44 = arith.constant 0 : i32
    %dma_start3A_45 = tpu.memref_slice %arg3[%add3A_35, %dma_start3A_44] : memref<2560x128xi32, #tpu.memory_space<hbm>> -> memref<1x128xi32, #tpu.memory_space<hbm>>
    tpu.enqueue_dma source(%dma_start3A_45 : memref<1x128xi32, #tpu.memory_space<hbm>>) target(%dma_start3A_43 : memref<1x128xi32, #tpu.memory_space<vmem>>) target_semaphore(%arg17 : memref<!tpu.dma_semaphore, #tpu.memory_space<semaphore_mem>>)
    %add3A_46 = arith.constant 1 : i32
    %add3A_47 = arith.addi %mul3A_4, %add3A_46 : i32
    %dma_start3A_48 = arith.constant 1 : i32
    %dma_start3A_49 = arith.constant 0 : i32
    %dma_start3A_50 = tpu.memref_slice %arg8[%dma_start3A_48, %dma_start3A_49] : memref<4x128xi32, #tpu.memory_space<vmem>> -> memref<1x128xi32, #tpu.memory_space<vmem>>
    %dma_start3A_51 = arith.constant 0 : i32
    %dma_start3A_52 = tpu.memref_slice %arg4[%add3A_47, %dma_start3A_51] : memref<2560x128xi32, #tpu.memory_space<hbm>> -> memref<1x128xi32, #tpu.memory_space<hbm>>
    %dma_start3A_53 = arith.constant 1 : i32
    %dma_start3A_54 = arith.constant 0 : i32
    %dma_start3A_55 = tpu.memref_slice %arg8[%dma_start3A_53, %dma_start3A_54] : memref<4x128xi32, #tpu.memory_space<vmem>> -> memref<1x128xi32, #tpu.memory_space<vmem>>
    %dma_start3A_56 = arith.constant 0 : i32
    %dma_start3A_57 = tpu.memref_slice %arg4[%add3A_47, %dma_start3A_56] : memref<2560x128xi32, #tpu.memory_space<hbm>> -> memref<1x128xi32, #tpu.memory_space<hbm>>
    tpu.enqueue_dma source(%dma_start3A_57 : memref<1x128xi32, #tpu.memory_space<hbm>>) target(%dma_start3A_55 : memref<1x128xi32, #tpu.memory_space<vmem>>) target_semaphore(%arg17 : memref<!tpu.dma_semaphore, #tpu.memory_space<semaphore_mem>>)
    %dma_wait3A = arith.constant 0 : i32
    %dma_wait3A_58 = arith.constant 0 : i32
    %dma_wait3A_59 = tpu.memref_slice %arg7[%dma_wait3A, %dma_wait3A_58] : memref<2x128xi32, #tpu.memory_space<vmem>> -> memref<1x128xi32, #tpu.memory_space<vmem>>
    %dma_wait3A_60 = arith.constant 0 : i32
    %dma_wait3A_61 = tpu.memref_slice %arg3[%mul3A_4, %dma_wait3A_60] : memref<2560x128xi32, #tpu.memory_space<hbm>> -> memref<1x128xi32, #tpu.memory_space<hbm>>
    %dma_wait3A_62 = arith.constant 0 : i32
    %dma_wait3A_63 = arith.constant 0 : i32
    %dma_wait3A_64 = tpu.memref_slice %arg7[%dma_wait3A_62, %dma_wait3A_63] : memref<2x128xi32, #tpu.memory_space<vmem>> -> memref<1x128xi32, #tpu.memory_space<vmem>>
    %dma_wait3A_65 = arith.constant 0 : i32
    %dma_wait3A_66 = tpu.memref_slice %arg3[%mul3A_4, %dma_wait3A_65] : memref<2560x128xi32, #tpu.memory_space<hbm>> -> memref<1x128xi32, #tpu.memory_space<hbm>>
    tpu.wait_dma2 semaphore(%arg16 : memref<!tpu.dma_semaphore, #tpu.memory_space<semaphore_mem>>) src(%dma_wait3A_66 : memref<1x128xi32, #tpu.memory_space<hbm>>) dst(%dma_wait3A_64 : memref<1x128xi32, #tpu.memory_space<vmem>>)
    %dma_wait3A_67 = arith.constant 0 : i32
    %dma_wait3A_68 = arith.constant 0 : i32
    %dma_wait3A_69 = tpu.memref_slice %arg8[%dma_wait3A_67, %dma_wait3A_68] : memref<4x128xi32, #tpu.memory_space<vmem>> -> memref<1x128xi32, #tpu.memory_space<vmem>>
    %dma_wait3A_70 = arith.constant 0 : i32
    %dma_wait3A_71 = tpu.memref_slice %arg4[%mul3A_4, %dma_wait3A_70] : memref<2560x128xi32, #tpu.memory_space<hbm>> -> memref<1x128xi32, #tpu.memory_space<hbm>>
    %dma_wait3A_72 = arith.constant 0 : i32
    %dma_wait3A_73 = arith.constant 0 : i32
    %dma_wait3A_74 = tpu.memref_slice %arg8[%dma_wait3A_72, %dma_wait3A_73] : memref<4x128xi32, #tpu.memory_space<vmem>> -> memref<1x128xi32, #tpu.memory_space<vmem>>
    %dma_wait3A_75 = arith.constant 0 : i32
    %dma_wait3A_76 = tpu.memref_slice %arg4[%mul3A_4, %dma_wait3A_75] : memref<2560x128xi32, #tpu.memory_space<hbm>> -> memref<1x128xi32, #tpu.memory_space<hbm>>
    tpu.wait_dma2 semaphore(%arg16 : memref<!tpu.dma_semaphore, #tpu.memory_space<semaphore_mem>>) src(%dma_wait3A_76 : memref<1x128xi32, #tpu.memory_space<hbm>>) dst(%dma_wait3A_74 : memref<1x128xi32, #tpu.memory_space<vmem>>)
    %dma_start3A_77 = arith.constant 0 : i32
    %dma_start3A_78 = arith.constant 0 : i32
    %dma_start3A_79 = tpu.memref_slice %arg7[%dma_start3A_77, %dma_start3A_78] : memref<2x128xi32, #tpu.memory_space<vmem>> -> memref<1x128xi32, #tpu.memory_space<vmem>>
    %dma_start3A_80 = tpu.memref_squeeze %dma_start3A_79 : memref<1x128xi32, #tpu.memory_space<vmem>> -> memref<128xi32, #tpu.memory_space<vmem>>
    %dma_start3A_81 = arith.constant 0 : i32
    %dma_start3A_82 = arith.constant 0 : i32
    %dma_start3A_83 = tpu.memref_slice %arg2[%dma_start3A_81, %dma_start3A_82] : memref<10240x128xf32, #tpu.memory_space<hbm>> -> memref<10240x128xf32, #tpu.memory_space<hbm>>
    tpu.enqueue_indirect_dma source(%dma_start3A_83 : memref<10240x128xf32, #tpu.memory_space<hbm>>) target(%arg9 : memref<128x128xf32, #tpu.memory_space<vmem>>) offsets(%dma_start3A_80 : memref<128xi32, #tpu.memory_space<vmem>>) semaphore(%arg12 : memref<!tpu.dma_semaphore, #tpu.memory_space<semaphore_mem>>)
    %barrier3A = arith.constant 0 : index
    tpu.barrier barrier_id(%barrier3A)
    %scan3A = arith.constant 0 : i32
    %scan3A_84 = arith.constant 0 : i32
    %scan3A_85 = arith.constant 20 : i32
    %scan3A_86 = arith.addi %scan3A_84, %scan3A_85 : i32
    %scan3A_87 = arith.constant 1 : i32
    scf.for %scan3A_97 = %scan3A_84 to %scan3A_86 step %scan3A_87  : i32 {
      %mul3A_98 = arith.constant 4 : i32
      %mul3A_99 = arith.muli %scan3A_97, %mul3A_98 : i32
      %add3A_100 = arith.constant 0 : i32
      %add3A_101 = arith.addi %mul3A_99, %add3A_100 : i32
      %add3A_102 = arith.constant 0 : i32
      %add3A_103 = arith.addi %add3A_101, %add3A_102 : i32
      %dma_wait3A_104 = arith.constant 0 : i32
      %dma_wait3A_105 = arith.constant 0 : i32
      %dma_wait3A_106 = tpu.memref_slice %arg7[%dma_wait3A_104, %dma_wait3A_105] : memref<2x128xi32, #tpu.memory_space<vmem>> -> memref<1x128xi32, #tpu.memory_space<vmem>>
      %dma_wait3A_107 = tpu.memref_squeeze %dma_wait3A_106 : memref<1x128xi32, #tpu.memory_space<vmem>> -> memref<128xi32, #tpu.memory_space<vmem>>
      %dma_wait3A_108 = arith.constant 0 : i32
      %dma_wait3A_109 = arith.constant 0 : i32
      %dma_wait3A_110 = tpu.memref_slice %arg2[%dma_wait3A_108, %dma_wait3A_109] : memref<10240x128xf32, #tpu.memory_space<hbm>> -> memref<10240x128xf32, #tpu.memory_space<hbm>>
      tpu.wait_indirect_dma semaphore(%arg12 : memref<!tpu.dma_semaphore, #tpu.memory_space<semaphore_mem>>) src(%dma_wait3A_110 : memref<10240x128xf32, #tpu.memory_space<hbm>>) dst(%arg9 : memref<128x128xf32, #tpu.memory_space<vmem>>)
      %gt3A = arith.constant 0 : i32
      %gt3A_111 = arith.cmpi sgt, %scan3A_97, %gt3A : i32
      %or3A = arith.constant false
      %or3A_112 = arith.ori %gt3A_111, %or3A : i1
      %or3A_113 = arith.constant false
      %or3A_114 = arith.ori %or3A_112, %or3A_113 : i1
      %convert_element_type3A_115 = arith.extui %or3A_114 : i1 to i32
      %cond3A_116 = arith.constant 0 : i32
      %cond3A_117 = arith.cmpi ne, %convert_element_type3A_115, %cond3A_116 : i32
      scf.if %cond3A_117 {
        %dma_wait3A_267 = arith.constant 1 : i32
        %dma_wait3A_268 = arith.constant 0 : i32
        %dma_wait3A_269 = tpu.memref_slice %arg8[%dma_wait3A_267, %dma_wait3A_268] : memref<4x128xi32, #tpu.memory_space<vmem>> -> memref<1x128xi32, #tpu.memory_space<vmem>>
        %dma_wait3A_270 = tpu.memref_squeeze %dma_wait3A_269 : memref<1x128xi32, #tpu.memory_space<vmem>> -> memref<128xi32, #tpu.memory_space<vmem>>
        %dma_wait3A_271 = arith.constant 0 : i32
        %dma_wait3A_272 = arith.constant 0 : i32
        %dma_wait3A_273 = tpu.memref_slice %arg11[%dma_wait3A_271, %dma_wait3A_272] : memref<10240x128xf32, #tpu.memory_space<vmem_shared>> -> memref<10240x128xf32, #tpu.memory_space<vmem_shared>>
        tpu.wait_indirect_dma semaphore(%arg15 : memref<!tpu.dma_semaphore, #tpu.memory_space<semaphore_mem>>) src(%arg10 : memref<128x128xf32, #tpu.memory_space<vmem>>) dst(%dma_wait3A_273 : memref<10240x128xf32, #tpu.memory_space<vmem_shared>>)
      } else {
      }
      %add3A_118 = arith.constant 1 : i32
      %add3A_119 = arith.addi %add3A_103, %add3A_118 : i32
      %lt3A = arith.constant 80 : i32
      %lt3A_120 = arith.cmpi slt, %add3A_119, %lt3A : i32
      %convert_element_type3A_121 = arith.extui %lt3A_120 : i1 to i32
      %cond3A_122 = arith.constant 0 : i32
      %cond3A_123 = arith.cmpi ne, %convert_element_type3A_121, %cond3A_122 : i32
      scf.if %cond3A_123 {
        %dma_wait3A_267 = arith.constant 1 : i32
        %dma_wait3A_268 = arith.constant 0 : i32
        %dma_wait3A_269 = tpu.memref_slice %arg7[%dma_wait3A_267, %dma_wait3A_268] : memref<2x128xi32, #tpu.memory_space<vmem>> -> memref<1x128xi32, #tpu.memory_space<vmem>>
        %dma_wait3A_270 = arith.constant 0 : i32
        %dma_wait3A_271 = tpu.memref_slice %arg3[%mul3A_4, %dma_wait3A_270] : memref<2560x128xi32, #tpu.memory_space<hbm>> -> memref<1x128xi32, #tpu.memory_space<hbm>>
        %dma_wait3A_272 = arith.constant 1 : i32
        %dma_wait3A_273 = arith.constant 0 : i32
        %dma_wait3A_274 = tpu.memref_slice %arg7[%dma_wait3A_272, %dma_wait3A_273] : memref<2x128xi32, #tpu.memory_space<vmem>> -> memref<1x128xi32, #tpu.memory_space<vmem>>
        %dma_wait3A_275 = arith.constant 0 : i32
        %dma_wait3A_276 = tpu.memref_slice %arg3[%mul3A_4, %dma_wait3A_275] : memref<2560x128xi32, #tpu.memory_space<hbm>> -> memref<1x128xi32, #tpu.memory_space<hbm>>
        tpu.wait_dma2 semaphore(%arg17 : memref<!tpu.dma_semaphore, #tpu.memory_space<semaphore_mem>>) src(%dma_wait3A_276 : memref<1x128xi32, #tpu.memory_space<hbm>>) dst(%dma_wait3A_274 : memref<1x128xi32, #tpu.memory_space<vmem>>)
        %dma_wait3A_277 = arith.constant 1 : i32
        %dma_wait3A_278 = arith.constant 0 : i32
        %dma_wait3A_279 = tpu.memref_slice %arg8[%dma_wait3A_277, %dma_wait3A_278] : memref<4x128xi32, #tpu.memory_space<vmem>> -> memref<1x128xi32, #tpu.memory_space<vmem>>
        %dma_wait3A_280 = arith.constant 0 : i32
        %dma_wait3A_281 = tpu.memref_slice %arg4[%mul3A_4, %dma_wait3A_280] : memref<2560x128xi32, #tpu.memory_space<hbm>> -> memref<1x128xi32, #tpu.memory_space<hbm>>
        %dma_wait3A_282 = arith.constant 1 : i32
        %dma_wait3A_283 = arith.constant 0 : i32
        %dma_wait3A_284 = tpu.memref_slice %arg8[%dma_wait3A_282, %dma_wait3A_283] : memref<4x128xi32, #tpu.memory_space<vmem>> -> memref<1x128xi32, #tpu.memory_space<vmem>>
        %dma_wait3A_285 = arith.constant 0 : i32
        %dma_wait3A_286 = tpu.memref_slice %arg4[%mul3A_4, %dma_wait3A_285] : memref<2560x128xi32, #tpu.memory_space<hbm>> -> memref<1x128xi32, #tpu.memory_space<hbm>>
        tpu.wait_dma2 semaphore(%arg17 : memref<!tpu.dma_semaphore, #tpu.memory_space<semaphore_mem>>) src(%dma_wait3A_286 : memref<1x128xi32, #tpu.memory_space<hbm>>) dst(%dma_wait3A_284 : memref<1x128xi32, #tpu.memory_space<vmem>>)
        %dma_start3A_287 = arith.constant 1 : i32
        %dma_start3A_288 = arith.constant 0 : i32
        %dma_start3A_289 = tpu.memref_slice %arg7[%dma_start3A_287, %dma_start3A_288] : memref<2x128xi32, #tpu.memory_space<vmem>> -> memref<1x128xi32, #tpu.memory_space<vmem>>
        %dma_start3A_290 = tpu.memref_squeeze %dma_start3A_289 : memref<1x128xi32, #tpu.memory_space<vmem>> -> memref<128xi32, #tpu.memory_space<vmem>>
        %dma_start3A_291 = arith.constant 0 : i32
        %dma_start3A_292 = arith.constant 0 : i32
        %dma_start3A_293 = tpu.memref_slice %arg2[%dma_start3A_291, %dma_start3A_292] : memref<10240x128xf32, #tpu.memory_space<hbm>> -> memref<10240x128xf32, #tpu.memory_space<hbm>>
        tpu.enqueue_indirect_dma source(%dma_start3A_293 : memref<10240x128xf32, #tpu.memory_space<hbm>>) target(%arg10 : memref<128x128xf32, #tpu.memory_space<vmem>>) offsets(%dma_start3A_290 : memref<128xi32, #tpu.memory_space<vmem>>) semaphore(%arg13 : memref<!tpu.dma_semaphore, #tpu.memory_space<semaphore_mem>>)
      } else {
      }
      %dma_start3A_124 = arith.constant 0 : i32
      %dma_start3A_125 = arith.constant 0 : i32
      %dma_start3A_126 = tpu.memref_slice %arg8[%dma_start3A_124, %dma_start3A_125] : memref<4x128xi32, #tpu.memory_space<vmem>> -> memref<1x128xi32, #tpu.memory_space<vmem>>
      %dma_start3A_127 = tpu.memref_squeeze %dma_start3A_126 : memref<1x128xi32, #tpu.memory_space<vmem>> -> memref<128xi32, #tpu.memory_space<vmem>>
      %dma_start3A_128 = arith.constant 0 : i32
      %dma_start3A_129 = arith.constant 0 : i32
      %dma_start3A_130 = tpu.memref_slice %arg11[%dma_start3A_128, %dma_start3A_129] : memref<10240x128xf32, #tpu.memory_space<vmem_shared>> -> memref<10240x128xf32, #tpu.memory_space<vmem_shared>>
      tpu.enqueue_indirect_dma source(%arg9 : memref<128x128xf32, #tpu.memory_space<vmem>>) target(%dma_start3A_130 : memref<10240x128xf32, #tpu.memory_space<vmem_shared>>) offsets(%dma_start3A_127 : memref<128xi32, #tpu.memory_space<vmem>>) semaphore(%arg14 : memref<!tpu.dma_semaphore, #tpu.memory_space<semaphore_mem>>) {add = true}
      %add3A_131 = arith.constant 2 : i32
      %add3A_132 = arith.addi %add3A_103, %add3A_131 : i32
      %lt3A_133 = arith.constant 80 : i32
      %lt3A_134 = arith.cmpi slt, %add3A_132, %lt3A_133 : i32
      %convert_element_type3A_135 = arith.extui %lt3A_134 : i1 to i32
      %cond3A_136 = arith.constant 0 : i32
      %cond3A_137 = arith.cmpi ne, %convert_element_type3A_135, %cond3A_136 : i32
      scf.if %cond3A_137 {
        %add3A_267 = arith.addi %mul3A_4, %add3A_103 : i32
        %add3A_268 = arith.constant 2 : i32
        %add3A_269 = arith.addi %add3A_267, %add3A_268 : i32
        %dma_start3A_270 = arith.constant 0 : i32
        %dma_start3A_271 = arith.constant 0 : i32
        %dma_start3A_272 = tpu.memref_slice %arg7[%dma_start3A_270, %dma_start3A_271] : memref<2x128xi32, #tpu.memory_space<vmem>> -> memref<1x128xi32, #tpu.memory_space<vmem>>
        %dma_start3A_273 = arith.constant 0 : i32
        %dma_start3A_274 = tpu.memref_slice %arg3[%add3A_269, %dma_start3A_273] : memref<2560x128xi32, #tpu.memory_space<hbm>> -> memref<1x128xi32, #tpu.memory_space<hbm>>
        %dma_start3A_275 = arith.constant 0 : i32
        %dma_start3A_276 = arith.constant 0 : i32
        %dma_start3A_277 = tpu.memref_slice %arg7[%dma_start3A_275, %dma_start3A_276] : memref<2x128xi32, #tpu.memory_space<vmem>> -> memref<1x128xi32, #tpu.memory_space<vmem>>
        %dma_start3A_278 = arith.constant 0 : i32
        %dma_start3A_279 = tpu.memref_slice %arg3[%add3A_269, %dma_start3A_278] : memref<2560x128xi32, #tpu.memory_space<hbm>> -> memref<1x128xi32, #tpu.memory_space<hbm>>
        tpu.enqueue_dma source(%dma_start3A_279 : memref<1x128xi32, #tpu.memory_space<hbm>>) target(%dma_start3A_277 : memref<1x128xi32, #tpu.memory_space<vmem>>) target_semaphore(%arg16 : memref<!tpu.dma_semaphore, #tpu.memory_space<semaphore_mem>>)
        %dma_start3A_280 = arith.constant 2 : i32
        %dma_start3A_281 = arith.constant 0 : i32
        %dma_start3A_282 = tpu.memref_slice %arg8[%dma_start3A_280, %dma_start3A_281] : memref<4x128xi32, #tpu.memory_space<vmem>> -> memref<1x128xi32, #tpu.memory_space<vmem>>
        %dma_start3A_283 = arith.constant 0 : i32
        %dma_start3A_284 = tpu.memref_slice %arg4[%add3A_269, %dma_start3A_283] : memref<2560x128xi32, #tpu.memory_space<hbm>> -> memref<1x128xi32, #tpu.memory_space<hbm>>
        %dma_start3A_285 = arith.constant 2 : i32
        %dma_start3A_286 = arith.constant 0 : i32
        %dma_start3A_287 = tpu.memref_slice %arg8[%dma_start3A_285, %dma_start3A_286] : memref<4x128xi32, #tpu.memory_space<vmem>> -> memref<1x128xi32, #tpu.memory_space<vmem>>
        %dma_start3A_288 = arith.constant 0 : i32
        %dma_start3A_289 = tpu.memref_slice %arg4[%add3A_269, %dma_start3A_288] : memref<2560x128xi32, #tpu.memory_space<hbm>> -> memref<1x128xi32, #tpu.memory_space<hbm>>
        tpu.enqueue_dma source(%dma_start3A_289 : memref<1x128xi32, #tpu.memory_space<hbm>>) target(%dma_start3A_287 : memref<1x128xi32, #tpu.memory_space<vmem>>) target_semaphore(%arg16 : memref<!tpu.dma_semaphore, #tpu.memory_space<semaphore_mem>>)
      } else {
      }
      %mul3A_138 = arith.constant 4 : i32
      %mul3A_139 = arith.muli %scan3A_97, %mul3A_138 : i32
      %add3A_140 = arith.constant 0 : i32
      %add3A_141 = arith.addi %mul3A_139, %add3A_140 : i32
      %add3A_142 = arith.constant 1 : i32
      %add3A_143 = arith.addi %add3A_141, %add3A_142 : i32
      %dma_wait3A_144 = arith.constant 1 : i32
      %dma_wait3A_145 = arith.constant 0 : i32
      %dma_wait3A_146 = tpu.memref_slice %arg7[%dma_wait3A_144, %dma_wait3A_145] : memref<2x128xi32, #tpu.memory_space<vmem>> -> memref<1x128xi32, #tpu.memory_space<vmem>>
      %dma_wait3A_147 = tpu.memref_squeeze %dma_wait3A_146 : memref<1x128xi32, #tpu.memory_space<vmem>> -> memref<128xi32, #tpu.memory_space<vmem>>
      %dma_wait3A_148 = arith.constant 0 : i32
      %dma_wait3A_149 = arith.constant 0 : i32
      %dma_wait3A_150 = tpu.memref_slice %arg2[%dma_wait3A_148, %dma_wait3A_149] : memref<10240x128xf32, #tpu.memory_space<hbm>> -> memref<10240x128xf32, #tpu.memory_space<hbm>>
      tpu.wait_indirect_dma semaphore(%arg13 : memref<!tpu.dma_semaphore, #tpu.memory_space<semaphore_mem>>) src(%dma_wait3A_150 : memref<10240x128xf32, #tpu.memory_space<hbm>>) dst(%arg10 : memref<128x128xf32, #tpu.memory_space<vmem>>)
      %gt3A_151 = arith.constant 0 : i32
      %gt3A_152 = arith.cmpi sgt, %scan3A_97, %gt3A_151 : i32
      %or3A_153 = arith.constant false
      %or3A_154 = arith.ori %gt3A_152, %or3A_153 : i1
      %or3A_155 = arith.constant true
      %or3A_156 = arith.ori %or3A_154, %or3A_155 : i1
      %convert_element_type3A_157 = arith.extui %or3A_156 : i1 to i32
      %cond3A_158 = arith.constant 0 : i32
      %cond3A_159 = arith.cmpi ne, %convert_element_type3A_157, %cond3A_158 : i32
      scf.if %cond3A_159 {
        %dma_wait3A_267 = arith.constant 2 : i32
        %dma_wait3A_268 = arith.constant 0 : i32
        %dma_wait3A_269 = tpu.memref_slice %arg8[%dma_wait3A_267, %dma_wait3A_268] : memref<4x128xi32, #tpu.memory_space<vmem>> -> memref<1x128xi32, #tpu.memory_space<vmem>>
        %dma_wait3A_270 = tpu.memref_squeeze %dma_wait3A_269 : memref<1x128xi32, #tpu.memory_space<vmem>> -> memref<128xi32, #tpu.memory_space<vmem>>
        %dma_wait3A_271 = arith.constant 0 : i32
        %dma_wait3A_272 = arith.constant 0 : i32
        %dma_wait3A_273 = tpu.memref_slice %arg11[%dma_wait3A_271, %dma_wait3A_272] : memref<10240x128xf32, #tpu.memory_space<vmem_shared>> -> memref<10240x128xf32, #tpu.memory_space<vmem_shared>>
        tpu.wait_indirect_dma semaphore(%arg14 : memref<!tpu.dma_semaphore, #tpu.memory_space<semaphore_mem>>) src(%arg9 : memref<128x128xf32, #tpu.memory_space<vmem>>) dst(%dma_wait3A_273 : memref<10240x128xf32, #tpu.memory_space<vmem_shared>>)
      } else {
      }
      %add3A_160 = arith.constant 1 : i32
      %add3A_161 = arith.addi %add3A_143, %add3A_160 : i32
      %lt3A_162 = arith.constant 80 : i32
      %lt3A_163 = arith.cmpi slt, %add3A_161, %lt3A_162 : i32
      %convert_element_type3A_164 = arith.extui %lt3A_163 : i1 to i32
      %cond3A_165 = arith.constant 0 : i32
      %cond3A_166 = arith.cmpi ne, %convert_element_type3A_164, %cond3A_165 : i32
      scf.if %cond3A_166 {
        %dma_wait3A_267 = arith.constant 0 : i32
        %dma_wait3A_268 = arith.constant 0 : i32
        %dma_wait3A_269 = tpu.memref_slice %arg7[%dma_wait3A_267, %dma_wait3A_268] : memref<2x128xi32, #tpu.memory_space<vmem>> -> memref<1x128xi32, #tpu.memory_space<vmem>>
        %dma_wait3A_270 = arith.constant 0 : i32
        %dma_wait3A_271 = tpu.memref_slice %arg3[%mul3A_4, %dma_wait3A_270] : memref<2560x128xi32, #tpu.memory_space<hbm>> -> memref<1x128xi32, #tpu.memory_space<hbm>>
        %dma_wait3A_272 = arith.constant 0 : i32
        %dma_wait3A_273 = arith.constant 0 : i32
        %dma_wait3A_274 = tpu.memref_slice %arg7[%dma_wait3A_272, %dma_wait3A_273] : memref<2x128xi32, #tpu.memory_space<vmem>> -> memref<1x128xi32, #tpu.memory_space<vmem>>
        %dma_wait3A_275 = arith.constant 0 : i32
        %dma_wait3A_276 = tpu.memref_slice %arg3[%mul3A_4, %dma_wait3A_275] : memref<2560x128xi32, #tpu.memory_space<hbm>> -> memref<1x128xi32, #tpu.memory_space<hbm>>
        tpu.wait_dma2 semaphore(%arg16 : memref<!tpu.dma_semaphore, #tpu.memory_space<semaphore_mem>>) src(%dma_wait3A_276 : memref<1x128xi32, #tpu.memory_space<hbm>>) dst(%dma_wait3A_274 : memref<1x128xi32, #tpu.memory_space<vmem>>)
        %dma_wait3A_277 = arith.constant 2 : i32
        %dma_wait3A_278 = arith.constant 0 : i32
        %dma_wait3A_279 = tpu.memref_slice %arg8[%dma_wait3A_277, %dma_wait3A_278] : memref<4x128xi32, #tpu.memory_space<vmem>> -> memref<1x128xi32, #tpu.memory_space<vmem>>
        %dma_wait3A_280 = arith.constant 0 : i32
        %dma_wait3A_281 = tpu.memref_slice %arg4[%mul3A_4, %dma_wait3A_280] : memref<2560x128xi32, #tpu.memory_space<hbm>> -> memref<1x128xi32, #tpu.memory_space<hbm>>
        %dma_wait3A_282 = arith.constant 2 : i32
        %dma_wait3A_283 = arith.constant 0 : i32
        %dma_wait3A_284 = tpu.memref_slice %arg8[%dma_wait3A_282, %dma_wait3A_283] : memref<4x128xi32, #tpu.memory_space<vmem>> -> memref<1x128xi32, #tpu.memory_space<vmem>>
        %dma_wait3A_285 = arith.constant 0 : i32
        %dma_wait3A_286 = tpu.memref_slice %arg4[%mul3A_4, %dma_wait3A_285] : memref<2560x128xi32, #tpu.memory_space<hbm>> -> memref<1x128xi32, #tpu.memory_space<hbm>>
        tpu.wait_dma2 semaphore(%arg16 : memref<!tpu.dma_semaphore, #tpu.memory_space<semaphore_mem>>) src(%dma_wait3A_286 : memref<1x128xi32, #tpu.memory_space<hbm>>) dst(%dma_wait3A_284 : memref<1x128xi32, #tpu.memory_space<vmem>>)
        %dma_start3A_287 = arith.constant 0 : i32
        %dma_start3A_288 = arith.constant 0 : i32
        %dma_start3A_289 = tpu.memref_slice %arg7[%dma_start3A_287, %dma_start3A_288] : memref<2x128xi32, #tpu.memory_space<vmem>> -> memref<1x128xi32, #tpu.memory_space<vmem>>
        %dma_start3A_290 = tpu.memref_squeeze %dma_start3A_289 : memref<1x128xi32, #tpu.memory_space<vmem>> -> memref<128xi32, #tpu.memory_space<vmem>>
        %dma_start3A_291 = arith.constant 0 : i32
        %dma_start3A_292 = arith.constant 0 : i32
        %dma_start3A_293 = tpu.memref_slice %arg2[%dma_start3A_291, %dma_start3A_292] : memref<10240x128xf32, #tpu.memory_space<hbm>> -> memref<10240x128xf32, #tpu.memory_space<hbm>>
        tpu.enqueue_indirect_dma source(%dma_start3A_293 : memref<10240x128xf32, #tpu.memory_space<hbm>>) target(%arg9 : memref<128x128xf32, #tpu.memory_space<vmem>>) offsets(%dma_start3A_290 : memref<128xi32, #tpu.memory_space<vmem>>) semaphore(%arg12 : memref<!tpu.dma_semaphore, #tpu.memory_space<semaphore_mem>>)
      } else {
      }
      %dma_start3A_167 = arith.constant 1 : i32
      %dma_start3A_168 = arith.constant 0 : i32
      %dma_start3A_169 = tpu.memref_slice %arg8[%dma_start3A_167, %dma_start3A_168] : memref<4x128xi32, #tpu.memory_space<vmem>> -> memref<1x128xi32, #tpu.memory_space<vmem>>
      %dma_start3A_170 = tpu.memref_squeeze %dma_start3A_169 : memref<1x128xi32, #tpu.memory_space<vmem>> -> memref<128xi32, #tpu.memory_space<vmem>>
      %dma_start3A_171 = arith.constant 0 : i32
      %dma_start3A_172 = arith.constant 0 : i32
      %dma_start3A_173 = tpu.memref_slice %arg11[%dma_start3A_171, %dma_start3A_172] : memref<10240x128xf32, #tpu.memory_space<vmem_shared>> -> memref<10240x128xf32, #tpu.memory_space<vmem_shared>>
      tpu.enqueue_indirect_dma source(%arg10 : memref<128x128xf32, #tpu.memory_space<vmem>>) target(%dma_start3A_173 : memref<10240x128xf32, #tpu.memory_space<vmem_shared>>) offsets(%dma_start3A_170 : memref<128xi32, #tpu.memory_space<vmem>>) semaphore(%arg15 : memref<!tpu.dma_semaphore, #tpu.memory_space<semaphore_mem>>) {add = true}
      %add3A_174 = arith.constant 2 : i32
      %add3A_175 = arith.addi %add3A_143, %add3A_174 : i32
      %lt3A_176 = arith.constant 80 : i32
      %lt3A_177 = arith.cmpi slt, %add3A_175, %lt3A_176 : i32
      %convert_element_type3A_178 = arith.extui %lt3A_177 : i1 to i32
      %cond3A_179 = arith.constant 0 : i32
      %cond3A_180 = arith.cmpi ne, %convert_element_type3A_178, %cond3A_179 : i32
      scf.if %cond3A_180 {
        %add3A_267 = arith.addi %mul3A_4, %add3A_143 : i32
        %add3A_268 = arith.constant 2 : i32
        %add3A_269 = arith.addi %add3A_267, %add3A_268 : i32
        %dma_start3A_270 = arith.constant 1 : i32
        %dma_start3A_271 = arith.constant 0 : i32
        %dma_start3A_272 = tpu.memref_slice %arg7[%dma_start3A_270, %dma_start3A_271] : memref<2x128xi32, #tpu.memory_space<vmem>> -> memref<1x128xi32, #tpu.memory_space<vmem>>
        %dma_start3A_273 = arith.constant 0 : i32
        %dma_start3A_274 = tpu.memref_slice %arg3[%add3A_269, %dma_start3A_273] : memref<2560x128xi32, #tpu.memory_space<hbm>> -> memref<1x128xi32, #tpu.memory_space<hbm>>
        %dma_start3A_275 = arith.constant 1 : i32
        %dma_start3A_276 = arith.constant 0 : i32
        %dma_start3A_277 = tpu.memref_slice %arg7[%dma_start3A_275, %dma_start3A_276] : memref<2x128xi32, #tpu.memory_space<vmem>> -> memref<1x128xi32, #tpu.memory_space<vmem>>
        %dma_start3A_278 = arith.constant 0 : i32
        %dma_start3A_279 = tpu.memref_slice %arg3[%add3A_269, %dma_start3A_278] : memref<2560x128xi32, #tpu.memory_space<hbm>> -> memref<1x128xi32, #tpu.memory_space<hbm>>
        tpu.enqueue_dma source(%dma_start3A_279 : memref<1x128xi32, #tpu.memory_space<hbm>>) target(%dma_start3A_277 : memref<1x128xi32, #tpu.memory_space<vmem>>) target_semaphore(%arg17 : memref<!tpu.dma_semaphore, #tpu.memory_space<semaphore_mem>>)
        %dma_start3A_280 = arith.constant 3 : i32
        %dma_start3A_281 = arith.constant 0 : i32
        %dma_start3A_282 = tpu.memref_slice %arg8[%dma_start3A_280, %dma_start3A_281] : memref<4x128xi32, #tpu.memory_space<vmem>> -> memref<1x128xi32, #tpu.memory_space<vmem>>
        %dma_start3A_283 = arith.constant 0 : i32
        %dma_start3A_284 = tpu.memref_slice %arg4[%add3A_269, %dma_start3A_283] : memref<2560x128xi32, #tpu.memory_space<hbm>> -> memref<1x128xi32, #tpu.memory_space<hbm>>
        %dma_start3A_285 = arith.constant 3 : i32
        %dma_start3A_286 = arith.constant 0 : i32
        %dma_start3A_287 = tpu.memref_slice %arg8[%dma_start3A_285, %dma_start3A_286] : memref<4x128xi32, #tpu.memory_space<vmem>> -> memref<1x128xi32, #tpu.memory_space<vmem>>
        %dma_start3A_288 = arith.constant 0 : i32
        %dma_start3A_289 = tpu.memref_slice %arg4[%add3A_269, %dma_start3A_288] : memref<2560x128xi32, #tpu.memory_space<hbm>> -> memref<1x128xi32, #tpu.memory_space<hbm>>
        tpu.enqueue_dma source(%dma_start3A_289 : memref<1x128xi32, #tpu.memory_space<hbm>>) target(%dma_start3A_287 : memref<1x128xi32, #tpu.memory_space<vmem>>) target_semaphore(%arg17 : memref<!tpu.dma_semaphore, #tpu.memory_space<semaphore_mem>>)
      } else {
      }
      %mul3A_181 = arith.constant 4 : i32
      %mul3A_182 = arith.muli %scan3A_97, %mul3A_181 : i32
      %add3A_183 = arith.constant 2 : i32
      %add3A_184 = arith.addi %mul3A_182, %add3A_183 : i32
      %add3A_185 = arith.constant 0 : i32
      %add3A_186 = arith.addi %add3A_184, %add3A_185 : i32
      %dma_wait3A_187 = arith.constant 0 : i32
      %dma_wait3A_188 = arith.constant 0 : i32
      %dma_wait3A_189 = tpu.memref_slice %arg7[%dma_wait3A_187, %dma_wait3A_188] : memref<2x128xi32, #tpu.memory_space<vmem>> -> memref<1x128xi32, #tpu.memory_space<vmem>>
      %dma_wait3A_190 = tpu.memref_squeeze %dma_wait3A_189 : memref<1x128xi32, #tpu.memory_space<vmem>> -> memref<128xi32, #tpu.memory_space<vmem>>
      %dma_wait3A_191 = arith.constant 0 : i32
      %dma_wait3A_192 = arith.constant 0 : i32
      %dma_wait3A_193 = tpu.memref_slice %arg2[%dma_wait3A_191, %dma_wait3A_192] : memref<10240x128xf32, #tpu.memory_space<hbm>> -> memref<10240x128xf32, #tpu.memory_space<hbm>>
      tpu.wait_indirect_dma semaphore(%arg12 : memref<!tpu.dma_semaphore, #tpu.memory_space<semaphore_mem>>) src(%dma_wait3A_193 : memref<10240x128xf32, #tpu.memory_space<hbm>>) dst(%arg9 : memref<128x128xf32, #tpu.memory_space<vmem>>)
      %gt3A_194 = arith.constant 0 : i32
      %gt3A_195 = arith.cmpi sgt, %scan3A_97, %gt3A_194 : i32
      %or3A_196 = arith.constant true
      %or3A_197 = arith.ori %gt3A_195, %or3A_196 : i1
      %or3A_198 = arith.constant false
      %or3A_199 = arith.ori %or3A_197, %or3A_198 : i1
      %convert_element_type3A_200 = arith.extui %or3A_199 : i1 to i32
      %cond3A_201 = arith.constant 0 : i32
      %cond3A_202 = arith.cmpi ne, %convert_element_type3A_200, %cond3A_201 : i32
      scf.if %cond3A_202 {
        %dma_wait3A_267 = arith.constant 3 : i32
        %dma_wait3A_268 = arith.constant 0 : i32
        %dma_wait3A_269 = tpu.memref_slice %arg8[%dma_wait3A_267, %dma_wait3A_268] : memref<4x128xi32, #tpu.memory_space<vmem>> -> memref<1x128xi32, #tpu.memory_space<vmem>>
        %dma_wait3A_270 = tpu.memref_squeeze %dma_wait3A_269 : memref<1x128xi32, #tpu.memory_space<vmem>> -> memref<128xi32, #tpu.memory_space<vmem>>
        %dma_wait3A_271 = arith.constant 0 : i32
        %dma_wait3A_272 = arith.constant 0 : i32
        %dma_wait3A_273 = tpu.memref_slice %arg11[%dma_wait3A_271, %dma_wait3A_272] : memref<10240x128xf32, #tpu.memory_space<vmem_shared>> -> memref<10240x128xf32, #tpu.memory_space<vmem_shared>>
        tpu.wait_indirect_dma semaphore(%arg15 : memref<!tpu.dma_semaphore, #tpu.memory_space<semaphore_mem>>) src(%arg10 : memref<128x128xf32, #tpu.memory_space<vmem>>) dst(%dma_wait3A_273 : memref<10240x128xf32, #tpu.memory_space<vmem_shared>>)
      } else {
      }
      %add3A_203 = arith.constant 1 : i32
      %add3A_204 = arith.addi %add3A_186, %add3A_203 : i32
      %lt3A_205 = arith.constant 80 : i32
      %lt3A_206 = arith.cmpi slt, %add3A_204, %lt3A_205 : i32
      %convert_element_type3A_207 = arith.extui %lt3A_206 : i1 to i32
      %cond3A_208 = arith.constant 0 : i32
      %cond3A_209 = arith.cmpi ne, %convert_element_type3A_207, %cond3A_208 : i32
      scf.if %cond3A_209 {
        %dma_wait3A_267 = arith.constant 1 : i32
        %dma_wait3A_268 = arith.constant 0 : i32
        %dma_wait3A_269 = tpu.memref_slice %arg7[%dma_wait3A_267, %dma_wait3A_268] : memref<2x128xi32, #tpu.memory_space<vmem>> -> memref<1x128xi32, #tpu.memory_space<vmem>>
        %dma_wait3A_270 = arith.constant 0 : i32
        %dma_wait3A_271 = tpu.memref_slice %arg3[%mul3A_4, %dma_wait3A_270] : memref<2560x128xi32, #tpu.memory_space<hbm>> -> memref<1x128xi32, #tpu.memory_space<hbm>>
        %dma_wait3A_272 = arith.constant 1 : i32
        %dma_wait3A_273 = arith.constant 0 : i32
        %dma_wait3A_274 = tpu.memref_slice %arg7[%dma_wait3A_272, %dma_wait3A_273] : memref<2x128xi32, #tpu.memory_space<vmem>> -> memref<1x128xi32, #tpu.memory_space<vmem>>
        %dma_wait3A_275 = arith.constant 0 : i32
        %dma_wait3A_276 = tpu.memref_slice %arg3[%mul3A_4, %dma_wait3A_275] : memref<2560x128xi32, #tpu.memory_space<hbm>> -> memref<1x128xi32, #tpu.memory_space<hbm>>
        tpu.wait_dma2 semaphore(%arg17 : memref<!tpu.dma_semaphore, #tpu.memory_space<semaphore_mem>>) src(%dma_wait3A_276 : memref<1x128xi32, #tpu.memory_space<hbm>>) dst(%dma_wait3A_274 : memref<1x128xi32, #tpu.memory_space<vmem>>)
        %dma_wait3A_277 = arith.constant 3 : i32
        %dma_wait3A_278 = arith.constant 0 : i32
        %dma_wait3A_279 = tpu.memref_slice %arg8[%dma_wait3A_277, %dma_wait3A_278] : memref<4x128xi32, #tpu.memory_space<vmem>> -> memref<1x128xi32, #tpu.memory_space<vmem>>
        %dma_wait3A_280 = arith.constant 0 : i32
        %dma_wait3A_281 = tpu.memref_slice %arg4[%mul3A_4, %dma_wait3A_280] : memref<2560x128xi32, #tpu.memory_space<hbm>> -> memref<1x128xi32, #tpu.memory_space<hbm>>
        %dma_wait3A_282 = arith.constant 3 : i32
        %dma_wait3A_283 = arith.constant 0 : i32
        %dma_wait3A_284 = tpu.memref_slice %arg8[%dma_wait3A_282, %dma_wait3A_283] : memref<4x128xi32, #tpu.memory_space<vmem>> -> memref<1x128xi32, #tpu.memory_space<vmem>>
        %dma_wait3A_285 = arith.constant 0 : i32
        %dma_wait3A_286 = tpu.memref_slice %arg4[%mul3A_4, %dma_wait3A_285] : memref<2560x128xi32, #tpu.memory_space<hbm>> -> memref<1x128xi32, #tpu.memory_space<hbm>>
        tpu.wait_dma2 semaphore(%arg17 : memref<!tpu.dma_semaphore, #tpu.memory_space<semaphore_mem>>) src(%dma_wait3A_286 : memref<1x128xi32, #tpu.memory_space<hbm>>) dst(%dma_wait3A_284 : memref<1x128xi32, #tpu.memory_space<vmem>>)
        %dma_start3A_287 = arith.constant 1 : i32
        %dma_start3A_288 = arith.constant 0 : i32
        %dma_start3A_289 = tpu.memref_slice %arg7[%dma_start3A_287, %dma_start3A_288] : memref<2x128xi32, #tpu.memory_space<vmem>> -> memref<1x128xi32, #tpu.memory_space<vmem>>
        %dma_start3A_290 = tpu.memref_squeeze %dma_start3A_289 : memref<1x128xi32, #tpu.memory_space<vmem>> -> memref<128xi32, #tpu.memory_space<vmem>>
        %dma_start3A_291 = arith.constant 0 : i32
        %dma_start3A_292 = arith.constant 0 : i32
        %dma_start3A_293 = tpu.memref_slice %arg2[%dma_start3A_291, %dma_start3A_292] : memref<10240x128xf32, #tpu.memory_space<hbm>> -> memref<10240x128xf32, #tpu.memory_space<hbm>>
        tpu.enqueue_indirect_dma source(%dma_start3A_293 : memref<10240x128xf32, #tpu.memory_space<hbm>>) target(%arg10 : memref<128x128xf32, #tpu.memory_space<vmem>>) offsets(%dma_start3A_290 : memref<128xi32, #tpu.memory_space<vmem>>) semaphore(%arg13 : memref<!tpu.dma_semaphore, #tpu.memory_space<semaphore_mem>>)
      } else {
      }
      %dma_start3A_210 = arith.constant 2 : i32
      %dma_start3A_211 = arith.constant 0 : i32
      %dma_start3A_212 = tpu.memref_slice %arg8[%dma_start3A_210, %dma_start3A_211] : memref<4x128xi32, #tpu.memory_space<vmem>> -> memref<1x128xi32, #tpu.memory_space<vmem>>
      %dma_start3A_213 = tpu.memref_squeeze %dma_start3A_212 : memref<1x128xi32, #tpu.memory_space<vmem>> -> memref<128xi32, #tpu.memory_space<vmem>>
      %dma_start3A_214 = arith.constant 0 : i32
      %dma_start3A_215 = arith.constant 0 : i32
      %dma_start3A_216 = tpu.memref_slice %arg11[%dma_start3A_214, %dma_start3A_215] : memref<10240x128xf32, #tpu.memory_space<vmem_shared>> -> memref<10240x128xf32, #tpu.memory_space<vmem_shared>>
      tpu.enqueue_indirect_dma source(%arg9 : memref<128x128xf32, #tpu.memory_space<vmem>>) target(%dma_start3A_216 : memref<10240x128xf32, #tpu.memory_space<vmem_shared>>) offsets(%dma_start3A_213 : memref<128xi32, #tpu.memory_space<vmem>>) semaphore(%arg14 : memref<!tpu.dma_semaphore, #tpu.memory_space<semaphore_mem>>) {add = true}
      %add3A_217 = arith.constant 2 : i32
      %add3A_218 = arith.addi %add3A_186, %add3A_217 : i32
      %lt3A_219 = arith.constant 80 : i32
      %lt3A_220 = arith.cmpi slt, %add3A_218, %lt3A_219 : i32
      %convert_element_type3A_221 = arith.extui %lt3A_220 : i1 to i32
      %cond3A_222 = arith.constant 0 : i32
      %cond3A_223 = arith.cmpi ne, %convert_element_type3A_221, %cond3A_222 : i32
      scf.if %cond3A_223 {
        %add3A_267 = arith.addi %mul3A_4, %add3A_186 : i32
        %add3A_268 = arith.constant 2 : i32
        %add3A_269 = arith.addi %add3A_267, %add3A_268 : i32
        %dma_start3A_270 = arith.constant 0 : i32
        %dma_start3A_271 = arith.constant 0 : i32
        %dma_start3A_272 = tpu.memref_slice %arg7[%dma_start3A_270, %dma_start3A_271] : memref<2x128xi32, #tpu.memory_space<vmem>> -> memref<1x128xi32, #tpu.memory_space<vmem>>
        %dma_start3A_273 = arith.constant 0 : i32
        %dma_start3A_274 = tpu.memref_slice %arg3[%add3A_269, %dma_start3A_273] : memref<2560x128xi32, #tpu.memory_space<hbm>> -> memref<1x128xi32, #tpu.memory_space<hbm>>
        %dma_start3A_275 = arith.constant 0 : i32
        %dma_start3A_276 = arith.constant 0 : i32
        %dma_start3A_277 = tpu.memref_slice %arg7[%dma_start3A_275, %dma_start3A_276] : memref<2x128xi32, #tpu.memory_space<vmem>> -> memref<1x128xi32, #tpu.memory_space<vmem>>
        %dma_start3A_278 = arith.constant 0 : i32
        %dma_start3A_279 = tpu.memref_slice %arg3[%add3A_269, %dma_start3A_278] : memref<2560x128xi32, #tpu.memory_space<hbm>> -> memref<1x128xi32, #tpu.memory_space<hbm>>
        tpu.enqueue_dma source(%dma_start3A_279 : memref<1x128xi32, #tpu.memory_space<hbm>>) target(%dma_start3A_277 : memref<1x128xi32, #tpu.memory_space<vmem>>) target_semaphore(%arg16 : memref<!tpu.dma_semaphore, #tpu.memory_space<semaphore_mem>>)
        %dma_start3A_280 = arith.constant 0 : i32
        %dma_start3A_281 = arith.constant 0 : i32
        %dma_start3A_282 = tpu.memref_slice %arg8[%dma_start3A_280, %dma_start3A_281] : memref<4x128xi32, #tpu.memory_space<vmem>> -> memref<1x128xi32, #tpu.memory_space<vmem>>
        %dma_start3A_283 = arith.constant 0 : i32
        %dma_start3A_284 = tpu.memref_slice %arg4[%add3A_269, %dma_start3A_283] : memref<2560x128xi32, #tpu.memory_space<hbm>> -> memref<1x128xi32, #tpu.memory_space<hbm>>
        %dma_start3A_285 = arith.constant 0 : i32
        %dma_start3A_286 = arith.constant 0 : i32
        %dma_start3A_287 = tpu.memref_slice %arg8[%dma_start3A_285, %dma_start3A_286] : memref<4x128xi32, #tpu.memory_space<vmem>> -> memref<1x128xi32, #tpu.memory_space<vmem>>
        %dma_start3A_288 = arith.constant 0 : i32
        %dma_start3A_289 = tpu.memref_slice %arg4[%add3A_269, %dma_start3A_288] : memref<2560x128xi32, #tpu.memory_space<hbm>> -> memref<1x128xi32, #tpu.memory_space<hbm>>
        tpu.enqueue_dma source(%dma_start3A_289 : memref<1x128xi32, #tpu.memory_space<hbm>>) target(%dma_start3A_287 : memref<1x128xi32, #tpu.memory_space<vmem>>) target_semaphore(%arg16 : memref<!tpu.dma_semaphore, #tpu.memory_space<semaphore_mem>>)
      } else {
      }
      %mul3A_224 = arith.constant 4 : i32
      %mul3A_225 = arith.muli %scan3A_97, %mul3A_224 : i32
      %add3A_226 = arith.constant 2 : i32
      %add3A_227 = arith.addi %mul3A_225, %add3A_226 : i32
      %add3A_228 = arith.constant 1 : i32
      %add3A_229 = arith.addi %add3A_227, %add3A_228 : i32
      %dma_wait3A_230 = arith.constant 1 : i32
      %dma_wait3A_231 = arith.constant 0 : i32
      %dma_wait3A_232 = tpu.memref_slice %arg7[%dma_wait3A_230, %dma_wait3A_231] : memref<2x128xi32, #tpu.memory_space<vmem>> -> memref<1x128xi32, #tpu.memory_space<vmem>>
      %dma_wait3A_233 = tpu.memref_squeeze %dma_wait3A_232 : memref<1x128xi32, #tpu.memory_space<vmem>> -> memref<128xi32, #tpu.memory_space<vmem>>
      %dma_wait3A_234 = arith.constant 0 : i32
      %dma_wait3A_235 = arith.constant 0 : i32
      %dma_wait3A_236 = tpu.memref_slice %arg2[%dma_wait3A_234, %dma_wait3A_235] : memref<10240x128xf32, #tpu.memory_space<hbm>> -> memref<10240x128xf32, #tpu.memory_space<hbm>>
      tpu.wait_indirect_dma semaphore(%arg13 : memref<!tpu.dma_semaphore, #tpu.memory_space<semaphore_mem>>) src(%dma_wait3A_236 : memref<10240x128xf32, #tpu.memory_space<hbm>>) dst(%arg10 : memref<128x128xf32, #tpu.memory_space<vmem>>)
      %gt3A_237 = arith.constant 0 : i32
      %gt3A_238 = arith.cmpi sgt, %scan3A_97, %gt3A_237 : i32
      %or3A_239 = arith.constant true
      %or3A_240 = arith.ori %gt3A_238, %or3A_239 : i1
      %or3A_241 = arith.constant true
      %or3A_242 = arith.ori %or3A_240, %or3A_241 : i1
      %convert_element_type3A_243 = arith.extui %or3A_242 : i1 to i32
      %cond3A_244 = arith.constant 0 : i32
      %cond3A_245 = arith.cmpi ne, %convert_element_type3A_243, %cond3A_244 : i32
      scf.if %cond3A_245 {
        %dma_wait3A_267 = arith.constant 0 : i32
        %dma_wait3A_268 = arith.constant 0 : i32
        %dma_wait3A_269 = tpu.memref_slice %arg8[%dma_wait3A_267, %dma_wait3A_268] : memref<4x128xi32, #tpu.memory_space<vmem>> -> memref<1x128xi32, #tpu.memory_space<vmem>>
        %dma_wait3A_270 = tpu.memref_squeeze %dma_wait3A_269 : memref<1x128xi32, #tpu.memory_space<vmem>> -> memref<128xi32, #tpu.memory_space<vmem>>
        %dma_wait3A_271 = arith.constant 0 : i32
        %dma_wait3A_272 = arith.constant 0 : i32
        %dma_wait3A_273 = tpu.memref_slice %arg11[%dma_wait3A_271, %dma_wait3A_272] : memref<10240x128xf32, #tpu.memory_space<vmem_shared>> -> memref<10240x128xf32, #tpu.memory_space<vmem_shared>>
        tpu.wait_indirect_dma semaphore(%arg14 : memref<!tpu.dma_semaphore, #tpu.memory_space<semaphore_mem>>) src(%arg9 : memref<128x128xf32, #tpu.memory_space<vmem>>) dst(%dma_wait3A_273 : memref<10240x128xf32, #tpu.memory_space<vmem_shared>>)
      } else {
      }
      %add3A_246 = arith.constant 1 : i32
      %add3A_247 = arith.addi %add3A_229, %add3A_246 : i32
      %lt3A_248 = arith.constant 80 : i32
      %lt3A_249 = arith.cmpi slt, %add3A_247, %lt3A_248 : i32
      %convert_element_type3A_250 = arith.extui %lt3A_249 : i1 to i32
      %cond3A_251 = arith.constant 0 : i32
      %cond3A_252 = arith.cmpi ne, %convert_element_type3A_250, %cond3A_251 : i32
      scf.if %cond3A_252 {
        %dma_wait3A_267 = arith.constant 0 : i32
        %dma_wait3A_268 = arith.constant 0 : i32
        %dma_wait3A_269 = tpu.memref_slice %arg7[%dma_wait3A_267, %dma_wait3A_268] : memref<2x128xi32, #tpu.memory_space<vmem>> -> memref<1x128xi32, #tpu.memory_space<vmem>>
        %dma_wait3A_270 = arith.constant 0 : i32
        %dma_wait3A_271 = tpu.memref_slice %arg3[%mul3A_4, %dma_wait3A_270] : memref<2560x128xi32, #tpu.memory_space<hbm>> -> memref<1x128xi32, #tpu.memory_space<hbm>>
        %dma_wait3A_272 = arith.constant 0 : i32
        %dma_wait3A_273 = arith.constant 0 : i32
        %dma_wait3A_274 = tpu.memref_slice %arg7[%dma_wait3A_272, %dma_wait3A_273] : memref<2x128xi32, #tpu.memory_space<vmem>> -> memref<1x128xi32, #tpu.memory_space<vmem>>
        %dma_wait3A_275 = arith.constant 0 : i32
        %dma_wait3A_276 = tpu.memref_slice %arg3[%mul3A_4, %dma_wait3A_275] : memref<2560x128xi32, #tpu.memory_space<hbm>> -> memref<1x128xi32, #tpu.memory_space<hbm>>
        tpu.wait_dma2 semaphore(%arg16 : memref<!tpu.dma_semaphore, #tpu.memory_space<semaphore_mem>>) src(%dma_wait3A_276 : memref<1x128xi32, #tpu.memory_space<hbm>>) dst(%dma_wait3A_274 : memref<1x128xi32, #tpu.memory_space<vmem>>)
        %dma_wait3A_277 = arith.constant 0 : i32
        %dma_wait3A_278 = arith.constant 0 : i32
        %dma_wait3A_279 = tpu.memref_slice %arg8[%dma_wait3A_277, %dma_wait3A_278] : memref<4x128xi32, #tpu.memory_space<vmem>> -> memref<1x128xi32, #tpu.memory_space<vmem>>
        %dma_wait3A_280 = arith.constant 0 : i32
        %dma_wait3A_281 = tpu.memref_slice %arg4[%mul3A_4, %dma_wait3A_280] : memref<2560x128xi32, #tpu.memory_space<hbm>> -> memref<1x128xi32, #tpu.memory_space<hbm>>
        %dma_wait3A_282 = arith.constant 0 : i32
        %dma_wait3A_283 = arith.constant 0 : i32
        %dma_wait3A_284 = tpu.memref_slice %arg8[%dma_wait3A_282, %dma_wait3A_283] : memref<4x128xi32, #tpu.memory_space<vmem>> -> memref<1x128xi32, #tpu.memory_space<vmem>>
        %dma_wait3A_285 = arith.constant 0 : i32
        %dma_wait3A_286 = tpu.memref_slice %arg4[%mul3A_4, %dma_wait3A_285] : memref<2560x128xi32, #tpu.memory_space<hbm>> -> memref<1x128xi32, #tpu.memory_space<hbm>>
        tpu.wait_dma2 semaphore(%arg16 : memref<!tpu.dma_semaphore, #tpu.memory_space<semaphore_mem>>) src(%dma_wait3A_286 : memref<1x128xi32, #tpu.memory_space<hbm>>) dst(%dma_wait3A_284 : memref<1x128xi32, #tpu.memory_space<vmem>>)
        %dma_start3A_287 = arith.constant 0 : i32
        %dma_start3A_288 = arith.constant 0 : i32
        %dma_start3A_289 = tpu.memref_slice %arg7[%dma_start3A_287, %dma_start3A_288] : memref<2x128xi32, #tpu.memory_space<vmem>> -> memref<1x128xi32, #tpu.memory_space<vmem>>
        %dma_start3A_290 = tpu.memref_squeeze %dma_start3A_289 : memref<1x128xi32, #tpu.memory_space<vmem>> -> memref<128xi32, #tpu.memory_space<vmem>>
        %dma_start3A_291 = arith.constant 0 : i32
        %dma_start3A_292 = arith.constant 0 : i32
        %dma_start3A_293 = tpu.memref_slice %arg2[%dma_start3A_291, %dma_start3A_292] : memref<10240x128xf32, #tpu.memory_space<hbm>> -> memref<10240x128xf32, #tpu.memory_space<hbm>>
        tpu.enqueue_indirect_dma source(%dma_start3A_293 : memref<10240x128xf32, #tpu.memory_space<hbm>>) target(%arg9 : memref<128x128xf32, #tpu.memory_space<vmem>>) offsets(%dma_start3A_290 : memref<128xi32, #tpu.memory_space<vmem>>) semaphore(%arg12 : memref<!tpu.dma_semaphore, #tpu.memory_space<semaphore_mem>>)
      } else {
      }
      %dma_start3A_253 = arith.constant 3 : i32
      %dma_start3A_254 = arith.constant 0 : i32
      %dma_start3A_255 = tpu.memref_slice %arg8[%dma_start3A_253, %dma_start3A_254] : memref<4x128xi32, #tpu.memory_space<vmem>> -> memref<1x128xi32, #tpu.memory_space<vmem>>
      %dma_start3A_256 = tpu.memref_squeeze %dma_start3A_255 : memref<1x128xi32, #tpu.memory_space<vmem>> -> memref<128xi32, #tpu.memory_space<vmem>>
      %dma_start3A_257 = arith.constant 0 : i32
      %dma_start3A_258 = arith.constant 0 : i32
      %dma_start3A_259 = tpu.memref_slice %arg11[%dma_start3A_257, %dma_start3A_258] : memref<10240x128xf32, #tpu.memory_space<vmem_shared>> -> memref<10240x128xf32, #tpu.memory_space<vmem_shared>>
      tpu.enqueue_indirect_dma source(%arg10 : memref<128x128xf32, #tpu.memory_space<vmem>>) target(%dma_start3A_259 : memref<10240x128xf32, #tpu.memory_space<vmem_shared>>) offsets(%dma_start3A_256 : memref<128xi32, #tpu.memory_space<vmem>>) semaphore(%arg15 : memref<!tpu.dma_semaphore, #tpu.memory_space<semaphore_mem>>) {add = true}
      %add3A_260 = arith.constant 2 : i32
      %add3A_261 = arith.addi %add3A_229, %add3A_260 : i32
      %lt3A_262 = arith.constant 80 : i32
      %lt3A_263 = arith.cmpi slt, %add3A_261, %lt3A_262 : i32
      %convert_element_type3A_264 = arith.extui %lt3A_263 : i1 to i32
      %cond3A_265 = arith.constant 0 : i32
      %cond3A_266 = arith.cmpi ne, %convert_element_type3A_264, %cond3A_265 : i32
      scf.if %cond3A_266 {
        %add3A_267 = arith.addi %mul3A_4, %add3A_229 : i32
        %add3A_268 = arith.constant 2 : i32
        %add3A_269 = arith.addi %add3A_267, %add3A_268 : i32
        %dma_start3A_270 = arith.constant 1 : i32
        %dma_start3A_271 = arith.constant 0 : i32
        %dma_start3A_272 = tpu.memref_slice %arg7[%dma_start3A_270, %dma_start3A_271] : memref<2x128xi32, #tpu.memory_space<vmem>> -> memref<1x128xi32, #tpu.memory_space<vmem>>
        %dma_start3A_273 = arith.constant 0 : i32
        %dma_start3A_274 = tpu.memref_slice %arg3[%add3A_269, %dma_start3A_273] : memref<2560x128xi32, #tpu.memory_space<hbm>> -> memref<1x128xi32, #tpu.memory_space<hbm>>
        %dma_start3A_275 = arith.constant 1 : i32
        %dma_start3A_276 = arith.constant 0 : i32
        %dma_start3A_277 = tpu.memref_slice %arg7[%dma_start3A_275, %dma_start3A_276] : memref<2x128xi32, #tpu.memory_space<vmem>> -> memref<1x128xi32, #tpu.memory_space<vmem>>
        %dma_start3A_278 = arith.constant 0 : i32
        %dma_start3A_279 = tpu.memref_slice %arg3[%add3A_269, %dma_start3A_278] : memref<2560x128xi32, #tpu.memory_space<hbm>> -> memref<1x128xi32, #tpu.memory_space<hbm>>
        tpu.enqueue_dma source(%dma_start3A_279 : memref<1x128xi32, #tpu.memory_space<hbm>>) target(%dma_start3A_277 : memref<1x128xi32, #tpu.memory_space<vmem>>) target_semaphore(%arg17 : memref<!tpu.dma_semaphore, #tpu.memory_space<semaphore_mem>>)
        %dma_start3A_280 = arith.constant 1 : i32
        %dma_start3A_281 = arith.constant 0 : i32
        %dma_start3A_282 = tpu.memref_slice %arg8[%dma_start3A_280, %dma_start3A_281] : memref<4x128xi32, #tpu.memory_space<vmem>> -> memref<1x128xi32, #tpu.memory_space<vmem>>
        %dma_start3A_283 = arith.constant 0 : i32
        %dma_start3A_284 = tpu.memref_slice %arg4[%add3A_269, %dma_start3A_283] : memref<2560x128xi32, #tpu.memory_space<hbm>> -> memref<1x128xi32, #tpu.memory_space<hbm>>
        %dma_start3A_285 = arith.constant 1 : i32
        %dma_start3A_286 = arith.constant 0 : i32
        %dma_start3A_287 = tpu.memref_slice %arg8[%dma_start3A_285, %dma_start3A_286] : memref<4x128xi32, #tpu.memory_space<vmem>> -> memref<1x128xi32, #tpu.memory_space<vmem>>
        %dma_start3A_288 = arith.constant 0 : i32
        %dma_start3A_289 = tpu.memref_slice %arg4[%add3A_269, %dma_start3A_288] : memref<2560x128xi32, #tpu.memory_space<hbm>> -> memref<1x128xi32, #tpu.memory_space<hbm>>
        tpu.enqueue_dma source(%dma_start3A_289 : memref<1x128xi32, #tpu.memory_space<hbm>>) target(%dma_start3A_287 : memref<1x128xi32, #tpu.memory_space<vmem>>) target_semaphore(%arg17 : memref<!tpu.dma_semaphore, #tpu.memory_space<semaphore_mem>>)
      } else {
      }
    }
    %scan3A_88 = arith.constant 20 : i32
    %dma_wait3A_89 = arith.constant 3 : i32
    %dma_wait3A_90 = arith.constant 0 : i32
    %dma_wait3A_91 = tpu.memref_slice %arg8[%dma_wait3A_89, %dma_wait3A_90] : memref<4x128xi32, #tpu.memory_space<vmem>> -> memref<1x128xi32, #tpu.memory_space<vmem>>
    %dma_wait3A_92 = tpu.memref_squeeze %dma_wait3A_91 : memref<1x128xi32, #tpu.memory_space<vmem>> -> memref<128xi32, #tpu.memory_space<vmem>>
    %dma_wait3A_93 = arith.constant 0 : i32
    %dma_wait3A_94 = arith.constant 0 : i32
    %dma_wait3A_95 = tpu.memref_slice %arg11[%dma_wait3A_93, %dma_wait3A_94] : memref<10240x128xf32, #tpu.memory_space<vmem_shared>> -> memref<10240x128xf32, #tpu.memory_space<vmem_shared>>
    tpu.wait_indirect_dma semaphore(%arg15 : memref<!tpu.dma_semaphore, #tpu.memory_space<semaphore_mem>>) src(%arg10 : memref<128x128xf32, #tpu.memory_space<vmem>>) dst(%dma_wait3A_95 : memref<10240x128xf32, #tpu.memory_space<vmem_shared>>)
    %barrier3A_96 = arith.constant 0 : index
    tpu.barrier barrier_id(%barrier3A_96)
    "tpu.region"() ({
      %run_scoped3A = tpu.sem_alloc : memref<!tpu.dma_semaphore, #tpu.memory_space<semaphore_mem>>
      %dma_start3A_97 = arith.constant 0 : i32
      %dma_start3A_98 = tpu.memref_slice %arg6[%arg0, %mul3A_2, %dma_start3A_97] : memref<2x10240x128xf32, #tpu.memory_space<hbm>> -> memref<1x640x128xf32, #tpu.memory_space<hbm>>
      %dma_start3A_99 = tpu.memref_squeeze %dma_start3A_98 : memref<1x640x128xf32, #tpu.memory_space<hbm>> -> memref<640x128xf32, #tpu.memory_space<hbm>>
      %dma_start3A_100 = arith.constant 0 : i32
      %dma_start3A_101 = tpu.memref_slice %arg11[%mul3A_2, %dma_start3A_100] : memref<10240x128xf32, #tpu.memory_space<vmem_shared>> -> memref<640x128xf32, #tpu.memory_space<vmem_shared>>
      tpu.enqueue_dma source(%dma_start3A_101 : memref<640x128xf32, #tpu.memory_space<vmem_shared>>) target(%dma_start3A_99 : memref<640x128xf32, #tpu.memory_space<hbm>>) target_semaphore(%run_scoped3A : memref<!tpu.dma_semaphore, #tpu.memory_space<semaphore_mem>>)
      %dma_wait3A_102 = arith.constant 0 : i32
      %dma_wait3A_103 = tpu.memref_slice %arg6[%arg0, %mul3A_2, %dma_wait3A_102] : memref<2x10240x128xf32, #tpu.memory_space<hbm>> -> memref<1x640x128xf32, #tpu.memory_space<hbm>>
      %dma_wait3A_104 = tpu.memref_squeeze %dma_wait3A_103 : memref<1x640x128xf32, #tpu.memory_space<hbm>> -> memref<640x128xf32, #tpu.memory_space<hbm>>
      %dma_wait3A_105 = arith.constant 0 : i32
      %dma_wait3A_106 = tpu.memref_slice %arg11[%mul3A_2, %dma_wait3A_105] : memref<10240x128xf32, #tpu.memory_space<vmem_shared>> -> memref<640x128xf32, #tpu.memory_space<vmem_shared>>
      tpu.wait_dma2 semaphore(%run_scoped3A : memref<!tpu.dma_semaphore, #tpu.memory_space<semaphore_mem>>) src(%dma_wait3A_106 : memref<640x128xf32, #tpu.memory_space<vmem_shared>>) dst(%dma_wait3A_104 : memref<640x128xf32, #tpu.memory_space<hbm>>)
      tpu.yield
    }) : () -> ()
    return
  }
}

module attributes {stable_mosaic.version = 14 : i64} {
  func.func @_tc_matmul1_body(%arg0: memref<10240x128xf32, #tpu.memory_space<vmem>>, %arg1: memref<128x128xf32, #tpu.memory_space<vmem>>, %arg2: memref<10240x128xf32, #tpu.memory_space<vmem>>) attributes {dimension_semantics = [], scalar_prefetch = 0 : i64, scratch_operands = 0 : i64, tpu.core_type = #tpu.core_type<tc>} {
    %get3A = arith.constant 0 : index
    %get3A_0 = arith.constant 0 : index
    %get3A_1 = vector.load %arg0[%get3A, %get3A_0] : memref<10240x128xf32, #tpu.memory_space<vmem>>, vector<10240x128xf32>
    %get3A_2 = arith.constant 0 : index
    %get3A_3 = arith.constant 0 : index
    %get3A_4 = vector.load %arg1[%get3A_2, %get3A_3] : memref<128x128xf32, #tpu.memory_space<vmem>>, vector<128x128xf32>
    %dot_general3A = arith.constant dense<0.000000e+00> : vector<10240x128xf32>
    %dot_general3A_5 = tpu.matmul %get3A_1, %get3A_4, %dot_general3A {dimension_numbers = #tpu.dot_dimension_numbers<[1], [0], [0], [1], [0, 0, 1, 1], [], []>, transpose_lhs_hint = false} : vector<10240x128xf32>, vector<128x128xf32>, vector<10240x128xf32> -> vector<10240x128xf32>
    %swap3A = arith.constant 0 : index
    %swap3A_6 = arith.constant 0 : index
    %swap3A_7 = vector.load %arg2[%swap3A, %swap3A_6] : memref<10240x128xf32, #tpu.memory_space<vmem>>, vector<10240x128xf32>
    tpu.vector_store %arg2[%swap3A, %swap3A_6], %dot_general3A_5 {strides = array<i32>} : memref<10240x128xf32, #tpu.memory_space<vmem>>, vector<10240x128xf32>,
    return
  }
}

module attributes {stable_mosaic.version = 14 : i64} {
  func.func @_tc_prep_body(%arg0: memref<10240x128xf32, #tpu.memory_space<vmem>>, %arg1: memref<2x10240xf32, #tpu.memory_space<vmem>>, %arg2: memref<10240x1xf32, #tpu.memory_space<vmem>>, %arg3: memref<10240x128xf32, #tpu.memory_space<vmem>>) attributes {dimension_semantics = [], scalar_prefetch = 0 : i64, scratch_operands = 0 : i64, tpu.core_type = #tpu.core_type<tc>} {
    %get3A = arith.constant 0 : index
    %get3A_0 = arith.constant 0 : index
    %get3A_1 = vector.load %arg1[%get3A, %get3A_0] : memref<2x10240xf32, #tpu.memory_space<vmem>>, vector<2x10240xf32>
    %slice3A = vector.extract_strided_slice %get3A_1 {offsets = [0, 0], sizes = [1, 10240], strides = [1, 1]} : vector<2x10240xf32> to vector<1x10240xf32>
    %slice3A_2 = vector.extract_strided_slice %get3A_1 {offsets = [1, 0], sizes = [1, 10240], strides = [1, 1]} : vector<2x10240xf32> to vector<1x10240xf32>
    %add3A = arith.addf %slice3A, %slice3A_2 : vector<1x10240xf32>
    %add3A_3 = arith.constant 1.000000e+00 : f32
    %add3A_4 = vector.broadcast %add3A_3 : f32 to vector<1x10240xf32>
    %add3A_5 = arith.addf %add3A, %add3A_4 : vector<1x10240xf32>
    %reshape3A = vector.shape_cast %add3A_5 : vector<1x10240xf32> to vector<10240x1xf32>
    %rsqrt3A = math.rsqrt %reshape3A : vector<10240x1xf32>
    %swap3A = arith.constant 0 : index
    %swap3A_6 = arith.constant 0 : index
    %swap3A_7 = vector.load %arg2[%swap3A, %swap3A_6] : memref<10240x1xf32, #tpu.memory_space<vmem>>, vector<10240x1xf32>
    tpu.vector_store %arg2[%swap3A, %swap3A_6], %rsqrt3A {strides = array<i32>} : memref<10240x1xf32, #tpu.memory_space<vmem>>, vector<10240x1xf32>,
    %get3A_8 = arith.constant 0 : index
    %get3A_9 = arith.constant 0 : index
    %get3A_10 = vector.load %arg0[%get3A_8, %get3A_9] : memref<10240x128xf32, #tpu.memory_space<vmem>>, vector<10240x128xf32>
    %mul3A = vector.broadcast %rsqrt3A : vector<10240x1xf32> to vector<10240x128xf32>
    %mul3A_11 = arith.mulf %get3A_10, %mul3A : vector<10240x128xf32>
    %swap3A_12 = arith.constant 0 : index
    %swap3A_13 = arith.constant 0 : index
    %swap3A_14 = vector.load %arg3[%swap3A_12, %swap3A_13] : memref<10240x128xf32, #tpu.memory_space<vmem>>, vector<10240x128xf32>
    tpu.vector_store %arg3[%swap3A_12, %swap3A_13], %mul3A_11 {strides = array<i32>} : memref<10240x128xf32, #tpu.memory_space<vmem>>, vector<10240x128xf32>,
    return
  }
}

module attributes {stable_mosaic.version = 14 : i64} {
  func.func @_tc_layer1_body(%arg0: memref<2x10240x128xf32, #tpu.memory_space<vmem>>, %arg1: memref<10240x1xf32, #tpu.memory_space<vmem>>, %arg2: memref<1x128xf32, #tpu.memory_space<vmem>>, %arg3: memref<10240x128xf32, #tpu.memory_space<vmem>>) attributes {dimension_semantics = [], scalar_prefetch = 0 : i64, scratch_operands = 0 : i64, tpu.core_type = #tpu.core_type<tc>} {
    %get3A = arith.constant 0 : index
    %get3A_0 = arith.constant 0 : index
    %get3A_1 = vector.load %arg1[%get3A, %get3A_0] : memref<10240x1xf32, #tpu.memory_space<vmem>>, vector<10240x1xf32>
    %get3A_2 = arith.constant 0 : index
    %get3A_3 = arith.constant 0 : index
    %get3A_4 = arith.constant 0 : index
    %get3A_5 = vector.load %arg0[%get3A_2, %get3A_3, %get3A_4] : memref<2x10240x128xf32, #tpu.memory_space<vmem>>, vector<1x10240x128xf32>
    %get3A_6 = vector.shape_cast %get3A_5 : vector<1x10240x128xf32> to vector<10240x128xf32>
    %get3A_7 = arith.constant 1 : index
    %get3A_8 = arith.constant 0 : index
    %get3A_9 = arith.constant 0 : index
    %get3A_10 = vector.load %arg0[%get3A_7, %get3A_8, %get3A_9] : memref<2x10240x128xf32, #tpu.memory_space<vmem>>, vector<1x10240x128xf32>
    %get3A_11 = vector.shape_cast %get3A_10 : vector<1x10240x128xf32> to vector<10240x128xf32>
    %add3A = arith.addf %get3A_6, %get3A_11 : vector<10240x128xf32>
    %mul3A = vector.broadcast %get3A_1 : vector<10240x1xf32> to vector<10240x128xf32>
    %mul3A_12 = arith.mulf %add3A, %mul3A : vector<10240x128xf32>
    %get3A_13 = arith.constant 0 : index
    %get3A_14 = arith.constant 0 : index
    %get3A_15 = vector.load %arg2[%get3A_13, %get3A_14] : memref<1x128xf32, #tpu.memory_space<vmem>>, vector<1x128xf32>
    %add3A_16 = vector.broadcast %get3A_15 : vector<1x128xf32> to vector<10240x128xf32>
    %add3A_17 = arith.addf %mul3A_12, %add3A_16 : vector<10240x128xf32>
    %ge3A = arith.constant 0.000000e+00 : f32
    %ge3A_18 = vector.broadcast %ge3A : f32 to vector<10240x128xf32>
    %ge3A_19 = arith.cmpf oge, %add3A_17, %ge3A_18 : vector<10240x128xf32>
    %mul3A_20 = arith.constant 0.00999999977 : f32
    %mul3A_21 = vector.broadcast %mul3A_20 : f32 to vector<10240x128xf32>
    %mul3A_22 = arith.mulf %mul3A_21, %add3A_17 : vector<10240x128xf32>
    %select_n3A = arith.select %ge3A_19, %add3A_17, %mul3A_22 : vector<10240x128xi1>, vector<10240x128xf32>
    %mul3A_23 = vector.broadcast %get3A_1 : vector<10240x1xf32> to vector<10240x128xf32>
    %mul3A_24 = arith.mulf %select_n3A, %mul3A_23 : vector<10240x128xf32>
    %swap3A = arith.constant 0 : index
    %swap3A_25 = arith.constant 0 : index
    %swap3A_26 = vector.load %arg3[%swap3A, %swap3A_25] : memref<10240x128xf32, #tpu.memory_space<vmem>>, vector<10240x128xf32>
    tpu.vector_store %arg3[%swap3A, %swap3A_25], %mul3A_24 {strides = array<i32>} : memref<10240x128xf32, #tpu.memory_space<vmem>>, vector<10240x128xf32>,
    return
  }
}

module attributes {stable_mosaic.version = 14 : i64} {
  func.func @_tc_layer2_body(%arg0: memref<2x10240x128xf32, #tpu.memory_space<vmem>>, %arg1: memref<10240x1xf32, #tpu.memory_space<vmem>>, %arg2: memref<128x64xf32, #tpu.memory_space<vmem>>, %arg3: memref<1x64xf32, #tpu.memory_space<vmem>>, %arg4: memref<128x64xf32, #tpu.memory_space<vmem>>, %arg5: memref<1x64xf32, #tpu.memory_space<vmem>>, %arg6: memref<10000x64xf32, #tpu.memory_space<vmem>>, %arg7: memref<10000x64xf32, #tpu.memory_space<vmem>>) attributes {dimension_semantics = [], scalar_prefetch = 0 : i64, scratch_operands = 0 : i64, tpu.core_type = #tpu.core_type<tc>} {
    %get3A = arith.constant 0 : index
    %get3A_0 = arith.constant 0 : index
    %get3A_1 = arith.constant 0 : index
    %get3A_2 = vector.load %arg0[%get3A, %get3A_0, %get3A_1] : memref<2x10240x128xf32, #tpu.memory_space<vmem>>, vector<1x10240x128xf32>
    %get3A_3 = vector.shape_cast %get3A_2 : vector<1x10240x128xf32> to vector<10240x128xf32>
    %get3A_4 = arith.constant 1 : index
    %get3A_5 = arith.constant 0 : index
    %get3A_6 = arith.constant 0 : index
    %get3A_7 = vector.load %arg0[%get3A_4, %get3A_5, %get3A_6] : memref<2x10240x128xf32, #tpu.memory_space<vmem>>, vector<1x10240x128xf32>
    %get3A_8 = vector.shape_cast %get3A_7 : vector<1x10240x128xf32> to vector<10240x128xf32>
    %add3A = arith.addf %get3A_3, %get3A_8 : vector<10240x128xf32>
    %get3A_9 = arith.constant 0 : index
    %get3A_10 = arith.constant 0 : index
    %get3A_11 = vector.load %arg1[%get3A_9, %get3A_10] : memref<10240x1xf32, #tpu.memory_space<vmem>>, vector<10240x1xf32>
    %mul3A = vector.broadcast %get3A_11 : vector<10240x1xf32> to vector<10240x128xf32>
    %mul3A_12 = arith.mulf %add3A, %mul3A : vector<10240x128xf32>
    %slice3A = vector.extract_strided_slice %mul3A_12 {offsets = [0, 0], sizes = [10000, 128], strides = [1, 1]} : vector<10240x128xf32> to vector<10000x128xf32>
    %get3A_13 = arith.constant 0 : index
    %get3A_14 = arith.constant 0 : index
    %get3A_15 = vector.load %arg2[%get3A_13, %get3A_14] : memref<128x64xf32, #tpu.memory_space<vmem>>, vector<128x64xf32>
    %dot_general3A = arith.constant dense<0.000000e+00> : vector<10000x64xf32>
    %dot_general3A_16 = tpu.matmul %slice3A, %get3A_15, %dot_general3A {dimension_numbers = #tpu.dot_dimension_numbers<[1], [0], [0], [1], [0, 0, 1, 1], [], []>, transpose_lhs_hint = false} : vector<10000x128xf32>, vector<128x64xf32>, vector<10000x64xf32> -> vector<10000x64xf32>
    %get3A_17 = arith.constant 0 : index
    %get3A_18 = arith.constant 0 : index
    %get3A_19 = vector.load %arg3[%get3A_17, %get3A_18] : memref<1x64xf32, #tpu.memory_space<vmem>>, vector<1x64xf32>
    %add3A_20 = vector.broadcast %get3A_19 : vector<1x64xf32> to vector<10000x64xf32>
    %add3A_21 = arith.addf %dot_general3A_16, %add3A_20 : vector<10000x64xf32>
    %swap3A = arith.constant 0 : index
    %swap3A_22 = arith.constant 0 : index
    %swap3A_23 = vector.load %arg6[%swap3A, %swap3A_22] : memref<10000x64xf32, #tpu.memory_space<vmem>>, vector<10000x64xf32>
    tpu.vector_store %arg6[%swap3A, %swap3A_22], %add3A_21 {strides = array<i32>} : memref<10000x64xf32, #tpu.memory_space<vmem>>, vector<10000x64xf32>,
    %get3A_24 = arith.constant 0 : index
    %get3A_25 = arith.constant 0 : index
    %get3A_26 = vector.load %arg4[%get3A_24, %get3A_25] : memref<128x64xf32, #tpu.memory_space<vmem>>, vector<128x64xf32>
    %dot_general3A_27 = arith.constant dense<0.000000e+00> : vector<10000x64xf32>
    %dot_general3A_28 = tpu.matmul %slice3A, %get3A_26, %dot_general3A_27 {dimension_numbers = #tpu.dot_dimension_numbers<[1], [0], [0], [1], [0, 0, 1, 1], [], []>, transpose_lhs_hint = false} : vector<10000x128xf32>, vector<128x64xf32>, vector<10000x64xf32> -> vector<10000x64xf32>
    %get3A_29 = arith.constant 0 : index
    %get3A_30 = arith.constant 0 : index
    %get3A_31 = vector.load %arg5[%get3A_29, %get3A_30] : memref<1x64xf32, #tpu.memory_space<vmem>>, vector<1x64xf32>
    %add3A_32 = vector.broadcast %get3A_31 : vector<1x64xf32> to vector<10000x64xf32>
    %add3A_33 = arith.addf %dot_general3A_28, %add3A_32 : vector<10000x64xf32>
    %min3A = arith.constant 1.000000e+01 : f32
    %min3A_34 = vector.broadcast %min3A : f32 to vector<10000x64xf32>
    %min3A_35 = arith.minimumf %add3A_33, %min3A_34 : vector<10000x64xf32>
    %swap3A_36 = arith.constant 0 : index
    %swap3A_37 = arith.constant 0 : index
    %swap3A_38 = vector.load %arg7[%swap3A_36, %swap3A_37] : memref<10000x64xf32, #tpu.memory_space<vmem>>, vector<10000x64xf32>
    tpu.vector_store %arg7[%swap3A_36, %swap3A_37], %min3A_35 {strides = array<i32>} : memref<10000x64xf32, #tpu.memory_space<vmem>>, vector<10000x64xf32>,
    return
  }
}

</mosaic_0001>

<sc_bundles>
// kernel: kernel.12.cloned.1.call-start
scs
__scs_entry_jumppad:
0x0: {  	(pc) =	sbr.rel $0x88, $3  }
0x1: {  	(tag) =	ssettag $0x0;
	lr =	simm.s32 $0x1  }
0x2: {  	[smem:$0x3F99] =	sst lr;
	_ =	strace $0xD0000000  }
0x3: {  	_ = 	snop  }
0x4: {  	_ = 	snop  }
0x5: {  	_ = 	snop  }
0x6: {  	_ = 	snop  }
0x7: {  	_ = 	snop  }
__scs_overlays_trampoline_lowered:
0x8: {  	[smem:$0x3FA8] =	sst s0  }
0x9: {  	[smem:$0x3FA9] =	sst s1  }
0xa: {  	[smem:$0x3FAA] =	sst s2  }
0xb: {  	[smem:$0x3FAB] =	sst s3  }
0xc: {  	[smem:$0x3FAC] =	sst s4  }
0xd: {  	[smem:$0x3FAD] =	sst s5  }
0xe: {  	[smem:$0x3FAE] =	sst s6  }
0xf: {  	[smem:$0x3FAF] =	sst s7  }
0x10: {  	[smem:$0x3FB0] =	sst s8  }
0x11: {  	[smem:$0x3FB1] =	sst s9;
	s0 =	simm.s32 @!p0 $0x0  }
0x12: {  	s1 =	sld [smem:$0x3F97];
	s0 =	simm.s32 @p0 $0x1  }
0x13: {  	[smem:$0x3FB2] =	sst s0;
	s0 =	simm.s32 @!p1 $0x0  }
0x14: {  	s2 =	sld [smem:$0x3F96];
	s0 =	simm.s32 @p1 $0x1  }
0x15: {  	[smem:$0x3FB3] =	sst s0;
	s0 =	simm.s32 @!p2 $0x0  }
0x16: {  	s3 =	sld [smem:$0x3FDB];
	s0 =	simm.s32 @p2 $0x1  }
0x17: {  	s4 =	simm.s32 $0x1BF5;
	[smem:$0x3FB5] =	sst s0  }
0x18: {  	s0 =	sld [smem:$0x3F98];
	_ =	swait.ge [sflag:s4], $0x0  }
0x19: {  	s7 =	sld [smem:$0x3F99]  }
0x1a: {  	s8 =	sadd.s32 $0xFFFFE003, lr  }
0x1b: {  	s9 =	sadd.s32 $0xFFFFFEF7, lr;
	s5 =	simm.s32 $0xFFFFFFFF;
	p2 =	slt.u32 s8, $0xFFFFF086  }
0x1c: {  	p1 =	slt.u32 s9, $0xF7A;
	s5 =	simm.s32 @!p2 $0x0  }
0x1d: {  	s5 =	simm.s32 @p1 $0x1;
	p0 =	seq.s32 s7, s2  }
0x1e: {  	s7 =	smul.u32 @!p0 $0xF7A, s2;
	p2 =	seq.s32 @!p0 s5, $0x0  }
0x1f: {  	s9 =	smul.u32 $0xF7A, s1;
	s8 =	simm.s32 @!p0 $0x1BF5;
	p2 =	por !p2, p0  }
0x20: {  	[sflag:s8] =	ssyncset.s32 @!p0 $0xFFFFF086;
	s6 =	sadd.s32 @!p0 s3, s7;
	s7 =	simm.s32 @!p0 $0x108  }
0x21: {  	s3 =	sadd.s32 s3, s9;
	s6 =	sadd.s32 @!p0 $0x88, s6;
	s7 =	simm.s32 @p2 $0x1082  }
0x22: {  	[simem:s7], [sflag:s8] =	dma.local @!p0 [hbm:s6], $0xF7A  }
0x23: {  	s9 =	sor.u32 $0xD0000000, s2;
	s6 =	simm.s32 $0x108;
	_ =	swait.ge @!p0 [sflag:s8], $0x0  }
0x24: {  	s3 =	sadd.s32 $0x88, s3;
	s6 =	simm.s32 @!p1 $0x1082;
	[sflag:s4] =	ssyncset.s32 $0xFFFFF086  }
0x25: {  	[simem:s6], [sflag:s4] =	dma.local [hbm:s3], $0xF7A  }
0x26: {  	[smem:$0x3F99] =	sst s1;
	(tag) =	ssettag s2;
	_ =	strace s9  }
0x27: {  	s1 =	sld [smem:$0x3FA9]  }
0x28: {  	s2 =	sld [smem:$0x3FAA]  }
0x29: {  	s4 =	sld [smem:$0x3FAC]  }
0x2a: {  	p0 =	seq.s32 s5, $0x0;
	s5 =	sld [smem:$0x3FAD]  }
0x2b: {  	s6 =	sld [smem:$0x3FAE]  }
0x2c: {  	s7 =	sld [smem:$0x3FAF]  }
0x2d: {  	s3 =	simm.s32 $0x108;
	s8 =	sld [smem:$0x3FB0]  }
0x2e: {  	s3 =	simm.s32 @!p0 $0x1082;
	s9 =	sld [smem:$0x3FB1]  }
0x2f: {  	lr =	sadd.s32 s0, s3;
	s0 =	sld [smem:$0x3FA8]  }
0x30: {  	s3 =	sld [smem:$0x3FAB]  }
0x31: {  	[smem:$0x3FB4] =	sst s10  }
0x32: {  	s10 =	sld [smem:$0x3FB2];
	_ =	sdelay $0x3  }
0x33: {  	p0 =	seq.s32 s10, $0x1;
	s10 =	sld [smem:$0x3FB4];
	_ =	sdelay $0x3  }
0x34: {  	[smem:$0x3FB4] =	sst s10  }
0x35: {  	s10 =	sld [smem:$0x3FB3];
	_ =	sdelay $0x3  }
0x36: {  	p1 =	seq.s32 s10, $0x1;
	s10 =	sld [smem:$0x3FB4];
	_ =	sdelay $0x3  }
0x37: {  	[smem:$0x3FB4] =	sst s10  }
0x38: {  	s10 =	sld [smem:$0x3FB5]  }
0x39: {  	_ = 	snop;
	(pc) =	sbr.ind lr, $3  }
0x3a: {  	_ = 	snop  }
0x3b: {  	_ = 	snop  }
0x3c: {  	p2 =	seq.s32 s10, $0x1;
	s10 =	sld [smem:$0x3FB4]  }
0x3d: {  	_ =	shalt  }
0x3e: {  	_ =	shalt  }
0x3f: {  	_ =	shalt  }
0x40: {  	_ =	shalt  }
0x41: {  	_ =	shalt  }
0x42: {  	_ =	shalt  }
0x43: {  	_ =	shalt  }
0x44: {  	_ =	shalt  }
0x45: {  	_ =	shalt  }
0x46: {  	_ =	shalt  }
0x47: {  	_ =	shalt  }
0x48: {  	_ =	shalt  }
0x49: {  	_ =	shalt  }
0x4a: {  	_ =	shalt  }
0x4b: {  	_ =	shalt  }
0x4c: {  	_ =	shalt  }
0x4d: {  	_ =	shalt  }
0x4e: {  	_ =	shalt  }
0x4f: {  	_ =	shalt  }
0x50: {  	_ =	shalt  }
0x51: {  	_ =	shalt  }
0x52: {  	_ =	shalt  }
0x53: {  	_ =	shalt  }
0x54: {  	_ =	shalt  }
0x55: {  	_ =	shalt  }
0x56: {  	_ =	shalt  }
0x57: {  	_ =	shalt  }
0x58: {  	_ =	shalt  }
0x59: {  	_ =	shalt  }
0x5a: {  	_ =	shalt  }
0x5b: {  	_ =	shalt  }
0x5c: {  	_ =	shalt  }
0x5d: {  	_ =	shalt  }
0x5e: {  	_ =	shalt  }
0x5f: {  	_ =	shalt  }
0x60: {  	_ =	shalt  }
0x61: {  	_ =	shalt  }
0x62: {  	_ =	shalt  }
0x63: {  	_ =	shalt  }
0x64: {  	_ =	shalt  }
0x65: {  	_ =	shalt  }
0x66: {  	_ =	shalt  }
0x67: {  	_ =	shalt  }
0x68: {  	_ =	shalt  }
0x69: {  	_ =	shalt  }
0x6a: {  	_ =	shalt  }
0x6b: {  	_ =	shalt  }
0x6c: {  	_ =	shalt  }
0x6d: {  	_ =	shalt  }
0x6e: {  	_ =	shalt  }
0x6f: {  	_ =	shalt  }
0x70: {  	_ =	shalt  }
0x71: {  	_ =	shalt  }
0x72: {  	_ =	shalt  }
0x73: {  	_ =	shalt  }
0x74: {  	_ =	shalt  }
0x75: {  	_ =	shalt  }
0x76: {  	_ =	shalt  }
0x77: {  	_ =	shalt  }
0x78: {  	_ =	shalt  }
0x79: {  	_ =	shalt  }
0x7a: {  	_ =	shalt  }
0x7b: {  	_ =	shalt  }
0x7c: {  	_ =	shalt  }
0x7d: {  	_ =	shalt  }
0x7e: {  	_ =	shalt  }
0x7f: {  	_ =	shalt  }
0x80: {  	_ =	shalt  }
0x81: {  	_ =	shalt  }
0x82: {  	_ =	shalt  }
0x83: {  	_ =	shalt  }
0x84: {  	_ =	shalt  }
0x85: {  	_ =	shalt  }
0x86: {  	_ =	shalt  }
0x87: {  	_ =	shalt  }
.Lfunc_end0:
.L_simem_size_0:
called_computation.1_lowered:
.L_overlay_start_0:
0x88: {  	s2 =	sld [smem:$0x3FD9]  }
0x89: {  	s3 =	sld [smem:$0x3FFE];
	_ =	sdelay $0x1  }
0x8a: {  	s1 =	srdreg.scid  }
0x8b: {  	s0 =	sand.u32 $0x1, s1  }
0x8c: {  	s14 =	sshll.u32 s0, $0xA;
	s2 =	sadd.s32 s3, s2  }
0x8d: {  	s2 =	sadd.s32 s2, s14  }
0x8e: {  	[smem:$0x3FC0] =	sst s2  }
0x8f: {  	_ = 	snop  }
0x90: {  	s2 =	sld [smem:$0x3FD0];
	_ =	sdelay $0x2  }
0x91: {  	s15 =	simm.s32 $0xA;
	s4 =	simm.s32 $0x10  }
0x92: {  	[smem:s4], [sflag:s15] =	dma.local [hbm:s2], $0x1  }
0x93: {  	_ =	swait.eq [sflag:s15], $0x1  }
0x94: {  	[sflag:s15] =	ssyncset.done $0x0  }
0x95: {  	s16 =	sld [smem:$0x10];
	[sflag:s15] =	ssyncadd.s32 $0xFFFFFFFF  }
0x96: {  	s17 =	sld [smem:$0x11];
	(tm) =	ssettm $0x1  }
0x97: {  	s18 =	sld [smem:$0x3FFB];
	_ =	sdelay $0x3  }
0x98: {  	_ =	strace s18  }
0x99: {  	s4 =	sld [smem:$0x3FFC];
	_ =	sdelay $0x3  }
0x9a: {  	_ =	strace s4  }
0x9b: {  	s4 =	sld [smem:$0x3FFD];
	_ =	sdelay $0x3  }
0x9c: {  	_ =	strace s4  }
0x9d: {  	_ =	strace $0x8FFFFFFF  }
0x9e: {  	s19 =	sld [smem:$0x3FDB];
	_ =	sdelay $0x1  }
0x9f: {  	s5 =	simm.s32 $_scs_section_size  }
0xa0: {  	s6 =	simm.s32 $_size__tile_overlayer_lowered;
	s7 =	simm.s32 $_tile_overlayer_lowered  }
0xa1: {  	s22 =	simm.s32 $0x1BFF;
	s21 =	sshll.u32 s7, $0x1;
	s4 =	sadd.s32 s5, s19  }
0xa2: {  	s8 =	simm.s32 $0x0;
	s20 =	sshll.u32 s6, $0x1;
	s6 =	sadd.s32 s21, s4  }
0xa3: {  	[timem:s8], [sflag:s22] =	dma.local [hbm:s6], s20  }
0xa4: {  	_ =	swait.ge [sflag:s22], s20  }
0xa5: {  	s5 =	ssub.s32 $0x0, s20;
	[sflag:s22] =	ssyncset.done $0x0  }
0xa6: {  	[sflag:s22] =	ssyncadd.s32 s5;
	_ =	sdelay $0x1  }
0xa7: {  	s23 =	simm.s32 $0x1B8B  }
0xa8: {  	_ =	swait.ge [sflag:s23], $0x1  }
0xa9: {  	[sflag:s23] =	ssyncset.done $0x0  }
0xaa: {  	s25 =	simm.s32 $0x1B8E;
	s24 =	sld [smem:$0x3FFE];
	[sflag:s23] =	ssyncadd.s32 $0xFFFFFFFF  }
0xab: {  	s26 =	simm.s32 $execute0_lowered;
	[smem:$0x3FD2] =	sst s25  }
0xac: {  	s6 =	sshll.u32 s26, $0x1;
	_ =	strace $0x80000049;
	[dreg:$0x1] =	wrdreg $0xFFFFFFFF  }
0xad: {  	s28 =	simm.s32 $_size_execute0_lowered;
	s4 =	sadd.s32 s4, s6;
	[dreg:$0x0] =	wrdreg $0x0  }
0xae: {  	s6 =	sshll.u32 s28, $0x1;
	[dreg:$0x2] =	wrdreg s4  }
0xaf: {  	[dreg:$0x3] =	wrdreg s6  }
0xb0: {  	[dreg:$0x4] =	wrdreg $0xC0  }
0xb1: {  	_ =	task [dreg:s8], $0x5FFFF  }
0xb2: {  	[dreg:$0x1] =	wrdreg $0xFFFFFFFF  }
0xb3: {  	[dreg:$0x0] =	wrdreg $0x60  }
0xb4: {  	[dreg:$0x2] =	wrdreg s24  }
0xb5: {  	[dreg:$0x3] =	wrdreg s17  }
0xb6: {  	[dreg:$0x4] =	wrdreg s16  }
0xb7: {  	[dreg:$0x5] =	wrdreg $0x83000  }
0xb8: {  	[dreg:$0x6] =	wrdreg $0x9  }
0xb9: {  	_ =	task.clear_ibuf [dreg:s8], $0x7FFFF;
	_ =	strace $0x90000049  }
0xba: {  	s29 =	simm.s32 $0x9;
	_ =	strace $0x8000004B  }
0xbb: {  	_ =	swait.ge [sflag:s29], $0x1  }
0xbc: {  	[sflag:s29] =	ssyncadd.s32 $0xFFFFFFFF  }
0xbd: {  	_ =	strace $0x9000004B  }
0xbe: {  	_ =	sfence  }
0xbf: {  	s30 =	sld [smem:$0x0];
	_ =	sdelay $0x2  }
0xc0: {  	s31 =	sshll.u32 s1, $0xD;
	s1 =	sshrl.u32 s1, $0x2  }
0xc1: {  	s3 =	sand.u32 $0x4000, s31;
	s1 =	sadd.s32 s1, s30  }
0xc2: {  	s0 =	sor.u32 s3, s0;
	s1 =	sshll.u32 s1, $0x11  }
0xc3: {  	s0 =	sor.u32 s1, s0  }
0xc4: {  	s0 =	sadd.s32 $0x8F2B, s0  }
0xc5: {  	[sflag:s0] =	ssyncadd.remote.s32 $0x1  }
0xc6: {  	_ =	sfence.sel $0xFFFF  }
0xc7: {  	[dreg:$0x0] =	wrdreg $0xFFFFFFFF;
	(pc) =	sbr.abs _section_cstart, $3  }
0xc8: {  	[dreg:$0x1] =	wrdreg $0xFFFFFFFF  }
0xc9: {  	_ =	task.clear_ibuf [dreg:s8], $0x2FFFF;
	_ =	strace $0x9FFFFFFF  }
0xca: {  	(tm) =	ssettm $0x7FFFFFFF  }
0xcb: {  	_ =	shalt  }
tec
execute0_lowered:
.L_overlay_start_1:
0x0: {  	(tag) =	ssettag $0x1  }
0x1: {  	s0 =	rddreg [dreg:$0x0]  }
0x2: {  	s1 =	rddreg [dreg:$0x1]  }
0x3: {  	s2 =	rddreg [dreg:$0x2]  }
0x4: {  	s3 =	rddreg [dreg:$0x3];
	s4 =	srdreg.scid;
	s5 =	simm.s32 $0x0  }
0x5: {  	s11 =	stileid.u32;
	s28 =	simm.s32 $0x4300;
	s29 =	simm.s32 $0x200  }
0x6: {  	s30 =	simm.s32 $0x2;
	s31 =	simm.s32 $0x3;
	s8 =	smul.u32 $0x14000, s11  }
0x7: {  	s4 =	sand.u32 $0x1, s4;
	[smem:$0x7FF] =	sst s5;
	s9 =	smul.u32 $0x50000, s11  }
0x8: {  	s6 =	sadd.s32 $0x2600, s0;
	s13 =	sadd.s32 $0x2A600, s0;
	s14 =	smul.u32 $0x2800, s11  }
0x9: {  	s18 =	sshll.u32 s11, $0x1;
	s23 =	smul.u32 $0xA00, s11;
	s26 =	sshll.u32 s11, $0x6  }
0xa: {  	s7 =	smul.u32 $0x140000, s4;
	_ =	strace $0x8000004A;
	s19 =	ssub.s32 $0x2, s4  }
0xb: {  	p0 =	seq.s32 s4, $0x0;
	s25 =	smul.u32 $0x500, s4;
	s10 =	sshrl.u32 s19, $0x1  }
0xc: {  	s9 =	sshrl.u32 s9, $0x2;
	s13 =	smov.u32 @p0 s6;
	s7 =	sadd.s32 s8, s7  }
0xd: {  	s8 =	sor.u32 s4, s18;
	s18 =	sadd.s32 s9, s3;
	s13 =	sadd.s32 s13, s14  }
0xe: {  	s14 =	sor.u32 $0x1C07, s26;
	s15 =	sadd.s32 s25, s23;
	s23 =	simm.s32 $0x5  }
0xf: {  	s25 =	simm.s32 $0x1;
	s26 =	simm.s32 $0x6;
	s4 =	simm.s32 $0x4  }
0x10: {  	s7 =	sshrl.u32 s7, $0x3;
	s8 =	smul.u32 $0x500, s8;
	s16 =	sadd.s32 s1, s15  }
0x11: {  	s17 =	sadd.s32 s2, s15;
	s18 =	sshrl.u32 s18, $0x3;
	s0 =	sadd.s32 s7, s0  }
0x12: {  	s7 =	ssub.s32 s19, s10;
	s19 =	simm.s32 $0x7;
	s20 =	sadd.s32 s1, s8  }
0x13: {  	s21 =	sor.u32 $0x10, s8;
	s8 =	sadd.s32 s2, s8;
	s0 =	sadd.s32 $0x52600, s0  }
.Ltmp0:
0x14: {  	s12 =	smax.u32 s7, $0x1;
	[dreg:$0x5] =	wrdreg s20;
	(pc) =	sbr.rel .LBB2_1-.Ltmp0, $4  }
0x15: {  	s7 =	simm.s32 $0x0;
	[dreg:$0x6] =	wrdreg s8;
	s22 =	sadd.s32 s1, s21  }
0x16: {  	s24 =	sadd.s32 s2, s21;
	[dreg:$0x9] =	wrdreg s0;
	s20 =	simm.s32 $0x100  }
0x17: {  	s21 =	simm.s32 $0x80;
	s0 =	simm.s32 $0x280;
	[dreg:$0x7] =	wrdreg s22  }
0x18: {  	[dreg:$0x8] =	wrdreg s24;
	s22 =	simm.s32 $0x180;
	s24 =	simm.s32 $0x300  }
.LBB2_4:
0x19: {  	_ =	swait.ge [sflag:s30], $0x4000  }
0x1a: {  	[sflag:s30] =	ssyncset.done $0x0  }
0x1b: {  	[sflag:s30] =	ssyncadd.s32 $0xFFFFC000  }
0x1c: {  	_ =	swait.ge [sflag:s31], $0x4000  }
0x1d: {  	[sflag:s31] =	ssyncset.done $0x0  }
0x1e: {  	[sflag:s31] =	ssyncadd.s32 $0xFFFFC000  }
0x1f: {  	[spmem:s3] =	stream.indirect.scatter.add.f32 [tilespmem:s28], [sflag:$0x4], $0x80, s0, s21, $0xb8;
	[tilespmem:$0x1C300] =	vst v63  }
0x20: {  	_ =	swait.ge [sflag:s4], $0x4000  }
0x21: {  	[sflag:s4] =	ssyncset.done $0x0  }
0x22: {  	s7 =	sadd.s32 $0x1, s7;
	[sflag:s4] =	ssyncadd.s32 $0xFFFFC000  }
0x23: {  	p0 =	sne.s32 s7, s12;
	[bflag:$0x0] =	sbarrier.arrive $0xFFFF  }
.Ltmp1:
0x24: {  	s8 =	rddreg [dreg:$0x9];
	(pc) =	sbr.rel @!p0 .LBB2_5-.Ltmp1, $4  }
0x25: {  	[hbm:s8], [sflag:s14] =	dma.local [spmem:s18], $0x2800  }
0x26: {  	_ =	swait.ge [sflag:s19], $0x2800  }
0x27: {  	[sflag:s19] =	ssyncset.done $0x0  }
0x28: {  	[sflag:s19] =	ssyncadd.s32 $0xFFFFD800  }
.LBB2_1:
0x29: {  	[spmem:s18], [sflag:s14] =	dma.local [hbm:s13], $0x2800  }
0x2a: {  	_ =	swait.ge [sflag:s19], $0x2800  }
0x2b: {  	[sflag:s19] =	ssyncset.done $0x0  }
0x2c: {  	s8 =	rddreg [dreg:$0x5];
	[sflag:s19] =	ssyncadd.s32 $0xFFFFD800  }
0x2d: {  	[tilespmem:s5], [sflag:$0x5] =	stream.linear.gather [hbm4b:s8+s5], $0x80, $0x38;
	[tilespmem:$0x1C300] =	vst v63  }
0x2e: {  	s9 =	rddreg [dreg:$0x6]  }
0x2f: {  	[tilespmem:s20], [sflag:$0x5] =	stream.linear.gather [hbm4b:s9+s5], $0x80, $0x38;
	[tilespmem:$0x1C300] =	vst v63  }
0x30: {  	s10 =	rddreg [dreg:$0x7]  }
0x31: {  	[tilespmem:s21], [sflag:$0x6] =	stream.linear.gather [hbm4b:s10+s5], $0x80, $0x38;
	[tilespmem:$0x1C300] =	vst v63  }
0x32: {  	s11 =	rddreg [dreg:$0x8]  }
0x33: {  	[tilespmem:s22], [sflag:$0x6] =	stream.linear.gather [hbm4b:s11+s5], $0x80, $0x38;
	[tilespmem:$0x1C300] =	vst v63  }
0x34: {  	_ =	swait.ge [sflag:s23], $0x80  }
0x35: {  	[sflag:s23] =	ssyncset.done $0x0  }
0x36: {  	[sflag:s23] =	ssyncadd.s32 $0xFFFFFF80  }
0x37: {  	_ =	swait.ge [sflag:s23], $0x80  }
0x38: {  	[sflag:s23] =	ssyncset.done $0x0  }
0x39: {  	[sflag:s23] =	ssyncadd.s32 $0xFFFFFF80  }
0x3a: {  	[tilespmem:s24], [sflag:$0x1] =	stream.indirect.gather [hbm4b:s6+s21], $0x80, s5, s21, $0xb8;
	[tilespmem:$0x1C300] =	vst v63  }
0x3b: {  	s8 =	simm.s32 $0x0;
	[bflag:$0x0] =	sbarrier.arrive $0xFFFF  }
.LBB2_2:
0x3c: {  	_ =	swait.ge [sflag:s25], $0x4000  }
0x3d: {  	p0 =	seq.s32 s8, $0x0;
	[sflag:s25] =	ssyncset.done $0x0  }
0x3e: {  	s9 =	simm.s32 @!p0 $0x4;
	[sflag:s25] =	ssyncadd.s32 $0xFFFFC000  }
0x3f: {  	_ =	swait.ge @!p0 [sflag:s9], $0x4000  }
0x40: {  	[sflag:s9] =	ssyncset.done @!p0 $0x0  }
0x41: {  	[sflag:s9] =	ssyncadd.s32 @!p0 $0xFFFFC000  }
0x42: {  	_ =	swait.ge [sflag:s26], $0x80  }
0x43: {  	[sflag:s26] =	ssyncset.done $0x0  }
0x44: {  	[sflag:s26] =	ssyncadd.s32 $0xFFFFFF80  }
0x45: {  	s10 =	sadd.s32 s8, s15;
	_ =	swait.ge [sflag:s26], $0x80  }
0x46: {  	s9 =	sand.u32 $0xFFFFF80, s10;
	s10 =	sand.u32 $0x40, s8;
	[sflag:s26] =	ssyncset.done $0x0  }
0x47: {  	s9 =	sor.u32 s9, s10;
	[sflag:s26] =	ssyncadd.s32 $0xFFFFFF80  }
0x48: {  	[tilespmem:s28], [sflag:$0x2] =	stream.indirect.gather [hbm4b:s6+s21], $0x80, s21, s21, $0xb8;
	[tilespmem:$0x1C300] =	vst v63  }
0x49: {  	s10 =	sor.u32 $0x20, s9  }
0x4a: {  	[spmem:s3] =	stream.indirect.scatter.add.f32 [tilespmem:s24], [sflag:$0x3], $0x80, s20, s21, $0xb8;
	[tilespmem:$0x1C300] =	vst v63  }
0x4b: {  	s11 =	sadd.s32 s1, s10  }
0x4c: {  	[tilespmem:s5], [sflag:$0x5] =	stream.linear.gather [hbm4b:s11+s5], $0x80, $0x38;
	[tilespmem:$0x1C300] =	vst v63  }
0x4d: {  	s10 =	sadd.s32 s2, s10  }
0x4e: {  	[tilespmem:s29], [sflag:$0x5] =	stream.linear.gather [hbm4b:s10+s5], $0x80, $0x38;
	[tilespmem:$0x1C300] =	vst v63  }
0x4f: {  	_ =	swait.ge [sflag:s30], $0x4000  }
0x50: {  	[sflag:s30] =	ssyncset.done $0x0  }
0x51: {  	[sflag:s30] =	ssyncadd.s32 $0xFFFFC000  }
0x52: {  	_ =	swait.ge [sflag:s31], $0x4000  }
0x53: {  	[sflag:s31] =	ssyncset.done $0x0  }
0x54: {  	[sflag:s31] =	ssyncadd.s32 $0xFFFFC000  }
0x55: {  	_ =	swait.ge [sflag:s23], $0x80  }
0x56: {  	[sflag:s23] =	ssyncset.done $0x0  }
0x57: {  	[sflag:s23] =	ssyncadd.s32 $0xFFFFFF80  }
0x58: {  	_ =	swait.ge [sflag:s23], $0x80  }
0x59: {  	[sflag:s23] =	ssyncset.done $0x0  }
0x5a: {  	[sflag:s23] =	ssyncadd.s32 $0xFFFFFF80  }
0x5b: {  	[tilespmem:s24], [sflag:$0x1] =	stream.indirect.gather [hbm4b:s6+s21], $0x80, s5, s21, $0xb8;
	[tilespmem:$0x1C300] =	vst v63  }
0x5c: {  	s9 =	sor.u32 $0x30, s9  }
0x5d: {  	[spmem:s3] =	stream.indirect.scatter.add.f32 [tilespmem:s28], [sflag:$0x4], $0x80, s22, s21, $0xb8;
	[tilespmem:$0x1C300] =	vst v63  }
0x5e: {  	s11 =	sadd.s32 s1, s9  }
0x5f: {  	[tilespmem:s21], [sflag:$0x6] =	stream.linear.gather [hbm4b:s11+s5], $0x80, $0x38;
	[tilespmem:$0x1C300] =	vst v63  }
0x60: {  	s9 =	sadd.s32 s2, s9  }
0x61: {  	[tilespmem:s0], [sflag:$0x6] =	stream.linear.gather [hbm4b:s9+s5], $0x80, $0x38;
	[tilespmem:$0x1C300] =	vst v63  }
0x62: {  	_ =	swait.ge [sflag:s25], $0x4000  }
0x63: {  	[sflag:s25] =	ssyncset.done $0x0  }
0x64: {  	[sflag:s25] =	ssyncadd.s32 $0xFFFFC000  }
0x65: {  	_ =	swait.ge [sflag:s4], $0x4000  }
0x66: {  	[sflag:s4] =	ssyncset.done $0x0  }
0x67: {  	[sflag:s4] =	ssyncadd.s32 $0xFFFFC000  }
0x68: {  	_ =	swait.ge [sflag:s26], $0x80  }
0x69: {  	[sflag:s26] =	ssyncset.done $0x0  }
0x6a: {  	[sflag:s26] =	ssyncadd.s32 $0xFFFFFF80  }
0x6b: {  	p0 =	seq.s32 s8, $0x4C0;
	_ =	swait.ge [sflag:s26], $0x80  }
.Ltmp2:
0x6c: {  	[sflag:s26] =	ssyncset.done $0x0;
	(pc) =	sbr.rel @p0 .LBB2_4-.Ltmp2, $4  }
0x6d: {  	[sflag:s26] =	ssyncadd.s32 $0xFFFFFF80  }
0x6e: {  	[tilespmem:s28], [sflag:$0x2] =	stream.indirect.gather [hbm4b:s6+s21], $0x80, s21, s21, $0xb8;
	[tilespmem:$0x1C300] =	vst v63  }
0x6f: {  	_ = 	snop  }
0x70: {  	[spmem:s3] =	stream.indirect.scatter.add.f32 [tilespmem:s24], [sflag:$0x3], $0x80, s29, s21, $0xb8;
	[tilespmem:$0x1C300] =	vst v63  }
0x71: {  	s9 =	sadd.s32 s8, s16  }
0x72: {  	s10 =	sadd.s32 $0x40, s9  }
0x73: {  	[tilespmem:s5], [sflag:$0x5] =	stream.linear.gather [hbm4b:s10+s5], $0x80, $0x38;
	[tilespmem:$0x1C300] =	vst v63  }
0x74: {  	s10 =	sadd.s32 s8, s17  }
0x75: {  	s11 =	sadd.s32 $0x40, s10  }
0x76: {  	[tilespmem:s20], [sflag:$0x5] =	stream.linear.gather [hbm4b:s11+s5], $0x80, $0x38;
	[tilespmem:$0x1C300] =	vst v63  }
0x77: {  	_ =	swait.ge [sflag:s30], $0x4000  }
0x78: {  	[sflag:s30] =	ssyncset.done $0x0  }
0x79: {  	[sflag:s30] =	ssyncadd.s32 $0xFFFFC000  }
0x7a: {  	_ =	swait.ge [sflag:s31], $0x4000  }
0x7b: {  	[sflag:s31] =	ssyncset.done $0x0  }
0x7c: {  	[sflag:s31] =	ssyncadd.s32 $0xFFFFC000  }
0x7d: {  	_ =	swait.ge [sflag:s23], $0x80  }
0x7e: {  	[sflag:s23] =	ssyncset.done $0x0  }
0x7f: {  	[sflag:s23] =	ssyncadd.s32 $0xFFFFFF80  }
0x80: {  	_ =	swait.ge [sflag:s23], $0x80  }
0x81: {  	[sflag:s23] =	ssyncset.done $0x0  }
0x82: {  	[sflag:s23] =	ssyncadd.s32 $0xFFFFFF80  }
0x83: {  	[tilespmem:s24], [sflag:$0x1] =	stream.indirect.gather [hbm4b:s6+s21], $0x80, s5, s21, $0xb8;
	[tilespmem:$0x1C300] =	vst v63  }
0x84: {  	_ = 	snop  }
0x85: {  	[spmem:s3] =	stream.indirect.scatter.add.f32 [tilespmem:s28], [sflag:$0x4], $0x80, s0, s21, $0xb8;
	[tilespmem:$0x1C300] =	vst v63  }
.Ltmp3:
0x86: {  	_ = 	snop;
	(pc) =	sbr.rel .LBB2_2-.Ltmp3, $4  }
0x87: {  	s9 =	sadd.s32 $0x50, s9  }
0x88: {  	[tilespmem:s21], [sflag:$0x6] =	stream.linear.gather [hbm4b:s9+s5], $0x80, $0x38;
	[tilespmem:$0x1C300] =	vst v63  }
0x89: {  	s8 =	sadd.s32 $0x40, s8;
	s11 =	sadd.s32 $0x50, s10  }
0x8a: {  	[tilespmem:s22], [sflag:$0x6] =	stream.linear.gather [hbm4b:s11+s5], $0x80, $0x38;
	[tilespmem:$0x1C300] =	vst v63  }
.LBB2_5:
0x8b: {  	_ =	sfence.sel $0x180000  }
0x8c: {  	[bflag:$0x0] =	sbarrier.arrive $0xFFFF  }
0x8d: {  	_ =	strace $0x9000004A  }
0x8e: {  	s0 =	stileid.u32;
	[bflag:$0x2] =	sbarrier.arrive $0xFFFF  }
0x8f: {  	p0 =	sne.s32 s0, $0x0;
	s0 =	rddreg [dreg:$0x4]  }
0x90: {  	s0 =	sadd.s32 @!p0 $0x100000, s0  }
0x91: {  	[sflag:s0] =	ssyncadd.tile.s32 @!p0 $0x1;
	_ =	shalt  }
.Lfunc_end2:
_tile_overlayer_lowered:
.L_overlay_start_2:
0x92: {  	(tag) =	ssettag $0x2  }
0x93: {  	s0 =	rddreg [dreg:$0x0];
	s2 =	stileid.u32  }
0x94: {  	s1 =	rddreg [dreg:$0x1];
	p0 =	sne.s32 s2, $0x0  }
0x95: {  	s3 =	rddreg [dreg:$0x2];
	[bflag:$0x3] =	sbarrier.arrive $0xFFFF;
	s2 =	simm.s32 @!p0 $0x1C07  }
0x96: {  	[timem:s3], [sflag:s2] =	dma.local @!p0 [hbm:s0], s1  }
0x97: {  	s0 =	simm.s32 @!p0 $0x7  }
0x98: {  	_ =	swait.ge @!p0 [sflag:s0], s1  }
0x99: {  	s1 =	ssub.s32 @!p0 $0x0, s1;
	[sflag:s0] =	ssyncset.done @!p0 $0x0  }
0x9a: {  	[sflag:s0] =	ssyncadd.s32 @!p0 s1  }
0x9b: {  	[bflag:$0x3] =	sbarrier.arrive $0xFFFF  }
0x9c: {  	_ =	shalt  }

// kernel: kernel.15.cloned.1.call-start
scs
__scs_entry_jumppad:
0x0: {  	(pc) =	sbr.rel $0x88, $3  }
0x1: {  	(tag) =	ssettag $0x0;
	lr =	simm.s32 $0x1  }
0x2: {  	[smem:$0x3F99] =	sst lr;
	_ =	strace $0xD0000000  }
0x3: {  	_ = 	snop  }
0x4: {  	_ = 	snop  }
0x5: {  	_ = 	snop  }
0x6: {  	_ = 	snop  }
0x7: {  	_ = 	snop  }
__scs_overlays_trampoline_lowered:
0x8: {  	[smem:$0x3FA8] =	sst s0  }
0x9: {  	[smem:$0x3FA9] =	sst s1  }
0xa: {  	[smem:$0x3FAA] =	sst s2  }
0xb: {  	[smem:$0x3FAB] =	sst s3  }
0xc: {  	[smem:$0x3FAC] =	sst s4  }
0xd: {  	[smem:$0x3FAD] =	sst s5  }
0xe: {  	[smem:$0x3FAE] =	sst s6  }
0xf: {  	[smem:$0x3FAF] =	sst s7  }
0x10: {  	[smem:$0x3FB0] =	sst s8  }
0x11: {  	[smem:$0x3FB1] =	sst s9;
	s0 =	simm.s32 @!p0 $0x0  }
0x12: {  	s1 =	sld [smem:$0x3F97];
	s0 =	simm.s32 @p0 $0x1  }
0x13: {  	[smem:$0x3FB2] =	sst s0;
	s0 =	simm.s32 @!p1 $0x0  }
0x14: {  	s2 =	sld [smem:$0x3F96];
	s0 =	simm.s32 @p1 $0x1  }
0x15: {  	[smem:$0x3FB3] =	sst s0;
	s0 =	simm.s32 @!p2 $0x0  }
0x16: {  	s3 =	sld [smem:$0x3FDB];
	s0 =	simm.s32 @p2 $0x1  }
0x17: {  	s4 =	simm.s32 $0x1BF5;
	[smem:$0x3FB5] =	sst s0  }
0x18: {  	s0 =	sld [smem:$0x3F98];
	_ =	swait.ge [sflag:s4], $0x0  }
0x19: {  	s7 =	sld [smem:$0x3F99]  }
0x1a: {  	s8 =	sadd.s32 $0xFFFFE003, lr  }
0x1b: {  	s9 =	sadd.s32 $0xFFFFFEF7, lr;
	s5 =	simm.s32 $0xFFFFFFFF;
	p2 =	slt.u32 s8, $0xFFFFF086  }
0x1c: {  	p1 =	slt.u32 s9, $0xF7A;
	s5 =	simm.s32 @!p2 $0x0  }
0x1d: {  	s5 =	simm.s32 @p1 $0x1;
	p0 =	seq.s32 s7, s2  }
0x1e: {  	s7 =	smul.u32 @!p0 $0xF7A, s2;
	p2 =	seq.s32 @!p0 s5, $0x0  }
0x1f: {  	s9 =	smul.u32 $0xF7A, s1;
	s8 =	simm.s32 @!p0 $0x1BF5;
	p2 =	por !p2, p0  }
0x20: {  	[sflag:s8] =	ssyncset.s32 @!p0 $0xFFFFF086;
	s6 =	sadd.s32 @!p0 s3, s7;
	s7 =	simm.s32 @!p0 $0x108  }
0x21: {  	s3 =	sadd.s32 s3, s9;
	s6 =	sadd.s32 @!p0 $0x88, s6;
	s7 =	simm.s32 @p2 $0x1082  }
0x22: {  	[simem:s7], [sflag:s8] =	dma.local @!p0 [hbm:s6], $0xF7A  }
0x23: {  	s9 =	sor.u32 $0xD0000000, s2;
	s6 =	simm.s32 $0x108;
	_ =	swait.ge @!p0 [sflag:s8], $0x0  }
0x24: {  	s3 =	sadd.s32 $0x88, s3;
	s6 =	simm.s32 @!p1 $0x1082;
	[sflag:s4] =	ssyncset.s32 $0xFFFFF086  }
0x25: {  	[simem:s6], [sflag:s4] =	dma.local [hbm:s3], $0xF7A  }
0x26: {  	[smem:$0x3F99] =	sst s1;
	(tag) =	ssettag s2;
	_ =	strace s9  }
0x27: {  	s1 =	sld [smem:$0x3FA9]  }
0x28: {  	s2 =	sld [smem:$0x3FAA]  }
0x29: {  	s4 =	sld [smem:$0x3FAC]  }
0x2a: {  	p0 =	seq.s32 s5, $0x0;
	s5 =	sld [smem:$0x3FAD]  }
0x2b: {  	s6 =	sld [smem:$0x3FAE]  }
0x2c: {  	s7 =	sld [smem:$0x3FAF]  }
0x2d: {  	s3 =	simm.s32 $0x108;
	s8 =	sld [smem:$0x3FB0]  }
0x2e: {  	s3 =	simm.s32 @!p0 $0x1082;
	s9 =	sld [smem:$0x3FB1]  }
0x2f: {  	lr =	sadd.s32 s0, s3;
	s0 =	sld [smem:$0x3FA8]  }
0x30: {  	s3 =	sld [smem:$0x3FAB]  }
0x31: {  	[smem:$0x3FB4] =	sst s10  }
0x32: {  	s10 =	sld [smem:$0x3FB2];
	_ =	sdelay $0x3  }
0x33: {  	p0 =	seq.s32 s10, $0x1;
	s10 =	sld [smem:$0x3FB4];
	_ =	sdelay $0x3  }
0x34: {  	[smem:$0x3FB4] =	sst s10  }
0x35: {  	s10 =	sld [smem:$0x3FB3];
	_ =	sdelay $0x3  }
0x36: {  	p1 =	seq.s32 s10, $0x1;
	s10 =	sld [smem:$0x3FB4];
	_ =	sdelay $0x3  }
0x37: {  	[smem:$0x3FB4] =	sst s10  }
0x38: {  	s10 =	sld [smem:$0x3FB5]  }
0x39: {  	_ = 	snop;
	(pc) =	sbr.ind lr, $3  }
0x3a: {  	_ = 	snop  }
0x3b: {  	_ = 	snop  }
0x3c: {  	p2 =	seq.s32 s10, $0x1;
	s10 =	sld [smem:$0x3FB4]  }
0x3d: {  	_ =	shalt  }
0x3e: {  	_ =	shalt  }
0x3f: {  	_ =	shalt  }
0x40: {  	_ =	shalt  }
0x41: {  	_ =	shalt  }
0x42: {  	_ =	shalt  }
0x43: {  	_ =	shalt  }
0x44: {  	_ =	shalt  }
0x45: {  	_ =	shalt  }
0x46: {  	_ =	shalt  }
0x47: {  	_ =	shalt  }
0x48: {  	_ =	shalt  }
0x49: {  	_ =	shalt  }
0x4a: {  	_ =	shalt  }
0x4b: {  	_ =	shalt  }
0x4c: {  	_ =	shalt  }
0x4d: {  	_ =	shalt  }
0x4e: {  	_ =	shalt  }
0x4f: {  	_ =	shalt  }
0x50: {  	_ =	shalt  }
0x51: {  	_ =	shalt  }
0x52: {  	_ =	shalt  }
0x53: {  	_ =	shalt  }
0x54: {  	_ =	shalt  }
0x55: {  	_ =	shalt  }
0x56: {  	_ =	shalt  }
0x57: {  	_ =	shalt  }
0x58: {  	_ =	shalt  }
0x59: {  	_ =	shalt  }
0x5a: {  	_ =	shalt  }
0x5b: {  	_ =	shalt  }
0x5c: {  	_ =	shalt  }
0x5d: {  	_ =	shalt  }
0x5e: {  	_ =	shalt  }
0x5f: {  	_ =	shalt  }
0x60: {  	_ =	shalt  }
0x61: {  	_ =	shalt  }
0x62: {  	_ =	shalt  }
0x63: {  	_ =	shalt  }
0x64: {  	_ =	shalt  }
0x65: {  	_ =	shalt  }
0x66: {  	_ =	shalt  }
0x67: {  	_ =	shalt  }
0x68: {  	_ =	shalt  }
0x69: {  	_ =	shalt  }
0x6a: {  	_ =	shalt  }
0x6b: {  	_ =	shalt  }
0x6c: {  	_ =	shalt  }
0x6d: {  	_ =	shalt  }
0x6e: {  	_ =	shalt  }
0x6f: {  	_ =	shalt  }
0x70: {  	_ =	shalt  }
0x71: {  	_ =	shalt  }
0x72: {  	_ =	shalt  }
0x73: {  	_ =	shalt  }
0x74: {  	_ =	shalt  }
0x75: {  	_ =	shalt  }
0x76: {  	_ =	shalt  }
0x77: {  	_ =	shalt  }
0x78: {  	_ =	shalt  }
0x79: {  	_ =	shalt  }
0x7a: {  	_ =	shalt  }
0x7b: {  	_ =	shalt  }
0x7c: {  	_ =	shalt  }
0x7d: {  	_ =	shalt  }
0x7e: {  	_ =	shalt  }
0x7f: {  	_ =	shalt  }
0x80: {  	_ =	shalt  }
0x81: {  	_ =	shalt  }
0x82: {  	_ =	shalt  }
0x83: {  	_ =	shalt  }
0x84: {  	_ =	shalt  }
0x85: {  	_ =	shalt  }
0x86: {  	_ =	shalt  }
0x87: {  	_ =	shalt  }
.Lfunc_end0:
.L_simem_size_0:
called_computation.2_lowered:
.L_overlay_start_0:
0x88: {  	s2 =	sld [smem:$0x3FD9]  }
0x89: {  	s3 =	sld [smem:$0x3FFE];
	_ =	sdelay $0x1  }
0x8a: {  	s1 =	srdreg.scid  }
0x8b: {  	s0 =	sand.u32 $0x1, s1  }
0x8c: {  	s14 =	sshll.u32 s0, $0xA;
	s2 =	sadd.s32 s3, s2  }
0x8d: {  	s2 =	sadd.s32 s2, s14  }
0x8e: {  	[smem:$0x3FC0] =	sst s2  }
0x8f: {  	_ = 	snop  }
0x90: {  	s2 =	sld [smem:$0x3FD0];
	_ =	sdelay $0x2  }
0x91: {  	s15 =	simm.s32 $0xA;
	s4 =	simm.s32 $0x10  }
0x92: {  	[smem:s4], [sflag:s15] =	dma.local [hbm:s2], $0x1  }
0x93: {  	_ =	swait.eq [sflag:s15], $0x1  }
0x94: {  	[sflag:s15] =	ssyncset.done $0x0  }
0x95: {  	s16 =	sld [smem:$0x10];
	[sflag:s15] =	ssyncadd.s32 $0xFFFFFFFF  }
0x96: {  	s17 =	sld [smem:$0x11];
	(tm) =	ssettm $0x1  }
0x97: {  	s18 =	sld [smem:$0x3FFB];
	_ =	sdelay $0x3  }
0x98: {  	_ =	strace s18  }
0x99: {  	s4 =	sld [smem:$0x3FFC];
	_ =	sdelay $0x3  }
0x9a: {  	_ =	strace s4  }
0x9b: {  	s4 =	sld [smem:$0x3FFD];
	_ =	sdelay $0x3  }
0x9c: {  	_ =	strace s4  }
0x9d: {  	_ =	strace $0x8FFFFFFF  }
0x9e: {  	s19 =	sld [smem:$0x3FDB];
	_ =	sdelay $0x1  }
0x9f: {  	s5 =	simm.s32 $_scs_section_size  }
0xa0: {  	s6 =	simm.s32 $_size__tile_overlayer_lowered;
	s7 =	simm.s32 $_tile_overlayer_lowered  }
0xa1: {  	s22 =	simm.s32 $0x1BFF;
	s21 =	sshll.u32 s7, $0x1;
	s4 =	sadd.s32 s5, s19  }
0xa2: {  	s8 =	simm.s32 $0x0;
	s20 =	sshll.u32 s6, $0x1;
	s6 =	sadd.s32 s21, s4  }
0xa3: {  	[timem:s8], [sflag:s22] =	dma.local [hbm:s6], s20  }
0xa4: {  	_ =	swait.ge [sflag:s22], s20  }
0xa5: {  	s5 =	ssub.s32 $0x0, s20;
	[sflag:s22] =	ssyncset.done $0x0  }
0xa6: {  	[sflag:s22] =	ssyncadd.s32 s5;
	_ =	sdelay $0x1  }
0xa7: {  	s23 =	simm.s32 $0x1B8B  }
0xa8: {  	_ =	swait.ge [sflag:s23], $0x1  }
0xa9: {  	[sflag:s23] =	ssyncset.done $0x0  }
0xaa: {  	s25 =	simm.s32 $0x1B8E;
	s24 =	sld [smem:$0x3FFE];
	[sflag:s23] =	ssyncadd.s32 $0xFFFFFFFF  }
0xab: {  	s26 =	simm.s32 $execute0_lowered;
	[smem:$0x3FD2] =	sst s25  }
0xac: {  	s6 =	sshll.u32 s26, $0x1;
	_ =	strace $0x8000004C;
	[dreg:$0x1] =	wrdreg $0xFFFFFFFF  }
0xad: {  	s28 =	simm.s32 $_size_execute0_lowered;
	s4 =	sadd.s32 s4, s6;
	[dreg:$0x0] =	wrdreg $0x0  }
0xae: {  	s6 =	sshll.u32 s28, $0x1;
	[dreg:$0x2] =	wrdreg s4  }
0xaf: {  	[dreg:$0x3] =	wrdreg s6  }
0xb0: {  	[dreg:$0x4] =	wrdreg $0xC0  }
0xb1: {  	_ =	task [dreg:s8], $0x5FFFF  }
0xb2: {  	[dreg:$0x1] =	wrdreg $0xFFFFFFFF  }
0xb3: {  	[dreg:$0x0] =	wrdreg $0x60  }
0xb4: {  	[dreg:$0x2] =	wrdreg s24  }
0xb5: {  	[dreg:$0x3] =	wrdreg s17  }
0xb6: {  	[dreg:$0x4] =	wrdreg s16  }
0xb7: {  	[dreg:$0x5] =	wrdreg $0x83000  }
0xb8: {  	[dreg:$0x6] =	wrdreg $0x9  }
0xb9: {  	_ =	task.clear_ibuf [dreg:s8], $0x7FFFF;
	_ =	strace $0x9000004C  }
0xba: {  	s29 =	simm.s32 $0x9;
	_ =	strace $0x8000004E  }
0xbb: {  	_ =	swait.ge [sflag:s29], $0x1  }
0xbc: {  	[sflag:s29] =	ssyncadd.s32 $0xFFFFFFFF  }
0xbd: {  	_ =	strace $0x9000004E  }
0xbe: {  	_ =	sfence  }
0xbf: {  	s30 =	sld [smem:$0x0];
	_ =	sdelay $0x2  }
0xc0: {  	s31 =	sshll.u32 s1, $0xD;
	s1 =	sshrl.u32 s1, $0x2  }
0xc1: {  	s3 =	sand.u32 $0x4000, s31;
	s1 =	sadd.s32 s1, s30  }
0xc2: {  	s0 =	sor.u32 s3, s0;
	s1 =	sshll.u32 s1, $0x11  }
0xc3: {  	s0 =	sor.u32 s1, s0  }
0xc4: {  	s0 =	sadd.s32 $0x8F2B, s0  }
0xc5: {  	[sflag:s0] =	ssyncadd.remote.s32 $0x1  }
0xc6: {  	_ =	sfence.sel $0xFFFF  }
0xc7: {  	[dreg:$0x0] =	wrdreg $0xFFFFFFFF;
	(pc) =	sbr.abs _section_cstart, $3  }
0xc8: {  	[dreg:$0x1] =	wrdreg $0xFFFFFFFF  }
0xc9: {  	_ =	task.clear_ibuf [dreg:s8], $0x2FFFF;
	_ =	strace $0x9FFFFFFF  }
0xca: {  	(tm) =	ssettm $0x7FFFFFFF  }
0xcb: {  	_ =	shalt  }
tec
execute0_lowered:
.L_overlay_start_1:
0x0: {  	(tag) =	ssettag $0x1  }
0x1: {  	s0 =	rddreg [dreg:$0x0]  }
0x2: {  	s1 =	rddreg [dreg:$0x1]  }
0x3: {  	s2 =	rddreg [dreg:$0x2]  }
0x4: {  	s3 =	rddreg [dreg:$0x3];
	s4 =	srdreg.scid;
	s5 =	simm.s32 $0x0  }
0x5: {  	s11 =	stileid.u32;
	s28 =	simm.s32 $0x4300;
	s29 =	simm.s32 $0x200  }
0x6: {  	s30 =	simm.s32 $0x2;
	s31 =	simm.s32 $0x3;
	s8 =	smul.u32 $0x14000, s11  }
0x7: {  	s4 =	sand.u32 $0x1, s4;
	[smem:$0x7FF] =	sst s5;
	s9 =	smul.u32 $0x50000, s11  }
0x8: {  	s6 =	sadd.s32 $0x2600, s0;
	s13 =	sadd.s32 $0x2A600, s0;
	s14 =	smul.u32 $0x2800, s11  }
0x9: {  	s18 =	sshll.u32 s11, $0x1;
	s23 =	smul.u32 $0xA00, s11;
	s26 =	sshll.u32 s11, $0x6  }
0xa: {  	s7 =	smul.u32 $0x140000, s4;
	_ =	strace $0x8000004D;
	s19 =	ssub.s32 $0x2, s4  }
0xb: {  	p0 =	seq.s32 s4, $0x0;
	s25 =	smul.u32 $0x500, s4;
	s10 =	sshrl.u32 s19, $0x1  }
0xc: {  	s9 =	sshrl.u32 s9, $0x2;
	s13 =	smov.u32 @p0 s6;
	s7 =	sadd.s32 s8, s7  }
0xd: {  	s8 =	sor.u32 s4, s18;
	s18 =	sadd.s32 s9, s3;
	s13 =	sadd.s32 s13, s14  }
0xe: {  	s14 =	sor.u32 $0x1C07, s26;
	s15 =	sadd.s32 s25, s23;
	s23 =	simm.s32 $0x5  }
0xf: {  	s25 =	simm.s32 $0x1;
	s26 =	simm.s32 $0x6;
	s4 =	simm.s32 $0x4  }
0x10: {  	s7 =	sshrl.u32 s7, $0x3;
	s8 =	smul.u32 $0x500, s8;
	s16 =	sadd.s32 s1, s15  }
0x11: {  	s17 =	sadd.s32 s2, s15;
	s18 =	sshrl.u32 s18, $0x3;
	s0 =	sadd.s32 s7, s0  }
0x12: {  	s7 =	ssub.s32 s19, s10;
	s19 =	simm.s32 $0x7;
	s20 =	sadd.s32 s1, s8  }
0x13: {  	s21 =	sor.u32 $0x10, s8;
	s8 =	sadd.s32 s2, s8;
	s0 =	sadd.s32 $0x52600, s0  }
.Ltmp0:
0x14: {  	s12 =	smax.u32 s7, $0x1;
	[dreg:$0x5] =	wrdreg s20;
	(pc) =	sbr.rel .LBB2_1-.Ltmp0, $4  }
0x15: {  	s7 =	simm.s32 $0x0;
	[dreg:$0x6] =	wrdreg s8;
	s22 =	sadd.s32 s1, s21  }
0x16: {  	s24 =	sadd.s32 s2, s21;
	[dreg:$0x9] =	wrdreg s0;
	s20 =	simm.s32 $0x100  }
0x17: {  	s21 =	simm.s32 $0x80;
	s0 =	simm.s32 $0x280;
	[dreg:$0x7] =	wrdreg s22  }
0x18: {  	[dreg:$0x8] =	wrdreg s24;
	s22 =	simm.s32 $0x180;
	s24 =	simm.s32 $0x300  }
.LBB2_4:
0x19: {  	_ =	swait.ge [sflag:s30], $0x4000  }
0x1a: {  	[sflag:s30] =	ssyncset.done $0x0  }
0x1b: {  	[sflag:s30] =	ssyncadd.s32 $0xFFFFC000  }
0x1c: {  	_ =	swait.ge [sflag:s31], $0x4000  }
0x1d: {  	[sflag:s31] =	ssyncset.done $0x0  }
0x1e: {  	[sflag:s31] =	ssyncadd.s32 $0xFFFFC000  }
0x1f: {  	[spmem:s3] =	stream.indirect.scatter.add.f32 [tilespmem:s28], [sflag:$0x4], $0x80, s0, s21, $0xb8;
	[tilespmem:$0x1C300] =	vst v63  }
0x20: {  	_ =	swait.ge [sflag:s4], $0x4000  }
0x21: {  	[sflag:s4] =	ssyncset.done $0x0  }
0x22: {  	s7 =	sadd.s32 $0x1, s7;
	[sflag:s4] =	ssyncadd.s32 $0xFFFFC000  }
0x23: {  	p0 =	sne.s32 s7, s12;
	[bflag:$0x0] =	sbarrier.arrive $0xFFFF  }
.Ltmp1:
0x24: {  	s8 =	rddreg [dreg:$0x9];
	(pc) =	sbr.rel @!p0 .LBB2_5-.Ltmp1, $4  }
0x25: {  	[hbm:s8], [sflag:s14] =	dma.local [spmem:s18], $0x2800  }
0x26: {  	_ =	swait.ge [sflag:s19], $0x2800  }
0x27: {  	[sflag:s19] =	ssyncset.done $0x0  }
0x28: {  	[sflag:s19] =	ssyncadd.s32 $0xFFFFD800  }
.LBB2_1:
0x29: {  	[spmem:s18], [sflag:s14] =	dma.local [hbm:s13], $0x2800  }
0x2a: {  	_ =	swait.ge [sflag:s19], $0x2800  }
0x2b: {  	[sflag:s19] =	ssyncset.done $0x0  }
0x2c: {  	s8 =	rddreg [dreg:$0x5];
	[sflag:s19] =	ssyncadd.s32 $0xFFFFD800  }
0x2d: {  	[tilespmem:s5], [sflag:$0x5] =	stream.linear.gather [hbm4b:s8+s5], $0x80, $0x38;
	[tilespmem:$0x1C300] =	vst v63  }
0x2e: {  	s9 =	rddreg [dreg:$0x6]  }
0x2f: {  	[tilespmem:s20], [sflag:$0x5] =	stream.linear.gather [hbm4b:s9+s5], $0x80, $0x38;
	[tilespmem:$0x1C300] =	vst v63  }
0x30: {  	s10 =	rddreg [dreg:$0x7]  }
0x31: {  	[tilespmem:s21], [sflag:$0x6] =	stream.linear.gather [hbm4b:s10+s5], $0x80, $0x38;
	[tilespmem:$0x1C300] =	vst v63  }
0x32: {  	s11 =	rddreg [dreg:$0x8]  }
0x33: {  	[tilespmem:s22], [sflag:$0x6] =	stream.linear.gather [hbm4b:s11+s5], $0x80, $0x38;
	[tilespmem:$0x1C300] =	vst v63  }
0x34: {  	_ =	swait.ge [sflag:s23], $0x80  }
0x35: {  	[sflag:s23] =	ssyncset.done $0x0  }
0x36: {  	[sflag:s23] =	ssyncadd.s32 $0xFFFFFF80  }
0x37: {  	_ =	swait.ge [sflag:s23], $0x80  }
0x38: {  	[sflag:s23] =	ssyncset.done $0x0  }
0x39: {  	[sflag:s23] =	ssyncadd.s32 $0xFFFFFF80  }
0x3a: {  	[tilespmem:s24], [sflag:$0x1] =	stream.indirect.gather [hbm4b:s6+s21], $0x80, s5, s21, $0xb8;
	[tilespmem:$0x1C300] =	vst v63  }
0x3b: {  	s8 =	simm.s32 $0x0;
	[bflag:$0x0] =	sbarrier.arrive $0xFFFF  }
.LBB2_2:
0x3c: {  	_ =	swait.ge [sflag:s25], $0x4000  }
0x3d: {  	p0 =	seq.s32 s8, $0x0;
	[sflag:s25] =	ssyncset.done $0x0  }
0x3e: {  	s9 =	simm.s32 @!p0 $0x4;
	[sflag:s25] =	ssyncadd.s32 $0xFFFFC000  }
0x3f: {  	_ =	swait.ge @!p0 [sflag:s9], $0x4000  }
0x40: {  	[sflag:s9] =	ssyncset.done @!p0 $0x0  }
0x41: {  	[sflag:s9] =	ssyncadd.s32 @!p0 $0xFFFFC000  }
0x42: {  	_ =	swait.ge [sflag:s26], $0x80  }
0x43: {  	[sflag:s26] =	ssyncset.done $0x0  }
0x44: {  	[sflag:s26] =	ssyncadd.s32 $0xFFFFFF80  }
0x45: {  	s10 =	sadd.s32 s8, s15;
	_ =	swait.ge [sflag:s26], $0x80  }
0x46: {  	s9 =	sand.u32 $0xFFFFF80, s10;
	s10 =	sand.u32 $0x40, s8;
	[sflag:s26] =	ssyncset.done $0x0  }
0x47: {  	s9 =	sor.u32 s9, s10;
	[sflag:s26] =	ssyncadd.s32 $0xFFFFFF80  }
0x48: {  	[tilespmem:s28], [sflag:$0x2] =	stream.indirect.gather [hbm4b:s6+s21], $0x80, s21, s21, $0xb8;
	[tilespmem:$0x1C300] =	vst v63  }
0x49: {  	s10 =	sor.u32 $0x20, s9  }
0x4a: {  	[spmem:s3] =	stream.indirect.scatter.add.f32 [tilespmem:s24], [sflag:$0x3], $0x80, s20, s21, $0xb8;
	[tilespmem:$0x1C300] =	vst v63  }
0x4b: {  	s11 =	sadd.s32 s1, s10  }
0x4c: {  	[tilespmem:s5], [sflag:$0x5] =	stream.linear.gather [hbm4b:s11+s5], $0x80, $0x38;
	[tilespmem:$0x1C300] =	vst v63  }
0x4d: {  	s10 =	sadd.s32 s2, s10  }
0x4e: {  	[tilespmem:s29], [sflag:$0x5] =	stream.linear.gather [hbm4b:s10+s5], $0x80, $0x38;
	[tilespmem:$0x1C300] =	vst v63  }
0x4f: {  	_ =	swait.ge [sflag:s30], $0x4000  }
0x50: {  	[sflag:s30] =	ssyncset.done $0x0  }
0x51: {  	[sflag:s30] =	ssyncadd.s32 $0xFFFFC000  }
0x52: {  	_ =	swait.ge [sflag:s31], $0x4000  }
0x53: {  	[sflag:s31] =	ssyncset.done $0x0  }
0x54: {  	[sflag:s31] =	ssyncadd.s32 $0xFFFFC000  }
0x55: {  	_ =	swait.ge [sflag:s23], $0x80  }
0x56: {  	[sflag:s23] =	ssyncset.done $0x0  }
0x57: {  	[sflag:s23] =	ssyncadd.s32 $0xFFFFFF80  }
0x58: {  	_ =	swait.ge [sflag:s23], $0x80  }
0x59: {  	[sflag:s23] =	ssyncset.done $0x0  }
0x5a: {  	[sflag:s23] =	ssyncadd.s32 $0xFFFFFF80  }
0x5b: {  	[tilespmem:s24], [sflag:$0x1] =	stream.indirect.gather [hbm4b:s6+s21], $0x80, s5, s21, $0xb8;
	[tilespmem:$0x1C300] =	vst v63  }
0x5c: {  	s9 =	sor.u32 $0x30, s9  }
0x5d: {  	[spmem:s3] =	stream.indirect.scatter.add.f32 [tilespmem:s28], [sflag:$0x4], $0x80, s22, s21, $0xb8;
	[tilespmem:$0x1C300] =	vst v63  }
0x5e: {  	s11 =	sadd.s32 s1, s9  }
0x5f: {  	[tilespmem:s21], [sflag:$0x6] =	stream.linear.gather [hbm4b:s11+s5], $0x80, $0x38;
	[tilespmem:$0x1C300] =	vst v63  }
0x60: {  	s9 =	sadd.s32 s2, s9  }
0x61: {  	[tilespmem:s0], [sflag:$0x6] =	stream.linear.gather [hbm4b:s9+s5], $0x80, $0x38;
	[tilespmem:$0x1C300] =	vst v63  }
0x62: {  	_ =	swait.ge [sflag:s25], $0x4000  }
0x63: {  	[sflag:s25] =	ssyncset.done $0x0  }
0x64: {  	[sflag:s25] =	ssyncadd.s32 $0xFFFFC000  }
0x65: {  	_ =	swait.ge [sflag:s4], $0x4000  }
0x66: {  	[sflag:s4] =	ssyncset.done $0x0  }
0x67: {  	[sflag:s4] =	ssyncadd.s32 $0xFFFFC000  }
0x68: {  	_ =	swait.ge [sflag:s26], $0x80  }
0x69: {  	[sflag:s26] =	ssyncset.done $0x0  }
0x6a: {  	[sflag:s26] =	ssyncadd.s32 $0xFFFFFF80  }
0x6b: {  	p0 =	seq.s32 s8, $0x4C0;
	_ =	swait.ge [sflag:s26], $0x80  }
.Ltmp2:
0x6c: {  	[sflag:s26] =	ssyncset.done $0x0;
	(pc) =	sbr.rel @p0 .LBB2_4-.Ltmp2, $4  }
0x6d: {  	[sflag:s26] =	ssyncadd.s32 $0xFFFFFF80  }
0x6e: {  	[tilespmem:s28], [sflag:$0x2] =	stream.indirect.gather [hbm4b:s6+s21], $0x80, s21, s21, $0xb8;
	[tilespmem:$0x1C300] =	vst v63  }
0x6f: {  	_ = 	snop  }
0x70: {  	[spmem:s3] =	stream.indirect.scatter.add.f32 [tilespmem:s24], [sflag:$0x3], $0x80, s29, s21, $0xb8;
	[tilespmem:$0x1C300] =	vst v63  }
0x71: {  	s9 =	sadd.s32 s8, s16  }
0x72: {  	s10 =	sadd.s32 $0x40, s9  }
0x73: {  	[tilespmem:s5], [sflag:$0x5] =	stream.linear.gather [hbm4b:s10+s5], $0x80, $0x38;
	[tilespmem:$0x1C300] =	vst v63  }
0x74: {  	s10 =	sadd.s32 s8, s17  }
0x75: {  	s11 =	sadd.s32 $0x40, s10  }
0x76: {  	[tilespmem:s20], [sflag:$0x5] =	stream.linear.gather [hbm4b:s11+s5], $0x80, $0x38;
	[tilespmem:$0x1C300] =	vst v63  }
0x77: {  	_ =	swait.ge [sflag:s30], $0x4000  }
0x78: {  	[sflag:s30] =	ssyncset.done $0x0  }
0x79: {  	[sflag:s30] =	ssyncadd.s32 $0xFFFFC000  }
0x7a: {  	_ =	swait.ge [sflag:s31], $0x4000  }
0x7b: {  	[sflag:s31] =	ssyncset.done $0x0  }
0x7c: {  	[sflag:s31] =	ssyncadd.s32 $0xFFFFC000  }
0x7d: {  	_ =	swait.ge [sflag:s23], $0x80  }
0x7e: {  	[sflag:s23] =	ssyncset.done $0x0  }
0x7f: {  	[sflag:s23] =	ssyncadd.s32 $0xFFFFFF80  }
0x80: {  	_ =	swait.ge [sflag:s23], $0x80  }
0x81: {  	[sflag:s23] =	ssyncset.done $0x0  }
0x82: {  	[sflag:s23] =	ssyncadd.s32 $0xFFFFFF80  }
0x83: {  	[tilespmem:s24], [sflag:$0x1] =	stream.indirect.gather [hbm4b:s6+s21], $0x80, s5, s21, $0xb8;
	[tilespmem:$0x1C300] =	vst v63  }
0x84: {  	_ = 	snop  }
0x85: {  	[spmem:s3] =	stream.indirect.scatter.add.f32 [tilespmem:s28], [sflag:$0x4], $0x80, s0, s21, $0xb8;
	[tilespmem:$0x1C300] =	vst v63  }
.Ltmp3:
0x86: {  	_ = 	snop;
	(pc) =	sbr.rel .LBB2_2-.Ltmp3, $4  }
0x87: {  	s9 =	sadd.s32 $0x50, s9  }
0x88: {  	[tilespmem:s21], [sflag:$0x6] =	stream.linear.gather [hbm4b:s9+s5], $0x80, $0x38;
	[tilespmem:$0x1C300] =	vst v63  }
0x89: {  	s8 =	sadd.s32 $0x40, s8;
	s11 =	sadd.s32 $0x50, s10  }
0x8a: {  	[tilespmem:s22], [sflag:$0x6] =	stream.linear.gather [hbm4b:s11+s5], $0x80, $0x38;
	[tilespmem:$0x1C300] =	vst v63  }
.LBB2_5:
0x8b: {  	_ =	sfence.sel $0x180000  }
0x8c: {  	[bflag:$0x0] =	sbarrier.arrive $0xFFFF  }
0x8d: {  	_ =	strace $0x9000004D  }
0x8e: {  	s0 =	stileid.u32;
	[bflag:$0x2] =	sbarrier.arrive $0xFFFF  }
0x8f: {  	p0 =	sne.s32 s0, $0x0;
	s0 =	rddreg [dreg:$0x4]  }
0x90: {  	s0 =	sadd.s32 @!p0 $0x100000, s0  }
0x91: {  	[sflag:s0] =	ssyncadd.tile.s32 @!p0 $0x1;
	_ =	shalt  }
.Lfunc_end2:
_tile_overlayer_lowered:
.L_overlay_start_2:
0x92: {  	(tag) =	ssettag $0x2  }
0x93: {  	s0 =	rddreg [dreg:$0x0];
	s2 =	stileid.u32  }
0x94: {  	s1 =	rddreg [dreg:$0x1];
	p0 =	sne.s32 s2, $0x0  }
0x95: {  	s3 =	rddreg [dreg:$0x2];
	[bflag:$0x3] =	sbarrier.arrive $0xFFFF;
	s2 =	simm.s32 @!p0 $0x1C07  }
0x96: {  	[timem:s3], [sflag:s2] =	dma.local @!p0 [hbm:s0], s1  }
0x97: {  	s0 =	simm.s32 @!p0 $0x7  }
0x98: {  	_ =	swait.ge @!p0 [sflag:s0], s1  }
0x99: {  	s1 =	ssub.s32 @!p0 $0x0, s1;
	[sflag:s0] =	ssyncset.done @!p0 $0x0  }
0x9a: {  	[sflag:s0] =	ssyncadd.s32 @!p0 s1  }
0x9b: {  	[bflag:$0x3] =	sbarrier.arrive $0xFFFF  }
0x9c: {  	_ =	shalt  }

// kernel: kernel.9.cloned.1.call-start
scs
__scs_entry_jumppad:
0x0: {  	(pc) =	sbr.rel $0x88, $3  }
0x1: {  	(tag) =	ssettag $0x0;
	lr =	simm.s32 $0x1  }
0x2: {  	[smem:$0x3F99] =	sst lr;
	_ =	strace $0xD0000000  }
0x3: {  	_ = 	snop  }
0x4: {  	_ = 	snop  }
0x5: {  	_ = 	snop  }
0x6: {  	_ = 	snop  }
0x7: {  	_ = 	snop  }
__scs_overlays_trampoline_lowered:
0x8: {  	[smem:$0x3FA8] =	sst s0  }
0x9: {  	[smem:$0x3FA9] =	sst s1  }
0xa: {  	[smem:$0x3FAA] =	sst s2  }
0xb: {  	[smem:$0x3FAB] =	sst s3  }
0xc: {  	[smem:$0x3FAC] =	sst s4  }
0xd: {  	[smem:$0x3FAD] =	sst s5  }
0xe: {  	[smem:$0x3FAE] =	sst s6  }
0xf: {  	[smem:$0x3FAF] =	sst s7  }
0x10: {  	[smem:$0x3FB0] =	sst s8  }
0x11: {  	[smem:$0x3FB1] =	sst s9;
	s0 =	simm.s32 @!p0 $0x0  }
0x12: {  	s1 =	sld [smem:$0x3F97];
	s0 =	simm.s32 @p0 $0x1  }
0x13: {  	[smem:$0x3FB2] =	sst s0;
	s0 =	simm.s32 @!p1 $0x0  }
0x14: {  	s2 =	sld [smem:$0x3F96];
	s0 =	simm.s32 @p1 $0x1  }
0x15: {  	[smem:$0x3FB3] =	sst s0;
	s0 =	simm.s32 @!p2 $0x0  }
0x16: {  	s3 =	sld [smem:$0x3FDB];
	s0 =	simm.s32 @p2 $0x1  }
0x17: {  	s4 =	simm.s32 $0x1BF5;
	[smem:$0x3FB5] =	sst s0  }
0x18: {  	s0 =	sld [smem:$0x3F98];
	_ =	swait.ge [sflag:s4], $0x0  }
0x19: {  	s7 =	sld [smem:$0x3F99]  }
0x1a: {  	s8 =	sadd.s32 $0xFFFFE003, lr  }
0x1b: {  	s9 =	sadd.s32 $0xFFFFFEF7, lr;
	s5 =	simm.s32 $0xFFFFFFFF;
	p2 =	slt.u32 s8, $0xFFFFF086  }
0x1c: {  	p1 =	slt.u32 s9, $0xF7A;
	s5 =	simm.s32 @!p2 $0x0  }
0x1d: {  	s5 =	simm.s32 @p1 $0x1;
	p0 =	seq.s32 s7, s2  }
0x1e: {  	s7 =	smul.u32 @!p0 $0xF7A, s2;
	p2 =	seq.s32 @!p0 s5, $0x0  }
0x1f: {  	s9 =	smul.u32 $0xF7A, s1;
	s8 =	simm.s32 @!p0 $0x1BF5;
	p2 =	por !p2, p0  }
0x20: {  	[sflag:s8] =	ssyncset.s32 @!p0 $0xFFFFF086;
	s6 =	sadd.s32 @!p0 s3, s7;
	s7 =	simm.s32 @!p0 $0x108  }
0x21: {  	s3 =	sadd.s32 s3, s9;
	s6 =	sadd.s32 @!p0 $0x88, s6;
	s7 =	simm.s32 @p2 $0x1082  }
0x22: {  	[simem:s7], [sflag:s8] =	dma.local @!p0 [hbm:s6], $0xF7A  }
0x23: {  	s9 =	sor.u32 $0xD0000000, s2;
	s6 =	simm.s32 $0x108;
	_ =	swait.ge @!p0 [sflag:s8], $0x0  }
0x24: {  	s3 =	sadd.s32 $0x88, s3;
	s6 =	simm.s32 @!p1 $0x1082;
	[sflag:s4] =	ssyncset.s32 $0xFFFFF086  }
0x25: {  	[simem:s6], [sflag:s4] =	dma.local [hbm:s3], $0xF7A  }
0x26: {  	[smem:$0x3F99] =	sst s1;
	(tag) =	ssettag s2;
	_ =	strace s9  }
0x27: {  	s1 =	sld [smem:$0x3FA9]  }
0x28: {  	s2 =	sld [smem:$0x3FAA]  }
0x29: {  	s4 =	sld [smem:$0x3FAC]  }
0x2a: {  	p0 =	seq.s32 s5, $0x0;
	s5 =	sld [smem:$0x3FAD]  }
0x2b: {  	s6 =	sld [smem:$0x3FAE]  }
0x2c: {  	s7 =	sld [smem:$0x3FAF]  }
0x2d: {  	s3 =	simm.s32 $0x108;
	s8 =	sld [smem:$0x3FB0]  }
0x2e: {  	s3 =	simm.s32 @!p0 $0x1082;
	s9 =	sld [smem:$0x3FB1]  }
0x2f: {  	lr =	sadd.s32 s0, s3;
	s0 =	sld [smem:$0x3FA8]  }
0x30: {  	s3 =	sld [smem:$0x3FAB]  }
0x31: {  	[smem:$0x3FB4] =	sst s10  }
0x32: {  	s10 =	sld [smem:$0x3FB2];
	_ =	sdelay $0x3  }
0x33: {  	p0 =	seq.s32 s10, $0x1;
	s10 =	sld [smem:$0x3FB4];
	_ =	sdelay $0x3  }
0x34: {  	[smem:$0x3FB4] =	sst s10  }
0x35: {  	s10 =	sld [smem:$0x3FB3];
	_ =	sdelay $0x3  }
0x36: {  	p1 =	seq.s32 s10, $0x1;
	s10 =	sld [smem:$0x3FB4];
	_ =	sdelay $0x3  }
0x37: {  	[smem:$0x3FB4] =	sst s10  }
0x38: {  	s10 =	sld [smem:$0x3FB5]  }
0x39: {  	_ = 	snop;
	(pc) =	sbr.ind lr, $3  }
0x3a: {  	_ = 	snop  }
0x3b: {  	_ = 	snop  }
0x3c: {  	p2 =	seq.s32 s10, $0x1;
	s10 =	sld [smem:$0x3FB4]  }
0x3d: {  	_ =	shalt  }
0x3e: {  	_ =	shalt  }
0x3f: {  	_ =	shalt  }
0x40: {  	_ =	shalt  }
0x41: {  	_ =	shalt  }
0x42: {  	_ =	shalt  }
0x43: {  	_ =	shalt  }
0x44: {  	_ =	shalt  }
0x45: {  	_ =	shalt  }
0x46: {  	_ =	shalt  }
0x47: {  	_ =	shalt  }
0x48: {  	_ =	shalt  }
0x49: {  	_ =	shalt  }
0x4a: {  	_ =	shalt  }
0x4b: {  	_ =	shalt  }
0x4c: {  	_ =	shalt  }
0x4d: {  	_ =	shalt  }
0x4e: {  	_ =	shalt  }
0x4f: {  	_ =	shalt  }
0x50: {  	_ =	shalt  }
0x51: {  	_ =	shalt  }
0x52: {  	_ =	shalt  }
0x53: {  	_ =	shalt  }
0x54: {  	_ =	shalt  }
0x55: {  	_ =	shalt  }
0x56: {  	_ =	shalt  }
0x57: {  	_ =	shalt  }
0x58: {  	_ =	shalt  }
0x59: {  	_ =	shalt  }
0x5a: {  	_ =	shalt  }
0x5b: {  	_ =	shalt  }
0x5c: {  	_ =	shalt  }
0x5d: {  	_ =	shalt  }
0x5e: {  	_ =	shalt  }
0x5f: {  	_ =	shalt  }
0x60: {  	_ =	shalt  }
0x61: {  	_ =	shalt  }
0x62: {  	_ =	shalt  }
0x63: {  	_ =	shalt  }
0x64: {  	_ =	shalt  }
0x65: {  	_ =	shalt  }
0x66: {  	_ =	shalt  }
0x67: {  	_ =	shalt  }
0x68: {  	_ =	shalt  }
0x69: {  	_ =	shalt  }
0x6a: {  	_ =	shalt  }
0x6b: {  	_ =	shalt  }
0x6c: {  	_ =	shalt  }
0x6d: {  	_ =	shalt  }
0x6e: {  	_ =	shalt  }
0x6f: {  	_ =	shalt  }
0x70: {  	_ =	shalt  }
0x71: {  	_ =	shalt  }
0x72: {  	_ =	shalt  }
0x73: {  	_ =	shalt  }
0x74: {  	_ =	shalt  }
0x75: {  	_ =	shalt  }
0x76: {  	_ =	shalt  }
0x77: {  	_ =	shalt  }
0x78: {  	_ =	shalt  }
0x79: {  	_ =	shalt  }
0x7a: {  	_ =	shalt  }
0x7b: {  	_ =	shalt  }
0x7c: {  	_ =	shalt  }
0x7d: {  	_ =	shalt  }
0x7e: {  	_ =	shalt  }
0x7f: {  	_ =	shalt  }
0x80: {  	_ =	shalt  }
0x81: {  	_ =	shalt  }
0x82: {  	_ =	shalt  }
0x83: {  	_ =	shalt  }
0x84: {  	_ =	shalt  }
0x85: {  	_ =	shalt  }
0x86: {  	_ =	shalt  }
0x87: {  	_ =	shalt  }
.Lfunc_end0:
.L_simem_size_0:
called_computation_lowered:
.L_overlay_start_0:
0x88: {  	s2 =	sld [smem:$0x3FD9]  }
0x89: {  	s3 =	sld [smem:$0x3FFE];
	_ =	sdelay $0x1  }
0x8a: {  	s1 =	srdreg.scid  }
0x8b: {  	s0 =	sand.u32 $0x1, s1  }
0x8c: {  	s14 =	sshll.u32 s0, $0xA;
	s2 =	sadd.s32 s3, s2  }
0x8d: {  	s2 =	sadd.s32 s2, s14  }
0x8e: {  	[smem:$0x3FC0] =	sst s2  }
0x8f: {  	_ = 	snop  }
0x90: {  	s2 =	sld [smem:$0x3FD0];
	_ =	sdelay $0x2  }
0x91: {  	s15 =	simm.s32 $0xA;
	s4 =	simm.s32 $0x10  }
0x92: {  	[smem:s4], [sflag:s15] =	dma.local [hbm:s2], $0x1  }
0x93: {  	_ =	swait.eq [sflag:s15], $0x1  }
0x94: {  	[sflag:s15] =	ssyncset.done $0x0  }
0x95: {  	[sflag:s15] =	ssyncadd.s32 $0xFFFFFFFF  }
0x96: {  	s16 =	sld [smem:$0x10];
	(tm) =	ssettm $0x1  }
0x97: {  	s17 =	sld [smem:$0x3FFB];
	_ =	sdelay $0x3  }
0x98: {  	_ =	strace s17  }
0x99: {  	s3 =	sld [smem:$0x3FFC];
	_ =	sdelay $0x3  }
0x9a: {  	_ =	strace s3  }
0x9b: {  	s3 =	sld [smem:$0x3FFD];
	_ =	sdelay $0x3  }
0x9c: {  	_ =	strace s3  }
0x9d: {  	_ =	strace $0x8FFFFFFF  }
0x9e: {  	s18 =	sld [smem:$0x3FDB];
	_ =	sdelay $0x1  }
0x9f: {  	s19 =	simm.s32 $_scs_section_size  }
0xa0: {  	s5 =	simm.s32 $_size__tile_overlayer_lowered;
	s6 =	simm.s32 $_tile_overlayer_lowered  }
0xa1: {  	s22 =	simm.s32 $0x1BFF;
	s21 =	sshll.u32 s6, $0x1;
	s3 =	sadd.s32 s19, s18  }
0xa2: {  	s7 =	simm.s32 $0x0;
	s20 =	sshll.u32 s5, $0x1;
	s5 =	sadd.s32 s21, s3  }
0xa3: {  	[timem:s7], [sflag:s22] =	dma.local [hbm:s5], s20  }
0xa4: {  	_ =	swait.ge [sflag:s22], s20  }
0xa5: {  	s4 =	ssub.s32 $0x0, s20;
	[sflag:s22] =	ssyncset.done $0x0  }
0xa6: {  	[sflag:s22] =	ssyncadd.s32 s4;
	_ =	sdelay $0x1  }
0xa7: {  	s23 =	simm.s32 $0x1B8B  }
0xa8: {  	_ =	swait.ge [sflag:s23], $0x1  }
0xa9: {  	[sflag:s23] =	ssyncset.done $0x0  }
0xaa: {  	s25 =	simm.s32 $0x1B8E;
	s24 =	sld [smem:$0x3FFE];
	[sflag:s23] =	ssyncadd.s32 $0xFFFFFFFF  }
0xab: {  	s26 =	simm.s32 $execute0_lowered;
	[smem:$0x3FD2] =	sst s25  }
0xac: {  	s5 =	sshll.u32 s26, $0x1;
	_ =	strace $0x80000046;
	[dreg:$0x1] =	wrdreg $0xFFFFFFFF  }
0xad: {  	s28 =	simm.s32 $_size_execute0_lowered;
	s3 =	sadd.s32 s3, s5;
	[dreg:$0x0] =	wrdreg $0x0  }
0xae: {  	s5 =	sshll.u32 s28, $0x1;
	[dreg:$0x2] =	wrdreg s3  }
0xaf: {  	[dreg:$0x3] =	wrdreg s5  }
0xb0: {  	[dreg:$0x4] =	wrdreg $0xC0  }
0xb1: {  	_ =	task [dreg:s7], $0x5FFFF  }
0xb2: {  	[dreg:$0x1] =	wrdreg $0xFFFFFFFF  }
0xb3: {  	[dreg:$0x0] =	wrdreg $0x60  }
0xb4: {  	[dreg:$0x2] =	wrdreg s16  }
0xb5: {  	[dreg:$0x3] =	wrdreg s24  }
0xb6: {  	[dreg:$0x4] =	wrdreg $0x28800  }
0xb7: {  	[dreg:$0x5] =	wrdreg $0x9  }
0xb8: {  	_ =	task.clear_ibuf [dreg:s7], $0x6FFFF;
	_ =	strace $0x90000046  }
0xb9: {  	s29 =	simm.s32 $0x9;
	_ =	strace $0x80000048  }
0xba: {  	_ =	swait.ge [sflag:s29], $0x1  }
0xbb: {  	[sflag:s29] =	ssyncadd.s32 $0xFFFFFFFF  }
0xbc: {  	_ =	strace $0x90000048  }
0xbd: {  	_ =	sfence  }
0xbe: {  	s30 =	sld [smem:$0x0];
	_ =	sdelay $0x2  }
0xbf: {  	s31 =	sshll.u32 s1, $0xD;
	s1 =	sshrl.u32 s1, $0x2  }
0xc0: {  	s3 =	sand.u32 $0x4000, s31;
	s1 =	sadd.s32 s1, s30  }
0xc1: {  	s0 =	sor.u32 s3, s0;
	s1 =	sshll.u32 s1, $0x11  }
0xc2: {  	s0 =	sor.u32 s1, s0  }
0xc3: {  	s0 =	sadd.s32 $0x8F2B, s0  }
0xc4: {  	[sflag:s0] =	ssyncadd.remote.s32 $0x1  }
0xc5: {  	_ =	sfence.sel $0xFFFF  }
0xc6: {  	[dreg:$0x0] =	wrdreg $0xFFFFFFFF;
	(pc) =	sbr.abs _section_cstart, $3  }
0xc7: {  	[dreg:$0x1] =	wrdreg $0xFFFFFFFF  }
0xc8: {  	_ =	task.clear_ibuf [dreg:s7], $0x2FFFF;
	_ =	strace $0x9FFFFFFF  }
0xc9: {  	(tm) =	ssettm $0x7FFFFFFF  }
tec
execute0_lowered:
.L_overlay_start_1:
0x0: {  	(tag) =	ssettag $0x1  }
0x1: {  	s6 =	rddreg [dreg:$0x0]  }
0x2: {  	s4 =	rddreg [dreg:$0x1]  }
0x3: {  	s2 =	rddreg [dreg:$0x2]  }
0x4: {  	s0 =	rddreg [dreg:$0x3];
	s1 =	stileid.u32  }
0x5: {  	s3 =	simm.s32 $0x0;
	s7 =	srdreg.scid;
	s12 =	simm.s32 $0x2800  }
0x6: {  	s13 =	simm.s32 $0x20;
	s14 =	simm.s32 $0x10;
	s15 =	simm.s32 $0x0  }
0x7: {  	s5 =	smul.u32 $0x280, s1;
	[smem:$0x7FF] =	sst s3;
	s7 =	sand.u32 $0x1, s7  }
0x8: {  	s8 =	smul.u32 $0x500, s1;
	s26 =	sshll.u32 s1, $0x1;
	s31 =	sshll.u32 s1, $0x6  }
0x9: {  	_ =	strace $0x80000047;
	s10 =	sshll.u32 s7, $0x7;
	s11 =	ssub.s32 $0x2, s7  }
0xa: {  	s7 =	sor.u32 s7, s26;
	s9 =	sshrl.u32 s5, $0x3;
	s8 =	sor.u32 s10, s8  }
0xb: {  	s28 =	sshrl.u32 s11, $0x1;
	s7 =	smul.u32 $0x500, s7;
	s30 =	sadd.s32 s5, s2  }
0xc: {  	s5 =	sor.u32 $0x1C01, s31;
	s10 =	simm.s32 $0x1;
	s9 =	sadd.s32 s9, s4  }
0xd: {  	s8 =	sshrl.u32 s8, $0x3;
	s29 =	ssub.s32 s11, s28;
	s11 =	simm.s32 $0x80  }
0xe: {  	s8 =	sadd.s32 s8, s4;
	s4 =	sadd.s32 $0x2600, s9;
	s6 =	sadd.s32 s6, s7  }
0xf: {  	v0 =	vimm.f32 $1.000000000e+00;
	s9 =	sshrl.u32 s30, $0x3;
	s7 =	sadd.s32 $0x2C00, s8;
	s8 =	smax.u32 s29, $0x1  }
.LBB2_1:
0x10: {  	[spmem:s9], [sflag:s5] =	dma.local [hbm:s4], $0x50  }
0x11: {  	_ =	swait.ge [sflag:s10], $0x50  }
0x12: {  	[sflag:s10] =	ssyncset.done $0x0  }
0x13: {  	[sflag:s10] =	ssyncadd.s32 $0xFFFFFFB0  }
0x14: {  	[tilespmem:$0x2800] =	vst v0  }
0x15: {  	[tilespmem:$0x2810] =	vst v0  }
0x16: {  	[tilespmem:$0x2820] =	vst v0  }
0x17: {  	[tilespmem:$0x2830] =	vst v0  }
0x18: {  	[tilespmem:$0x2840] =	vst v0  }
0x19: {  	[tilespmem:$0x2850] =	vst v0  }
0x1a: {  	[tilespmem:$0x2860] =	vst v0  }
0x1b: {  	[tilespmem:$0x2870] =	vst v0  }
0x1c: {  	[tilespmem:s3], [sflag:$0x1] =	stream.linear.gather [hbm4b:s6+s3], $0x2800, $0x38;
	[tilespmem:$0x2B00] =	vst v63  }
0x1d: {  	_ =	swait.ge [sflag:s10], $0x2800  }
0x1e: {  	[sflag:s10] =	ssyncset.done $0x0  }
0x1f: {  	[sflag:s10] =	ssyncadd.s32 $0xFFFFD800  }
0x20: {  	s16 =	simm.s32 $0x0;
	[bflag:$0x0] =	sbarrier.arrive $0xFFFF  }
0x21: {  	[spmem:s2] =	stream.indirect.scatter.add.f32 [tilespmem:s12], [sflag:$0x1], $0x1, s16, s11, $0xb8;
	[tilespmem:$0x2B00] =	vst v63  }
0x22: {  	_ =	swait.ge [sflag:s10], $0x80  }
0x23: {  	s16 =	simm.s32 $0x200;
	[sflag:s10] =	ssyncset.done $0x0  }
.LBB2_2:
0x24: {  	s17 =	sshra.s32 s16, $0x2;
	[sflag:s10] =	ssyncadd.s32 $0xFFFFFF80;
	p0 =	sne.s32 s16, $0x9E00  }
0x25: {  	[spmem:s2] =	stream.indirect.scatter.add.f32 [tilespmem:s12], [sflag:$0x1], $0x1, s17, s11, $0xb8;
	[tilespmem:$0x2B00] =	vst v63  }
.Ltmp0:
0x26: {  	_ = 	snop;
	(pc) =	sbr.rel @p0 .LBB2_2-.Ltmp0, $4  }
0x27: {  	_ = 	snop  }
0x28: {  	s16 =	sadd.s32 $0x200, s16  }
0x29: {  	_ =	swait.ge [sflag:s10], $0x80  }
0x2a: {  	[sflag:s10] =	ssyncset.done $0x0  }
0x2b: {  	s15 =	sadd.s32 $0x1, s15  }
0x2c: {  	[sflag:s10] =	ssyncadd.s32 $0xFFFFFF80;
	p0 =	sne.s32 s15, s8  }
.Ltmp1:
0x2d: {  	[bflag:$0x0] =	sbarrier.arrive $0xFFFF;
	(pc) =	sbr.rel @p0 .LBB2_1-.Ltmp1, $4  }
0x2e: {  	[hbm:s7@s13], [sflag:s5] =	dma.strided [spmem:s9@s14], $0x50, s10, $0x10   }
0x2f: {  	_ =	swait.ge [sflag:s10], $0x50  }
0x30: {  	[sflag:s10] =	ssyncset.done $0x0  }
0x31: {  	[sflag:s10] =	ssyncadd.s32 $0xFFFFFFB0  }
0x32: {  	_ =	sfence.sel $0x180000  }
0x33: {  	[bflag:$0x0] =	sbarrier.arrive $0xFFFF  }
0x34: {  	p0 =	sne.s32 s1, $0x0;
	_ =	strace $0x90000047  }
0x35: {  	s0 =	sadd.s32 @!p0 $0x100000, s0;
	[bflag:$0x2] =	sbarrier.arrive $0xFFFF  }
0x36: {  	[sflag:s0] =	ssyncadd.tile.s32 @!p0 $0x1;
	_ =	shalt  }
.Lfunc_end2:
_tile_overlayer_lowered:
.L_overlay_start_2:
0x37: {  	(tag) =	ssettag $0x2  }
0x38: {  	s0 =	rddreg [dreg:$0x0];
	s2 =	stileid.u32  }
0x39: {  	s1 =	rddreg [dreg:$0x1];
	p0 =	sne.s32 s2, $0x0  }
0x3a: {  	s3 =	rddreg [dreg:$0x2];
	[bflag:$0x3] =	sbarrier.arrive $0xFFFF;
	s2 =	simm.s32 @!p0 $0x1C01  }
0x3b: {  	[timem:s3], [sflag:s2] =	dma.local @!p0 [hbm:s0], s1  }
0x3c: {  	s0 =	simm.s32 @!p0 $0x1  }
0x3d: {  	_ =	swait.ge @!p0 [sflag:s0], s1  }
0x3e: {  	s1 =	ssub.s32 @!p0 $0x0, s1;
	[sflag:s0] =	ssyncset.done @!p0 $0x0  }
0x3f: {  	[sflag:s0] =	ssyncadd.s32 @!p0 s1  }
0x40: {  	[bflag:$0x3] =	sbarrier.arrive $0xFFFF  }
0x41: {  	_ =	shalt  }

</sc_bundles>
